<compile_context>
chip_gen: v7x
topology: tpu7x:2x2x1
jax: 0.10.2.dev20260603
libtpu: 0.0.44.dev20260713+nightly
codegen_flags: <defaults>
</compile_context>

<pallas_src>
import functools

import jax
import jax.numpy as jnp
from jax import lax
from jax.experimental import pallas as pl
from jax.experimental.pallas import tpu as pltpu
from jax.experimental.pallas import tpu_sc as plsc

NC, NS = 2, 16
NW = NC * NS
LANES = 16
CHUNK = 125
BM = 2048
ACC_STEP = (CHUNK // 8) * 8


def _sc_mesh():
    return plsc.VectorSubcoreMesh(
        core_axis_name="c", subcore_axis_name="s",
        num_cores=NC, num_subcores=NS)


def _acc_slices(rows_per_sub):
    out = []
    off = 0
    while off < rows_per_sub:
        ln = min(ACC_STEP, rows_per_sub - off)
        out.append((off, ln))
        off += ln
    return out


def _make_deg_kernel(n_acc, n_pad, kd, d):
    rows_per_sub = n_acc // NS
    slices = _acc_slices(rows_per_sub)

    @functools.partial(
        pl.kernel,
        out_type=jax.ShapeDtypeStruct((NC, n_pad, d), jnp.float32),
        mesh=_sc_mesh(),
        scratch_types=[
            pltpu.VMEM((kd, CHUNK), jnp.int32),
            pltpu.VMEM((CHUNK, d), jnp.float32),
            pltpu.VMEM_SHARED((n_acc, d), jnp.float32),
        ],
    )
    def deg_kernel(dst_hbm, out_hbm, idx_v, ones_v, acc_sh):
        cid = lax.axis_index("c")
        sid = lax.axis_index("s")
        w = cid * NS + sid

        @pl.loop(0, CHUNK)
        def _(r):
            @pl.loop(0, d, step=LANES)
            def _(c):
                ones_v[r, pl.ds(c, LANES)] = jnp.zeros((LANES,), jnp.float32)

        for off, ln in slices:
            pltpu.sync_copy(
                ones_v.at[pl.ds(0, ln)],
                acc_sh.at[pl.ds(sid * rows_per_sub + off, ln)])

        @pl.loop(0, CHUNK)
        def _(r):
            @pl.loop(0, d, step=LANES)
            def _(c):
                ones_v[r, pl.ds(c, LANES)] = jnp.full(
                    (LANES,), 1.0, jnp.float32)

        plsc.subcore_barrier()
        pltpu.sync_copy(dst_hbm.at[pl.ds(w * kd, kd)], idx_v)

        @pl.loop(0, kd)
        def _(j):
            pltpu.sync_copy(ones_v, acc_sh.at[idx_v.at[j]], add=True)

        plsc.subcore_barrier()
        for off, ln in slices:
            pltpu.sync_copy(
                acc_sh.at[pl.ds(sid * rows_per_sub + off, ln)],
                out_hbm.at[cid, pl.ds(sid * rows_per_sub + off, ln)])

    return deg_kernel


def _make_agg_kernel(n_acc, n_pad, k0, k1, d):
    rows_per_sub = n_acc // NS
    slices = _acc_slices(rows_per_sub)
    assert k0 % 8 == 0 and k1 % 8 == 0 and rows_per_sub % 8 == 0
    kmax = max(k0, k1)

    @functools.partial(
        pl.kernel,
        out_type=jax.ShapeDtypeStruct((NC, n_pad, d), jnp.float32),
        mesh=_sc_mesh(),
        scratch_types=[
            pltpu.VMEM((kmax, CHUNK), jnp.int32),
            pltpu.VMEM((kmax, CHUNK), jnp.int32),
            pltpu.VMEM((CHUNK, d), jnp.float32),
            pltpu.VMEM((CHUNK, d), jnp.float32),
            pltpu.VMEM_SHARED((n_acc, d), jnp.float32),
            pltpu.SemaphoreType.DMA,
            pltpu.SemaphoreType.DMA,
        ],
    )
    def agg_kernel(table_hbm, src_hbm, dst_hbm, out_hbm,
                   si_v, di_v, rows0_v, rows1_v, acc_sh, semg0, semg1):
        cid = lax.axis_index("c")
        sid = lax.axis_index("s")

        @pl.loop(0, CHUNK)
        def _(r):
            @pl.loop(0, d, step=LANES)
            def _(c):
                rows0_v[r, pl.ds(c, LANES)] = jnp.zeros((LANES,), jnp.float32)

        for off, ln in slices:
            pltpu.sync_copy(
                rows0_v.at[pl.ds(0, ln)],
                acc_sh.at[pl.ds(sid * rows_per_sub + off, ln)])

        plsc.subcore_barrier()

        def run(k, base):
            pltpu.sync_copy(src_hbm.at[pl.ds(base, k)], si_v.at[pl.ds(0, k)])
            pltpu.sync_copy(dst_hbm.at[pl.ds(base, k)], di_v.at[pl.ds(0, k)])
            pltpu.async_copy(table_hbm.at[si_v.at[0]], rows0_v, semg0)

            @pl.loop(0, k, step=2)
            def _(j):
                pltpu.make_async_copy(
                    table_hbm.at[si_v.at[j]], rows0_v, semg0).wait()
                pltpu.async_copy(table_hbm.at[si_v.at[j + 1]], rows1_v, semg1)
                pltpu.sync_copy(rows0_v, acc_sh.at[di_v.at[j]], add=True)
                pltpu.make_async_copy(
                    table_hbm.at[si_v.at[j + 1]], rows1_v, semg1).wait()

                @pl.when(j + 2 < k)
                def _():
                    pltpu.async_copy(
                        table_hbm.at[si_v.at[j + 2]], rows0_v, semg0)

                pltpu.sync_copy(rows1_v, acc_sh.at[di_v.at[j + 1]], add=True)

        if k0 == k1:
            run(k0, (cid * NS + sid) * k0)
        else:
            @pl.when(cid == 0)
            def _():
                run(k0, sid * k0)

            @pl.when(cid == 1)
            def _():
                run(k1, NS * k0 + sid * k1)

        plsc.subcore_barrier()
        for off, ln in slices:
            pltpu.sync_copy(
                acc_sh.at[pl.ds(sid * rows_per_sub + off, ln)],
                out_hbm.at[cid, pl.ds(sid * rows_per_sub + off, ln)])

    return agg_kernel


def _tc_matmul(x, W, n_pad):
    n, d_in = x.shape
    d_o = W.shape[1]

    def body(x_ref, w_ref, o_ref):
        o_ref[...] = jnp.dot(x_ref[...], w_ref[...],
                             preferred_element_type=jnp.float32)

    return pl.pallas_call(
        body,
        grid=(n_pad // BM,),
        in_specs=[pl.BlockSpec((BM, d_in), lambda i: (i, 0)),
                  pl.BlockSpec((d_in, d_o), lambda i: (0, 0))],
        out_specs=pl.BlockSpec((BM, d_o), lambda i: (i, 0)),
        out_shape=jax.ShapeDtypeStruct((n_pad, d_o), jnp.float32),
    )(x, W)


def _tc_scale(h, degc):
    n_pad, d = h.shape

    def body(h_ref, dg_ref, ht_ref, di_ref):
        dinv = lax.rsqrt(dg_ref[0] + dg_ref[1] + 1.0)
        di_ref[...] = dinv
        ht_ref[...] = dinv * h_ref[...]

    return pl.pallas_call(
        body,
        grid=(n_pad // BM,),
        in_specs=[pl.BlockSpec((BM, d), lambda i: (i, 0)),
                  pl.BlockSpec((NC, BM, d), lambda i: (0, i, 0))],
        out_specs=[pl.BlockSpec((BM, d), lambda i: (i, 0)),
                   pl.BlockSpec((BM, d), lambda i: (i, 0))],
        out_shape=[jax.ShapeDtypeStruct((n_pad, d), jnp.float32),
                   jax.ShapeDtypeStruct((n_pad, d), jnp.float32)],
    )(h, degc)


def _tc_mid(agg, ht, dinv, b1):
    n_pad, d = ht.shape

    def body(ag_ref, ht_ref, di_ref, b_ref, o_ref):
        dinv = di_ref[...]
        z = dinv * (ag_ref[0] + ag_ref[1] + ht_ref[...]) + b_ref[...]
        z = jnp.maximum(z, 0.0)
        o_ref[...] = dinv * z

    return pl.pallas_call(
        body,
        grid=(n_pad // BM,),
        in_specs=[pl.BlockSpec((NC, BM, d), lambda i: (0, i, 0)),
                  pl.BlockSpec((BM, d), lambda i: (i, 0)),
                  pl.BlockSpec((BM, d), lambda i: (i, 0)),
                  pl.BlockSpec((1, d), lambda i: (0, 0))],
        out_specs=pl.BlockSpec((BM, d), lambda i: (i, 0)),
        out_shape=jax.ShapeDtypeStruct((n_pad, d), jnp.float32),
    )(agg, ht, dinv, b1)


def _tc_out(agg, ht, dinv, W2, b2, n_out):
    n_pad, d = ht.shape
    d_o = W2.shape[1]

    def body(ag_ref, ht_ref, di_ref, w_ref, b_ref, o_ref):
        pre = di_ref[...] * (ag_ref[0] + ag_ref[1] + ht_ref[...])
        acc = jnp.dot(pre, w_ref[...], preferred_element_type=jnp.float32)
        o_ref[...] = jnp.maximum(acc + b_ref[...], 0.0)

    return pl.pallas_call(
        body,
        grid=(n_pad // BM,),
        in_specs=[pl.BlockSpec((NC, BM, d), lambda i: (0, i, 0)),
                  pl.BlockSpec((BM, d), lambda i: (i, 0)),
                  pl.BlockSpec((BM, d), lambda i: (i, 0)),
                  pl.BlockSpec((d, d_o), lambda i: (0, 0)),
                  pl.BlockSpec((1, d_o), lambda i: (0, 0))],
        out_specs=pl.BlockSpec((BM, d_o), lambda i: (i, 0)),
        out_shape=jax.ShapeDtypeStruct((n_out, d_o), jnp.float32),
    )(agg, ht, dinv, W2, b2)


def kernel(x, edge_index, W1, b1, W2, b2):
    N, d_in = x.shape
    d_hid = W1.shape[1]
    d_out = W2.shape[1]
    E = edge_index.shape[1]

    kt = -(-E // (NS * CHUNK))
    kt = -(-kt // 16) * 16
    k0 = kt // 2
    k1 = kt - k0
    n_chunks = NS * kt
    e_pad = n_chunks * CHUNK
    assert n_chunks % NW == 0
    kd = n_chunks // NW

    n_acc = -(-(N + LANES) // (NS * 8)) * (NS * 8)
    n_pad = -(-max(n_acc, BM) // BM) * BM

    src = edge_index[0].astype(jnp.int32)
    dst = edge_index[1].astype(jnp.int32)
    if e_pad > E:
        fill = N + (jnp.arange(e_pad - E, dtype=jnp.int32) % (n_acc - N))
        src = jnp.concatenate([src, fill])
        dst = jnp.concatenate([dst, fill])
    src_r = src.reshape(n_chunks, CHUNK)
    dst_r = dst.reshape(n_chunks, CHUNK)
    b1r = b1.reshape(1, d_hid)
    b2r = b2.reshape(1, d_out)

    deg_fn = _make_deg_kernel(n_acc, n_pad, kd, d_hid)
    agg_fn = _make_agg_kernel(n_acc, n_pad, k0, k1, d_hid)

    degc = deg_fn(dst_r)
    h1 = _tc_matmul(x, W1, n_pad)
    ht1, dinv = _tc_scale(h1, degc)
    agg1 = agg_fn(ht1, src_r, dst_r)
    htz = _tc_mid(agg1, ht1, dinv, b1r)
    agg2 = agg_fn(htz, src_r, dst_r)
    return _tc_out(agg2, htz, dinv, W2, b2r, N)

# --- scband reference (transcript-rebuilt; emitter-appended) ---
"""Pipeline reference for scband-gnn-35296041239146 (READ-ONLY COPY).

The authoritative reference and input builder live on the scoring server;
editing this copy changes nothing except your own understanding.
"""

import jax, jax.numpy as jnp
import numpy as np


def _gcn_conv(x, src, dst, norm, W, b):
    # GCN conv: out = D^-1/2 (A+I) D^-1/2 (x W) + b
    h = x @ W
    msg = h[src] * norm[:, None]
    out = jax.ops.segment_sum(msg, dst, num_segments=x.shape[0])
    return out + b


def setup_inputs(seed: int = 0) -> dict:
    key = jax.random.key(seed)
    k_x, k_e, k_w1, k_b1, k_w2, k_b2 = jax.random.split(key, 6)
    N, E = 10000, 160000
    d_in, d_hid, d_out = 256, 128, 256
    x = jax.random.normal(k_x, (N, d_in), dtype=jnp.float32)
    edge_index = jax.random.randint(k_e, (2, E), 0, N, dtype=jnp.int64)
    W1 = jax.random.normal(k_w1, (d_in, d_hid), dtype=jnp.float32) * (1.0 / np.sqrt(d_in))
    b1 = jnp.zeros((d_hid,), dtype=jnp.float32)
    W2 = jax.random.normal(k_w2, (d_hid, d_out), dtype=jnp.float32) * (1.0 / np.sqrt(d_hid))
    b2 = jnp.zeros((d_out,), dtype=jnp.float32)
    return {"x": x, "edge_index": edge_index, "W1": W1, "b1": b1, "W2": W2, "b2": b2}


def reference(x, edge_index, W1, b1, W2, b2):
    N = x.shape[0]
    loop = jnp.arange(N, dtype=edge_index.dtype)
    src = jnp.concatenate([edge_index[0], loop])
    dst = jnp.concatenate([edge_index[1], loop])
    deg = jax.ops.segment_sum(jnp.ones_like(dst, dtype=x.dtype), dst, num_segments=N)
    dinv = jnp.where(deg > 0, jax.lax.rsqrt(jnp.maximum(deg, 1e-12)), 0.0)
    norm = dinv[src] * dinv[dst]
    # layer 1 (CachedGCNConv num_features -> 128) + ReLU (dropout is identity at eval)
    h = _gcn_conv(x, src, dst, norm, W1, b1)
    h = jax.nn.relu(h)
    # layer 2 (128 -> encoder_dim) + ReLU
    out = _gcn_conv(h, src, dst, norm, W2, b2)
    out = jax.nn.relu(out)
    return out

if __name__ == "__main__":
    import jax
    _d = setup_inputs()
    print(jax.jit(kernel)(*tuple(_d.values())))

</pallas_src>

<mosaic_0001>
#map = affine_map<(d0, d1) -> (0, 0)>
#map1 = affine_map<(d0, d1) -> (0, 0, 0)>
module attributes {stable_mosaic.version = 14 : i64} {
  func.func @agg_kernel(%arg0: i32, %arg1: i32, %arg2: memref<10240x128xf32, #tpu.memory_space<hbm>>, %arg3: memref<1280x125xi32, #tpu.memory_space<hbm>>, %arg4: memref<1280x125xi32, #tpu.memory_space<hbm>>, %arg5: memref<2x10240x128xf32, #tpu.memory_space<hbm>>, %arg6: memref<40x125xi32, #tpu.memory_space<vmem>>, %arg7: memref<40x125xi32, #tpu.memory_space<vmem>>, %arg8: memref<125x128xf32, #tpu.memory_space<vmem>>, %arg9: memref<125x128xf32, #tpu.memory_space<vmem>>, %arg10: memref<10112x128xf32, #tpu.memory_space<vmem_shared>>, %arg11: memref<!tpu.dma_semaphore, #tpu.memory_space<semaphore_mem>>, %arg12: memref<!tpu.dma_semaphore, #tpu.memory_space<semaphore_mem>>) attributes {dimension_semantics = [#tpu.dimension_semantics<core_parallel>, #tpu.dimension_semantics<subcore_parallel>], iteration_bounds = array<i64: 2, 16>, scalar_prefetch = 0 : i64, scratch_operands = 7 : i64, tpu.core_type = #tpu.core_type<sc_vector_subcore>, window_params = [{transform_indices = #map}, {transform_indices = #map}, {transform_indices = #map}, {transform_indices = #map1}]} {
    %scan3A = arith.constant 0 : i32
    %scan3A_0 = arith.constant 125 : i32
    %scan3A_1 = arith.addi %scan3A, %scan3A_0 : i32
    %scan3A_2 = arith.constant 1 : i32
    scf.for %scan3A_91 = %scan3A to %scan3A_1 step %scan3A_2  : i32 {
      %mul3A_92 = arith.constant 1 : i32
      %mul3A_93 = arith.muli %scan3A_91, %mul3A_92 : i32
      %add3A_94 = arith.constant 0 : i32
      %add3A_95 = arith.addi %add3A_94, %mul3A_93 : i32
      %scan3A_96 = arith.constant 0 : i32
      %scan3A_97 = arith.constant 8 : i32
      %scan3A_98 = arith.addi %scan3A_96, %scan3A_97 : i32
      %scan3A_99 = arith.constant 1 : i32
      scf.for %scan3A_101 = %scan3A_96 to %scan3A_98 step %scan3A_99  : i32 {
        %mul3A_102 = arith.constant 16 : i32
        %mul3A_103 = arith.muli %scan3A_101, %mul3A_102 : i32
        %add3A_104 = arith.constant 0 : i32
        %add3A_105 = arith.addi %add3A_104, %mul3A_103 : i32
        %broadcast_in_dim3A = arith.constant 0.000000e+00 : f32
        %broadcast_in_dim3A_106 = vector.broadcast %broadcast_in_dim3A : f32 to vector<16xf32>
        %swap3A = arith.index_cast %add3A_95 : i32 to index
        %swap3A_107 = arith.index_cast %add3A_105 : i32 to index
        %swap3A_108 = tpu.vector_load %arg8[%swap3A, %swap3A_107] {strides = array<i32>} : memref<125x128xf32, #tpu.memory_space<vmem>>, vector<1x16xf32>,
        %swap3A_109 = vector.shape_cast %swap3A_108 : vector<1x16xf32> to vector<16xf32>
        %swap3A_110 = vector.shape_cast %broadcast_in_dim3A_106 : vector<16xf32> to vector<1x16xf32>
        tpu.vector_store %arg8[%swap3A, %swap3A_107], %swap3A_110 {strides = array<i32>} : memref<125x128xf32, #tpu.memory_space<vmem>>, vector<1x16xf32>,
      }
      %scan3A_100 = arith.constant 8 : i32
    }
    %scan3A_3 = arith.constant 125 : i32
    %mul3A = arith.constant 632 : i32
    %mul3A_4 = arith.muli %arg1, %mul3A : i32
    %add3A = arith.constant 0 : i32
    %add3A_5 = arith.addi %mul3A_4, %add3A : i32
    "tpu.region"() ({
      %run_scoped3A = tpu.sem_alloc : memref<!tpu.dma_semaphore, #tpu.memory_space<semaphore_mem>>
      %dma_start3A_91 = arith.constant 0 : i32
      %dma_start3A_92 = arith.constant 0 : i32
      %dma_start3A_93 = tpu.memref_slice %arg8[%dma_start3A_91, %dma_start3A_92] : memref<125x128xf32, #tpu.memory_space<vmem>> -> memref<120x128xf32, #tpu.memory_space<vmem>>
      %dma_start3A_94 = arith.constant 0 : i32
      %dma_start3A_95 = tpu.memref_slice %arg10[%add3A_5, %dma_start3A_94] : memref<10112x128xf32, #tpu.memory_space<vmem_shared>> -> memref<120x128xf32, #tpu.memory_space<vmem_shared>>
      %dma_start3A_96 = arith.constant 0 : i32
      %dma_start3A_97 = tpu.memref_slice %arg10[%add3A_5, %dma_start3A_96] : memref<10112x128xf32, #tpu.memory_space<vmem_shared>> -> memref<120x128xf32, #tpu.memory_space<vmem_shared>>
      %dma_start3A_98 = arith.constant 0 : i32
      %dma_start3A_99 = arith.constant 0 : i32
      %dma_start3A_100 = tpu.memref_slice %arg8[%dma_start3A_98, %dma_start3A_99] : memref<125x128xf32, #tpu.memory_space<vmem>> -> memref<120x128xf32, #tpu.memory_space<vmem>>
      tpu.enqueue_dma source(%dma_start3A_100 : memref<120x128xf32, #tpu.memory_space<vmem>>) target(%dma_start3A_97 : memref<120x128xf32, #tpu.memory_space<vmem_shared>>) target_semaphore(%run_scoped3A : memref<!tpu.dma_semaphore, #tpu.memory_space<semaphore_mem>>)
      %dma_wait3A = arith.constant 0 : i32
      %dma_wait3A_101 = arith.constant 0 : i32
      %dma_wait3A_102 = tpu.memref_slice %arg8[%dma_wait3A, %dma_wait3A_101] : memref<125x128xf32, #tpu.memory_space<vmem>> -> memref<120x128xf32, #tpu.memory_space<vmem>>
      %dma_wait3A_103 = arith.constant 0 : i32
      %dma_wait3A_104 = tpu.memref_slice %arg10[%add3A_5, %dma_wait3A_103] : memref<10112x128xf32, #tpu.memory_space<vmem_shared>> -> memref<120x128xf32, #tpu.memory_space<vmem_shared>>
      %dma_wait3A_105 = arith.constant 0 : i32
      %dma_wait3A_106 = tpu.memref_slice %arg10[%add3A_5, %dma_wait3A_105] : memref<10112x128xf32, #tpu.memory_space<vmem_shared>> -> memref<120x128xf32, #tpu.memory_space<vmem_shared>>
      %dma_wait3A_107 = arith.constant 0 : i32
      %dma_wait3A_108 = arith.constant 0 : i32
      %dma_wait3A_109 = tpu.memref_slice %arg8[%dma_wait3A_107, %dma_wait3A_108] : memref<125x128xf32, #tpu.memory_space<vmem>> -> memref<120x128xf32, #tpu.memory_space<vmem>>
      tpu.wait_dma2 semaphore(%run_scoped3A : memref<!tpu.dma_semaphore, #tpu.memory_space<semaphore_mem>>) src(%dma_wait3A_109 : memref<120x128xf32, #tpu.memory_space<vmem>>) dst(%dma_wait3A_106 : memref<120x128xf32, #tpu.memory_space<vmem_shared>>)
      tpu.yield
    }) : () -> ()
    %mul3A_6 = arith.constant 632 : i32
    %mul3A_7 = arith.muli %arg1, %mul3A_6 : i32
    %add3A_8 = arith.constant 120 : i32
    %add3A_9 = arith.addi %mul3A_7, %add3A_8 : i32
    "tpu.region"() ({
      %run_scoped3A = tpu.sem_alloc : memref<!tpu.dma_semaphore, #tpu.memory_space<semaphore_mem>>
      %dma_start3A_91 = arith.constant 0 : i32
      %dma_start3A_92 = arith.constant 0 : i32
      %dma_start3A_93 = tpu.memref_slice %arg8[%dma_start3A_91, %dma_start3A_92] : memref<125x128xf32, #tpu.memory_space<vmem>> -> memref<120x128xf32, #tpu.memory_space<vmem>>
      %dma_start3A_94 = arith.constant 0 : i32
      %dma_start3A_95 = tpu.memref_slice %arg10[%add3A_9, %dma_start3A_94] : memref<10112x128xf32, #tpu.memory_space<vmem_shared>> -> memref<120x128xf32, #tpu.memory_space<vmem_shared>>
      %dma_start3A_96 = arith.constant 0 : i32
      %dma_start3A_97 = tpu.memref_slice %arg10[%add3A_9, %dma_start3A_96] : memref<10112x128xf32, #tpu.memory_space<vmem_shared>> -> memref<120x128xf32, #tpu.memory_space<vmem_shared>>
      %dma_start3A_98 = arith.constant 0 : i32
      %dma_start3A_99 = arith.constant 0 : i32
      %dma_start3A_100 = tpu.memref_slice %arg8[%dma_start3A_98, %dma_start3A_99] : memref<125x128xf32, #tpu.memory_space<vmem>> -> memref<120x128xf32, #tpu.memory_space<vmem>>
      tpu.enqueue_dma source(%dma_start3A_100 : memref<120x128xf32, #tpu.memory_space<vmem>>) target(%dma_start3A_97 : memref<120x128xf32, #tpu.memory_space<vmem_shared>>) target_semaphore(%run_scoped3A : memref<!tpu.dma_semaphore, #tpu.memory_space<semaphore_mem>>)
      %dma_wait3A = arith.constant 0 : i32
      %dma_wait3A_101 = arith.constant 0 : i32
      %dma_wait3A_102 = tpu.memref_slice %arg8[%dma_wait3A, %dma_wait3A_101] : memref<125x128xf32, #tpu.memory_space<vmem>> -> memref<120x128xf32, #tpu.memory_space<vmem>>
      %dma_wait3A_103 = arith.constant 0 : i32
      %dma_wait3A_104 = tpu.memref_slice %arg10[%add3A_9, %dma_wait3A_103] : memref<10112x128xf32, #tpu.memory_space<vmem_shared>> -> memref<120x128xf32, #tpu.memory_space<vmem_shared>>
      %dma_wait3A_105 = arith.constant 0 : i32
      %dma_wait3A_106 = tpu.memref_slice %arg10[%add3A_9, %dma_wait3A_105] : memref<10112x128xf32, #tpu.memory_space<vmem_shared>> -> memref<120x128xf32, #tpu.memory_space<vmem_shared>>
      %dma_wait3A_107 = arith.constant 0 : i32
      %dma_wait3A_108 = arith.constant 0 : i32
      %dma_wait3A_109 = tpu.memref_slice %arg8[%dma_wait3A_107, %dma_wait3A_108] : memref<125x128xf32, #tpu.memory_space<vmem>> -> memref<120x128xf32, #tpu.memory_space<vmem>>
      tpu.wait_dma2 semaphore(%run_scoped3A : memref<!tpu.dma_semaphore, #tpu.memory_space<semaphore_mem>>) src(%dma_wait3A_109 : memref<120x128xf32, #tpu.memory_space<vmem>>) dst(%dma_wait3A_106 : memref<120x128xf32, #tpu.memory_space<vmem_shared>>)
      tpu.yield
    }) : () -> ()
    %mul3A_10 = arith.constant 632 : i32
    %mul3A_11 = arith.muli %arg1, %mul3A_10 : i32
    %add3A_12 = arith.constant 240 : i32
    %add3A_13 = arith.addi %mul3A_11, %add3A_12 : i32
    "tpu.region"() ({
      %run_scoped3A = tpu.sem_alloc : memref<!tpu.dma_semaphore, #tpu.memory_space<semaphore_mem>>
      %dma_start3A_91 = arith.constant 0 : i32
      %dma_start3A_92 = arith.constant 0 : i32
      %dma_start3A_93 = tpu.memref_slice %arg8[%dma_start3A_91, %dma_start3A_92] : memref<125x128xf32, #tpu.memory_space<vmem>> -> memref<120x128xf32, #tpu.memory_space<vmem>>
      %dma_start3A_94 = arith.constant 0 : i32
      %dma_start3A_95 = tpu.memref_slice %arg10[%add3A_13, %dma_start3A_94] : memref<10112x128xf32, #tpu.memory_space<vmem_shared>> -> memref<120x128xf32, #tpu.memory_space<vmem_shared>>
      %dma_start3A_96 = arith.constant 0 : i32
      %dma_start3A_97 = tpu.memref_slice %arg10[%add3A_13, %dma_start3A_96] : memref<10112x128xf32, #tpu.memory_space<vmem_shared>> -> memref<120x128xf32, #tpu.memory_space<vmem_shared>>
      %dma_start3A_98 = arith.constant 0 : i32
      %dma_start3A_99 = arith.constant 0 : i32
      %dma_start3A_100 = tpu.memref_slice %arg8[%dma_start3A_98, %dma_start3A_99] : memref<125x128xf32, #tpu.memory_space<vmem>> -> memref<120x128xf32, #tpu.memory_space<vmem>>
      tpu.enqueue_dma source(%dma_start3A_100 : memref<120x128xf32, #tpu.memory_space<vmem>>) target(%dma_start3A_97 : memref<120x128xf32, #tpu.memory_space<vmem_shared>>) target_semaphore(%run_scoped3A : memref<!tpu.dma_semaphore, #tpu.memory_space<semaphore_mem>>)
      %dma_wait3A = arith.constant 0 : i32
      %dma_wait3A_101 = arith.constant 0 : i32
      %dma_wait3A_102 = tpu.memref_slice %arg8[%dma_wait3A, %dma_wait3A_101] : memref<125x128xf32, #tpu.memory_space<vmem>> -> memref<120x128xf32, #tpu.memory_space<vmem>>
      %dma_wait3A_103 = arith.constant 0 : i32
      %dma_wait3A_104 = tpu.memref_slice %arg10[%add3A_13, %dma_wait3A_103] : memref<10112x128xf32, #tpu.memory_space<vmem_shared>> -> memref<120x128xf32, #tpu.memory_space<vmem_shared>>
      %dma_wait3A_105 = arith.constant 0 : i32
      %dma_wait3A_106 = tpu.memref_slice %arg10[%add3A_13, %dma_wait3A_105] : memref<10112x128xf32, #tpu.memory_space<vmem_shared>> -> memref<120x128xf32, #tpu.memory_space<vmem_shared>>
      %dma_wait3A_107 = arith.constant 0 : i32
      %dma_wait3A_108 = arith.constant 0 : i32
      %dma_wait3A_109 = tpu.memref_slice %arg8[%dma_wait3A_107, %dma_wait3A_108] : memref<125x128xf32, #tpu.memory_space<vmem>> -> memref<120x128xf32, #tpu.memory_space<vmem>>
      tpu.wait_dma2 semaphore(%run_scoped3A : memref<!tpu.dma_semaphore, #tpu.memory_space<semaphore_mem>>) src(%dma_wait3A_109 : memref<120x128xf32, #tpu.memory_space<vmem>>) dst(%dma_wait3A_106 : memref<120x128xf32, #tpu.memory_space<vmem_shared>>)
      tpu.yield
    }) : () -> ()
    %mul3A_14 = arith.constant 632 : i32
    %mul3A_15 = arith.muli %arg1, %mul3A_14 : i32
    %add3A_16 = arith.constant 360 : i32
    %add3A_17 = arith.addi %mul3A_15, %add3A_16 : i32
    "tpu.region"() ({
      %run_scoped3A = tpu.sem_alloc : memref<!tpu.dma_semaphore, #tpu.memory_space<semaphore_mem>>
      %dma_start3A_91 = arith.constant 0 : i32
      %dma_start3A_92 = arith.constant 0 : i32
      %dma_start3A_93 = tpu.memref_slice %arg8[%dma_start3A_91, %dma_start3A_92] : memref<125x128xf32, #tpu.memory_space<vmem>> -> memref<120x128xf32, #tpu.memory_space<vmem>>
      %dma_start3A_94 = arith.constant 0 : i32
      %dma_start3A_95 = tpu.memref_slice %arg10[%add3A_17, %dma_start3A_94] : memref<10112x128xf32, #tpu.memory_space<vmem_shared>> -> memref<120x128xf32, #tpu.memory_space<vmem_shared>>
      %dma_start3A_96 = arith.constant 0 : i32
      %dma_start3A_97 = tpu.memref_slice %arg10[%add3A_17, %dma_start3A_96] : memref<10112x128xf32, #tpu.memory_space<vmem_shared>> -> memref<120x128xf32, #tpu.memory_space<vmem_shared>>
      %dma_start3A_98 = arith.constant 0 : i32
      %dma_start3A_99 = arith.constant 0 : i32
      %dma_start3A_100 = tpu.memref_slice %arg8[%dma_start3A_98, %dma_start3A_99] : memref<125x128xf32, #tpu.memory_space<vmem>> -> memref<120x128xf32, #tpu.memory_space<vmem>>
      tpu.enqueue_dma source(%dma_start3A_100 : memref<120x128xf32, #tpu.memory_space<vmem>>) target(%dma_start3A_97 : memref<120x128xf32, #tpu.memory_space<vmem_shared>>) target_semaphore(%run_scoped3A : memref<!tpu.dma_semaphore, #tpu.memory_space<semaphore_mem>>)
      %dma_wait3A = arith.constant 0 : i32
      %dma_wait3A_101 = arith.constant 0 : i32
      %dma_wait3A_102 = tpu.memref_slice %arg8[%dma_wait3A, %dma_wait3A_101] : memref<125x128xf32, #tpu.memory_space<vmem>> -> memref<120x128xf32, #tpu.memory_space<vmem>>
      %dma_wait3A_103 = arith.constant 0 : i32
      %dma_wait3A_104 = tpu.memref_slice %arg10[%add3A_17, %dma_wait3A_103] : memref<10112x128xf32, #tpu.memory_space<vmem_shared>> -> memref<120x128xf32, #tpu.memory_space<vmem_shared>>
      %dma_wait3A_105 = arith.constant 0 : i32
      %dma_wait3A_106 = tpu.memref_slice %arg10[%add3A_17, %dma_wait3A_105] : memref<10112x128xf32, #tpu.memory_space<vmem_shared>> -> memref<120x128xf32, #tpu.memory_space<vmem_shared>>
      %dma_wait3A_107 = arith.constant 0 : i32
      %dma_wait3A_108 = arith.constant 0 : i32
      %dma_wait3A_109 = tpu.memref_slice %arg8[%dma_wait3A_107, %dma_wait3A_108] : memref<125x128xf32, #tpu.memory_space<vmem>> -> memref<120x128xf32, #tpu.memory_space<vmem>>
      tpu.wait_dma2 semaphore(%run_scoped3A : memref<!tpu.dma_semaphore, #tpu.memory_space<semaphore_mem>>) src(%dma_wait3A_109 : memref<120x128xf32, #tpu.memory_space<vmem>>) dst(%dma_wait3A_106 : memref<120x128xf32, #tpu.memory_space<vmem_shared>>)
      tpu.yield
    }) : () -> ()
    %mul3A_18 = arith.constant 632 : i32
    %mul3A_19 = arith.muli %arg1, %mul3A_18 : i32
    %add3A_20 = arith.constant 480 : i32
    %add3A_21 = arith.addi %mul3A_19, %add3A_20 : i32
    "tpu.region"() ({
      %run_scoped3A = tpu.sem_alloc : memref<!tpu.dma_semaphore, #tpu.memory_space<semaphore_mem>>
      %dma_start3A_91 = arith.constant 0 : i32
      %dma_start3A_92 = arith.constant 0 : i32
      %dma_start3A_93 = tpu.memref_slice %arg8[%dma_start3A_91, %dma_start3A_92] : memref<125x128xf32, #tpu.memory_space<vmem>> -> memref<120x128xf32, #tpu.memory_space<vmem>>
      %dma_start3A_94 = arith.constant 0 : i32
      %dma_start3A_95 = tpu.memref_slice %arg10[%add3A_21, %dma_start3A_94] : memref<10112x128xf32, #tpu.memory_space<vmem_shared>> -> memref<120x128xf32, #tpu.memory_space<vmem_shared>>
      %dma_start3A_96 = arith.constant 0 : i32
      %dma_start3A_97 = tpu.memref_slice %arg10[%add3A_21, %dma_start3A_96] : memref<10112x128xf32, #tpu.memory_space<vmem_shared>> -> memref<120x128xf32, #tpu.memory_space<vmem_shared>>
      %dma_start3A_98 = arith.constant 0 : i32
      %dma_start3A_99 = arith.constant 0 : i32
      %dma_start3A_100 = tpu.memref_slice %arg8[%dma_start3A_98, %dma_start3A_99] : memref<125x128xf32, #tpu.memory_space<vmem>> -> memref<120x128xf32, #tpu.memory_space<vmem>>
      tpu.enqueue_dma source(%dma_start3A_100 : memref<120x128xf32, #tpu.memory_space<vmem>>) target(%dma_start3A_97 : memref<120x128xf32, #tpu.memory_space<vmem_shared>>) target_semaphore(%run_scoped3A : memref<!tpu.dma_semaphore, #tpu.memory_space<semaphore_mem>>)
      %dma_wait3A = arith.constant 0 : i32
      %dma_wait3A_101 = arith.constant 0 : i32
      %dma_wait3A_102 = tpu.memref_slice %arg8[%dma_wait3A, %dma_wait3A_101] : memref<125x128xf32, #tpu.memory_space<vmem>> -> memref<120x128xf32, #tpu.memory_space<vmem>>
      %dma_wait3A_103 = arith.constant 0 : i32
      %dma_wait3A_104 = tpu.memref_slice %arg10[%add3A_21, %dma_wait3A_103] : memref<10112x128xf32, #tpu.memory_space<vmem_shared>> -> memref<120x128xf32, #tpu.memory_space<vmem_shared>>
      %dma_wait3A_105 = arith.constant 0 : i32
      %dma_wait3A_106 = tpu.memref_slice %arg10[%add3A_21, %dma_wait3A_105] : memref<10112x128xf32, #tpu.memory_space<vmem_shared>> -> memref<120x128xf32, #tpu.memory_space<vmem_shared>>
      %dma_wait3A_107 = arith.constant 0 : i32
      %dma_wait3A_108 = arith.constant 0 : i32
      %dma_wait3A_109 = tpu.memref_slice %arg8[%dma_wait3A_107, %dma_wait3A_108] : memref<125x128xf32, #tpu.memory_space<vmem>> -> memref<120x128xf32, #tpu.memory_space<vmem>>
      tpu.wait_dma2 semaphore(%run_scoped3A : memref<!tpu.dma_semaphore, #tpu.memory_space<semaphore_mem>>) src(%dma_wait3A_109 : memref<120x128xf32, #tpu.memory_space<vmem>>) dst(%dma_wait3A_106 : memref<120x128xf32, #tpu.memory_space<vmem_shared>>)
      tpu.yield
    }) : () -> ()
    %mul3A_22 = arith.constant 632 : i32
    %mul3A_23 = arith.muli %arg1, %mul3A_22 : i32
    %add3A_24 = arith.constant 600 : i32
    %add3A_25 = arith.addi %mul3A_23, %add3A_24 : i32
    "tpu.region"() ({
      %run_scoped3A = tpu.sem_alloc : memref<!tpu.dma_semaphore, #tpu.memory_space<semaphore_mem>>
      %dma_start3A_91 = arith.constant 0 : i32
      %dma_start3A_92 = arith.constant 0 : i32
      %dma_start3A_93 = tpu.memref_slice %arg8[%dma_start3A_91, %dma_start3A_92] : memref<125x128xf32, #tpu.memory_space<vmem>> -> memref<32x128xf32, #tpu.memory_space<vmem>>
      %dma_start3A_94 = arith.constant 0 : i32
      %dma_start3A_95 = tpu.memref_slice %arg10[%add3A_25, %dma_start3A_94] : memref<10112x128xf32, #tpu.memory_space<vmem_shared>> -> memref<32x128xf32, #tpu.memory_space<vmem_shared>>
      %dma_start3A_96 = arith.constant 0 : i32
      %dma_start3A_97 = tpu.memref_slice %arg10[%add3A_25, %dma_start3A_96] : memref<10112x128xf32, #tpu.memory_space<vmem_shared>> -> memref<32x128xf32, #tpu.memory_space<vmem_shared>>
      %dma_start3A_98 = arith.constant 0 : i32
      %dma_start3A_99 = arith.constant 0 : i32
      %dma_start3A_100 = tpu.memref_slice %arg8[%dma_start3A_98, %dma_start3A_99] : memref<125x128xf32, #tpu.memory_space<vmem>> -> memref<32x128xf32, #tpu.memory_space<vmem>>
      tpu.enqueue_dma source(%dma_start3A_100 : memref<32x128xf32, #tpu.memory_space<vmem>>) target(%dma_start3A_97 : memref<32x128xf32, #tpu.memory_space<vmem_shared>>) target_semaphore(%run_scoped3A : memref<!tpu.dma_semaphore, #tpu.memory_space<semaphore_mem>>)
      %dma_wait3A = arith.constant 0 : i32
      %dma_wait3A_101 = arith.constant 0 : i32
      %dma_wait3A_102 = tpu.memref_slice %arg8[%dma_wait3A, %dma_wait3A_101] : memref<125x128xf32, #tpu.memory_space<vmem>> -> memref<32x128xf32, #tpu.memory_space<vmem>>
      %dma_wait3A_103 = arith.constant 0 : i32
      %dma_wait3A_104 = tpu.memref_slice %arg10[%add3A_25, %dma_wait3A_103] : memref<10112x128xf32, #tpu.memory_space<vmem_shared>> -> memref<32x128xf32, #tpu.memory_space<vmem_shared>>
      %dma_wait3A_105 = arith.constant 0 : i32
      %dma_wait3A_106 = tpu.memref_slice %arg10[%add3A_25, %dma_wait3A_105] : memref<10112x128xf32, #tpu.memory_space<vmem_shared>> -> memref<32x128xf32, #tpu.memory_space<vmem_shared>>
      %dma_wait3A_107 = arith.constant 0 : i32
      %dma_wait3A_108 = arith.constant 0 : i32
      %dma_wait3A_109 = tpu.memref_slice %arg8[%dma_wait3A_107, %dma_wait3A_108] : memref<125x128xf32, #tpu.memory_space<vmem>> -> memref<32x128xf32, #tpu.memory_space<vmem>>
      tpu.wait_dma2 semaphore(%run_scoped3A : memref<!tpu.dma_semaphore, #tpu.memory_space<semaphore_mem>>) src(%dma_wait3A_109 : memref<32x128xf32, #tpu.memory_space<vmem>>) dst(%dma_wait3A_106 : memref<32x128xf32, #tpu.memory_space<vmem_shared>>)
      tpu.yield
    }) : () -> ()
    %barrier3A = arith.constant 0 : index
    tpu.barrier barrier_id(%barrier3A)
    %mul3A_26 = arith.constant 16 : i32
    %mul3A_27 = arith.muli %arg0, %mul3A_26 : i32
    %add3A_28 = arith.addi %mul3A_27, %arg1 : i32
    %mul3A_29 = arith.constant 40 : i32
    %mul3A_30 = arith.muli %add3A_28, %mul3A_29 : i32
    "tpu.region"() ({
      %run_scoped3A = tpu.sem_alloc : memref<!tpu.dma_semaphore, #tpu.memory_space<semaphore_mem>>
      %dma_start3A_91 = arith.constant 0 : i32
      %dma_start3A_92 = arith.constant 0 : i32
      %dma_start3A_93 = tpu.memref_slice %arg6[%dma_start3A_91, %dma_start3A_92] : memref<40x125xi32, #tpu.memory_space<vmem>> -> memref<40x125xi32, #tpu.memory_space<vmem>>
      %dma_start3A_94 = arith.constant 0 : i32
      %dma_start3A_95 = tpu.memref_slice %arg3[%mul3A_30, %dma_start3A_94] : memref<1280x125xi32, #tpu.memory_space<hbm>> -> memref<40x125xi32, #tpu.memory_space<hbm>>
      %dma_start3A_96 = arith.constant 0 : i32
      %dma_start3A_97 = arith.constant 0 : i32
      %dma_start3A_98 = tpu.memref_slice %arg6[%dma_start3A_96, %dma_start3A_97] : memref<40x125xi32, #tpu.memory_space<vmem>> -> memref<40x125xi32, #tpu.memory_space<vmem>>
      %dma_start3A_99 = arith.constant 0 : i32
      %dma_start3A_100 = tpu.memref_slice %arg3[%mul3A_30, %dma_start3A_99] : memref<1280x125xi32, #tpu.memory_space<hbm>> -> memref<40x125xi32, #tpu.memory_space<hbm>>
      tpu.enqueue_dma source(%dma_start3A_100 : memref<40x125xi32, #tpu.memory_space<hbm>>) target(%dma_start3A_98 : memref<40x125xi32, #tpu.memory_space<vmem>>) target_semaphore(%run_scoped3A : memref<!tpu.dma_semaphore, #tpu.memory_space<semaphore_mem>>)
      %dma_wait3A = arith.constant 0 : i32
      %dma_wait3A_101 = arith.constant 0 : i32
      %dma_wait3A_102 = tpu.memref_slice %arg6[%dma_wait3A, %dma_wait3A_101] : memref<40x125xi32, #tpu.memory_space<vmem>> -> memref<40x125xi32, #tpu.memory_space<vmem>>
      %dma_wait3A_103 = arith.constant 0 : i32
      %dma_wait3A_104 = tpu.memref_slice %arg3[%mul3A_30, %dma_wait3A_103] : memref<1280x125xi32, #tpu.memory_space<hbm>> -> memref<40x125xi32, #tpu.memory_space<hbm>>
      %dma_wait3A_105 = arith.constant 0 : i32
      %dma_wait3A_106 = arith.constant 0 : i32
      %dma_wait3A_107 = tpu.memref_slice %arg6[%dma_wait3A_105, %dma_wait3A_106] : memref<40x125xi32, #tpu.memory_space<vmem>> -> memref<40x125xi32, #tpu.memory_space<vmem>>
      %dma_wait3A_108 = arith.constant 0 : i32
      %dma_wait3A_109 = tpu.memref_slice %arg3[%mul3A_30, %dma_wait3A_108] : memref<1280x125xi32, #tpu.memory_space<hbm>> -> memref<40x125xi32, #tpu.memory_space<hbm>>
      tpu.wait_dma2 semaphore(%run_scoped3A : memref<!tpu.dma_semaphore, #tpu.memory_space<semaphore_mem>>) src(%dma_wait3A_109 : memref<40x125xi32, #tpu.memory_space<hbm>>) dst(%dma_wait3A_107 : memref<40x125xi32, #tpu.memory_space<vmem>>)
      tpu.yield
    }) : () -> ()
    "tpu.region"() ({
      %run_scoped3A = tpu.sem_alloc : memref<!tpu.dma_semaphore, #tpu.memory_space<semaphore_mem>>
      %dma_start3A_91 = arith.constant 0 : i32
      %dma_start3A_92 = arith.constant 0 : i32
      %dma_start3A_93 = tpu.memref_slice %arg7[%dma_start3A_91, %dma_start3A_92] : memref<40x125xi32, #tpu.memory_space<vmem>> -> memref<40x125xi32, #tpu.memory_space<vmem>>
      %dma_start3A_94 = arith.constant 0 : i32
      %dma_start3A_95 = tpu.memref_slice %arg4[%mul3A_30, %dma_start3A_94] : memref<1280x125xi32, #tpu.memory_space<hbm>> -> memref<40x125xi32, #tpu.memory_space<hbm>>
      %dma_start3A_96 = arith.constant 0 : i32
      %dma_start3A_97 = arith.constant 0 : i32
      %dma_start3A_98 = tpu.memref_slice %arg7[%dma_start3A_96, %dma_start3A_97] : memref<40x125xi32, #tpu.memory_space<vmem>> -> memref<40x125xi32, #tpu.memory_space<vmem>>
      %dma_start3A_99 = arith.constant 0 : i32
      %dma_start3A_100 = tpu.memref_slice %arg4[%mul3A_30, %dma_start3A_99] : memref<1280x125xi32, #tpu.memory_space<hbm>> -> memref<40x125xi32, #tpu.memory_space<hbm>>
      tpu.enqueue_dma source(%dma_start3A_100 : memref<40x125xi32, #tpu.memory_space<hbm>>) target(%dma_start3A_98 : memref<40x125xi32, #tpu.memory_space<vmem>>) target_semaphore(%run_scoped3A : memref<!tpu.dma_semaphore, #tpu.memory_space<semaphore_mem>>)
      %dma_wait3A = arith.constant 0 : i32
      %dma_wait3A_101 = arith.constant 0 : i32
      %dma_wait3A_102 = tpu.memref_slice %arg7[%dma_wait3A, %dma_wait3A_101] : memref<40x125xi32, #tpu.memory_space<vmem>> -> memref<40x125xi32, #tpu.memory_space<vmem>>
      %dma_wait3A_103 = arith.constant 0 : i32
      %dma_wait3A_104 = tpu.memref_slice %arg4[%mul3A_30, %dma_wait3A_103] : memref<1280x125xi32, #tpu.memory_space<hbm>> -> memref<40x125xi32, #tpu.memory_space<hbm>>
      %dma_wait3A_105 = arith.constant 0 : i32
      %dma_wait3A_106 = arith.constant 0 : i32
      %dma_wait3A_107 = tpu.memref_slice %arg7[%dma_wait3A_105, %dma_wait3A_106] : memref<40x125xi32, #tpu.memory_space<vmem>> -> memref<40x125xi32, #tpu.memory_space<vmem>>
      %dma_wait3A_108 = arith.constant 0 : i32
      %dma_wait3A_109 = tpu.memref_slice %arg4[%mul3A_30, %dma_wait3A_108] : memref<1280x125xi32, #tpu.memory_space<hbm>> -> memref<40x125xi32, #tpu.memory_space<hbm>>
      tpu.wait_dma2 semaphore(%run_scoped3A : memref<!tpu.dma_semaphore, #tpu.memory_space<semaphore_mem>>) src(%dma_wait3A_109 : memref<40x125xi32, #tpu.memory_space<hbm>>) dst(%dma_wait3A_107 : memref<40x125xi32, #tpu.memory_space<vmem>>)
      tpu.yield
    }) : () -> ()
    %dma_start3A = arith.constant 0 : i32
    %dma_start3A_31 = arith.constant 0 : i32
    %dma_start3A_32 = tpu.memref_slice %arg6[%dma_start3A, %dma_start3A_31] : memref<40x125xi32, #tpu.memory_space<vmem>> -> memref<1x125xi32, #tpu.memory_space<vmem>>
    %dma_start3A_33 = tpu.memref_squeeze %dma_start3A_32 : memref<1x125xi32, #tpu.memory_space<vmem>> -> memref<125xi32, #tpu.memory_space<vmem>>
    %dma_start3A_34 = arith.constant 0 : i32
    %dma_start3A_35 = arith.constant 0 : i32
    %dma_start3A_36 = tpu.memref_slice %arg2[%dma_start3A_34, %dma_start3A_35] : memref<10240x128xf32, #tpu.memory_space<hbm>> -> memref<10240x128xf32, #tpu.memory_space<hbm>>
    tpu.enqueue_indirect_dma source(%dma_start3A_36 : memref<10240x128xf32, #tpu.memory_space<hbm>>) target(%arg8 : memref<125x128xf32, #tpu.memory_space<vmem>>) offsets(%dma_start3A_33 : memref<125xi32, #tpu.memory_space<vmem>>) semaphore(%arg11 : memref<!tpu.dma_semaphore, #tpu.memory_space<semaphore_mem>>)
    %scan3A_37 = arith.constant 0 : i32
    %scan3A_38 = arith.constant 20 : i32
    %scan3A_39 = arith.addi %scan3A_37, %scan3A_38 : i32
    %scan3A_40 = arith.constant 1 : i32
    scf.for %scan3A_91 = %scan3A_37 to %scan3A_39 step %scan3A_40  : i32 {
      %mul3A_92 = arith.constant 2 : i32
      %mul3A_93 = arith.muli %scan3A_91, %mul3A_92 : i32
      %add3A_94 = arith.constant 0 : i32
      %add3A_95 = arith.addi %add3A_94, %mul3A_93 : i32
      %dma_wait3A = arith.constant 0 : i32
      %dma_wait3A_96 = tpu.memref_slice %arg6[%add3A_95, %dma_wait3A] : memref<40x125xi32, #tpu.memory_space<vmem>> -> memref<1x125xi32, #tpu.memory_space<vmem>>
      %dma_wait3A_97 = tpu.memref_squeeze %dma_wait3A_96 : memref<1x125xi32, #tpu.memory_space<vmem>> -> memref<125xi32, #tpu.memory_space<vmem>>
      %dma_wait3A_98 = arith.constant 0 : i32
      %dma_wait3A_99 = arith.constant 0 : i32
      %dma_wait3A_100 = tpu.memref_slice %arg2[%dma_wait3A_98, %dma_wait3A_99] : memref<10240x128xf32, #tpu.memory_space<hbm>> -> memref<10240x128xf32, #tpu.memory_space<hbm>>
      tpu.wait_indirect_dma semaphore(%arg11 : memref<!tpu.dma_semaphore, #tpu.memory_space<semaphore_mem>>) src(%dma_wait3A_100 : memref<10240x128xf32, #tpu.memory_space<hbm>>) dst(%arg8 : memref<125x128xf32, #tpu.memory_space<vmem>>)
      %add3A_101 = arith.constant 1 : i32
      %add3A_102 = arith.addi %add3A_95, %add3A_101 : i32
      %dma_start3A_103 = arith.constant 0 : i32
      %dma_start3A_104 = tpu.memref_slice %arg6[%add3A_102, %dma_start3A_103] : memref<40x125xi32, #tpu.memory_space<vmem>> -> memref<1x125xi32, #tpu.memory_space<vmem>>
      %dma_start3A_105 = tpu.memref_squeeze %dma_start3A_104 : memref<1x125xi32, #tpu.memory_space<vmem>> -> memref<125xi32, #tpu.memory_space<vmem>>
      %dma_start3A_106 = arith.constant 0 : i32
      %dma_start3A_107 = arith.constant 0 : i32
      %dma_start3A_108 = tpu.memref_slice %arg2[%dma_start3A_106, %dma_start3A_107] : memref<10240x128xf32, #tpu.memory_space<hbm>> -> memref<10240x128xf32, #tpu.memory_space<hbm>>
      tpu.enqueue_indirect_dma source(%dma_start3A_108 : memref<10240x128xf32, #tpu.memory_space<hbm>>) target(%arg9 : memref<125x128xf32, #tpu.memory_space<vmem>>) offsets(%dma_start3A_105 : memref<125xi32, #tpu.memory_space<vmem>>) semaphore(%arg12 : memref<!tpu.dma_semaphore, #tpu.memory_space<semaphore_mem>>)
      "tpu.region"() ({
        %run_scoped3A = tpu.sem_alloc : memref<!tpu.dma_semaphore, #tpu.memory_space<semaphore_mem>>
        %dma_start3A_123 = arith.constant 0 : i32
        %dma_start3A_124 = tpu.memref_slice %arg7[%add3A_95, %dma_start3A_123] : memref<40x125xi32, #tpu.memory_space<vmem>> -> memref<1x125xi32, #tpu.memory_space<vmem>>
        %dma_start3A_125 = tpu.memref_squeeze %dma_start3A_124 : memref<1x125xi32, #tpu.memory_space<vmem>> -> memref<125xi32, #tpu.memory_space<vmem>>
        %dma_start3A_126 = arith.constant 0 : i32
        %dma_start3A_127 = arith.constant 0 : i32
        %dma_start3A_128 = tpu.memref_slice %arg10[%dma_start3A_126, %dma_start3A_127] : memref<10112x128xf32, #tpu.memory_space<vmem_shared>> -> memref<10112x128xf32, #tpu.memory_space<vmem_shared>>
        tpu.enqueue_indirect_dma source(%arg8 : memref<125x128xf32, #tpu.memory_space<vmem>>) target(%dma_start3A_128 : memref<10112x128xf32, #tpu.memory_space<vmem_shared>>) offsets(%dma_start3A_125 : memref<125xi32, #tpu.memory_space<vmem>>) semaphore(%run_scoped3A : memref<!tpu.dma_semaphore, #tpu.memory_space<semaphore_mem>>) {add = true}
        %dma_wait3A_129 = arith.constant 0 : i32
        %dma_wait3A_130 = tpu.memref_slice %arg7[%add3A_95, %dma_wait3A_129] : memref<40x125xi32, #tpu.memory_space<vmem>> -> memref<1x125xi32, #tpu.memory_space<vmem>>
        %dma_wait3A_131 = tpu.memref_squeeze %dma_wait3A_130 : memref<1x125xi32, #tpu.memory_space<vmem>> -> memref<125xi32, #tpu.memory_space<vmem>>
        %dma_wait3A_132 = arith.constant 0 : i32
        %dma_wait3A_133 = arith.constant 0 : i32
        %dma_wait3A_134 = tpu.memref_slice %arg10[%dma_wait3A_132, %dma_wait3A_133] : memref<10112x128xf32, #tpu.memory_space<vmem_shared>> -> memref<10112x128xf32, #tpu.memory_space<vmem_shared>>
        tpu.wait_indirect_dma semaphore(%run_scoped3A : memref<!tpu.dma_semaphore, #tpu.memory_space<semaphore_mem>>) src(%arg8 : memref<125x128xf32, #tpu.memory_space<vmem>>) dst(%dma_wait3A_134 : memref<10112x128xf32, #tpu.memory_space<vmem_shared>>)
        tpu.yield
      }) : () -> ()
      %add3A_109 = arith.constant 1 : i32
      %add3A_110 = arith.addi %add3A_95, %add3A_109 : i32
      %dma_wait3A_111 = arith.constant 0 : i32
      %dma_wait3A_112 = tpu.memref_slice %arg6[%add3A_110, %dma_wait3A_111] : memref<40x125xi32, #tpu.memory_space<vmem>> -> memref<1x125xi32, #tpu.memory_space<vmem>>
      %dma_wait3A_113 = tpu.memref_squeeze %dma_wait3A_112 : memref<1x125xi32, #tpu.memory_space<vmem>> -> memref<125xi32, #tpu.memory_space<vmem>>
      %dma_wait3A_114 = arith.constant 0 : i32
      %dma_wait3A_115 = arith.constant 0 : i32
      %dma_wait3A_116 = tpu.memref_slice %arg2[%dma_wait3A_114, %dma_wait3A_115] : memref<10240x128xf32, #tpu.memory_space<hbm>> -> memref<10240x128xf32, #tpu.memory_space<hbm>>
      tpu.wait_indirect_dma semaphore(%arg12 : memref<!tpu.dma_semaphore, #tpu.memory_space<semaphore_mem>>) src(%dma_wait3A_116 : memref<10240x128xf32, #tpu.memory_space<hbm>>) dst(%arg9 : memref<125x128xf32, #tpu.memory_space<vmem>>)
      %add3A_117 = arith.constant 2 : i32
      %add3A_118 = arith.addi %add3A_95, %add3A_117 : i32
      %lt3A = arith.constant 40 : i32
      %lt3A_119 = arith.cmpi slt, %add3A_118, %lt3A : i32
      %convert_element_type3A = arith.extui %lt3A_119 : i1 to i32
      %cond3A = arith.constant 0 : i32
      %cond3A_120 = arith.cmpi ne, %convert_element_type3A, %cond3A : i32
      scf.if %cond3A_120 {
        %add3A_123 = arith.constant 2 : i32
        %add3A_124 = arith.addi %add3A_95, %add3A_123 : i32
        %dma_start3A_125 = arith.constant 0 : i32
        %dma_start3A_126 = tpu.memref_slice %arg6[%add3A_124, %dma_start3A_125] : memref<40x125xi32, #tpu.memory_space<vmem>> -> memref<1x125xi32, #tpu.memory_space<vmem>>
        %dma_start3A_127 = tpu.memref_squeeze %dma_start3A_126 : memref<1x125xi32, #tpu.memory_space<vmem>> -> memref<125xi32, #tpu.memory_space<vmem>>
        %dma_start3A_128 = arith.constant 0 : i32
        %dma_start3A_129 = arith.constant 0 : i32
        %dma_start3A_130 = tpu.memref_slice %arg2[%dma_start3A_128, %dma_start3A_129] : memref<10240x128xf32, #tpu.memory_space<hbm>> -> memref<10240x128xf32, #tpu.memory_space<hbm>>
        tpu.enqueue_indirect_dma source(%dma_start3A_130 : memref<10240x128xf32, #tpu.memory_space<hbm>>) target(%arg8 : memref<125x128xf32, #tpu.memory_space<vmem>>) offsets(%dma_start3A_127 : memref<125xi32, #tpu.memory_space<vmem>>) semaphore(%arg11 : memref<!tpu.dma_semaphore, #tpu.memory_space<semaphore_mem>>)
      } else {
      }
      %add3A_121 = arith.constant 1 : i32
      %add3A_122 = arith.addi %add3A_95, %add3A_121 : i32
      "tpu.region"() ({
        %run_scoped3A = tpu.sem_alloc : memref<!tpu.dma_semaphore, #tpu.memory_space<semaphore_mem>>
        %dma_start3A_123 = arith.constant 0 : i32
        %dma_start3A_124 = tpu.memref_slice %arg7[%add3A_122, %dma_start3A_123] : memref<40x125xi32, #tpu.memory_space<vmem>> -> memref<1x125xi32, #tpu.memory_space<vmem>>
        %dma_start3A_125 = tpu.memref_squeeze %dma_start3A_124 : memref<1x125xi32, #tpu.memory_space<vmem>> -> memref<125xi32, #tpu.memory_space<vmem>>
        %dma_start3A_126 = arith.constant 0 : i32
        %dma_start3A_127 = arith.constant 0 : i32
        %dma_start3A_128 = tpu.memref_slice %arg10[%dma_start3A_126, %dma_start3A_127] : memref<10112x128xf32, #tpu.memory_space<vmem_shared>> -> memref<10112x128xf32, #tpu.memory_space<vmem_shared>>
        tpu.enqueue_indirect_dma source(%arg9 : memref<125x128xf32, #tpu.memory_space<vmem>>) target(%dma_start3A_128 : memref<10112x128xf32, #tpu.memory_space<vmem_shared>>) offsets(%dma_start3A_125 : memref<125xi32, #tpu.memory_space<vmem>>) semaphore(%run_scoped3A : memref<!tpu.dma_semaphore, #tpu.memory_space<semaphore_mem>>) {add = true}
        %dma_wait3A_129 = arith.constant 0 : i32
        %dma_wait3A_130 = tpu.memref_slice %arg7[%add3A_122, %dma_wait3A_129] : memref<40x125xi32, #tpu.memory_space<vmem>> -> memref<1x125xi32, #tpu.memory_space<vmem>>
        %dma_wait3A_131 = tpu.memref_squeeze %dma_wait3A_130 : memref<1x125xi32, #tpu.memory_space<vmem>> -> memref<125xi32, #tpu.memory_space<vmem>>
        %dma_wait3A_132 = arith.constant 0 : i32
        %dma_wait3A_133 = arith.constant 0 : i32
        %dma_wait3A_134 = tpu.memref_slice %arg10[%dma_wait3A_132, %dma_wait3A_133] : memref<10112x128xf32, #tpu.memory_space<vmem_shared>> -> memref<10112x128xf32, #tpu.memory_space<vmem_shared>>
        tpu.wait_indirect_dma semaphore(%run_scoped3A : memref<!tpu.dma_semaphore, #tpu.memory_space<semaphore_mem>>) src(%arg9 : memref<125x128xf32, #tpu.memory_space<vmem>>) dst(%dma_wait3A_134 : memref<10112x128xf32, #tpu.memory_space<vmem_shared>>)
        tpu.yield
      }) : () -> ()
    }
    %scan3A_41 = arith.constant 20 : i32
    %barrier3A_42 = arith.constant 0 : index
    tpu.barrier barrier_id(%barrier3A_42)
    %mul3A_43 = arith.constant 632 : i32
    %mul3A_44 = arith.muli %arg1, %mul3A_43 : i32
    %add3A_45 = arith.constant 0 : i32
    %add3A_46 = arith.addi %mul3A_44, %add3A_45 : i32
    %mul3A_47 = arith.constant 632 : i32
    %mul3A_48 = arith.muli %arg1, %mul3A_47 : i32
    %add3A_49 = arith.constant 0 : i32
    %add3A_50 = arith.addi %mul3A_48, %add3A_49 : i32
    "tpu.region"() ({
      %run_scoped3A = tpu.sem_alloc : memref<!tpu.dma_semaphore, #tpu.memory_space<semaphore_mem>>
      %dma_start3A_91 = arith.constant 0 : i32
      %dma_start3A_92 = tpu.memref_slice %arg5[%arg0, %add3A_50, %dma_start3A_91] : memref<2x10240x128xf32, #tpu.memory_space<hbm>> -> memref<1x120x128xf32, #tpu.memory_space<hbm>>
      %dma_start3A_93 = tpu.memref_squeeze %dma_start3A_92 : memref<1x120x128xf32, #tpu.memory_space<hbm>> -> memref<120x128xf32, #tpu.memory_space<hbm>>
      %dma_start3A_94 = arith.constant 0 : i32
      %dma_start3A_95 = tpu.memref_slice %arg10[%add3A_46, %dma_start3A_94] : memref<10112x128xf32, #tpu.memory_space<vmem_shared>> -> memref<120x128xf32, #tpu.memory_space<vmem_shared>>
      tpu.enqueue_dma source(%dma_start3A_95 : memref<120x128xf32, #tpu.memory_space<vmem_shared>>) target(%dma_start3A_93 : memref<120x128xf32, #tpu.memory_space<hbm>>) target_semaphore(%run_scoped3A : memref<!tpu.dma_semaphore, #tpu.memory_space<semaphore_mem>>)
      %dma_wait3A = arith.constant 0 : i32
      %dma_wait3A_96 = tpu.memref_slice %arg5[%arg0, %add3A_50, %dma_wait3A] : memref<2x10240x128xf32, #tpu.memory_space<hbm>> -> memref<1x120x128xf32, #tpu.memory_space<hbm>>
      %dma_wait3A_97 = tpu.memref_squeeze %dma_wait3A_96 : memref<1x120x128xf32, #tpu.memory_space<hbm>> -> memref<120x128xf32, #tpu.memory_space<hbm>>
      %dma_wait3A_98 = arith.constant 0 : i32
      %dma_wait3A_99 = tpu.memref_slice %arg10[%add3A_46, %dma_wait3A_98] : memref<10112x128xf32, #tpu.memory_space<vmem_shared>> -> memref<120x128xf32, #tpu.memory_space<vmem_shared>>
      tpu.wait_dma2 semaphore(%run_scoped3A : memref<!tpu.dma_semaphore, #tpu.memory_space<semaphore_mem>>) src(%dma_wait3A_99 : memref<120x128xf32, #tpu.memory_space<vmem_shared>>) dst(%dma_wait3A_97 : memref<120x128xf32, #tpu.memory_space<hbm>>)
      tpu.yield
    }) : () -> ()
    %mul3A_51 = arith.constant 632 : i32
    %mul3A_52 = arith.muli %arg1, %mul3A_51 : i32
    %add3A_53 = arith.constant 120 : i32
    %add3A_54 = arith.addi %mul3A_52, %add3A_53 : i32
    %mul3A_55 = arith.constant 632 : i32
    %mul3A_56 = arith.muli %arg1, %mul3A_55 : i32
    %add3A_57 = arith.constant 120 : i32
    %add3A_58 = arith.addi %mul3A_56, %add3A_57 : i32
    "tpu.region"() ({
      %run_scoped3A = tpu.sem_alloc : memref<!tpu.dma_semaphore, #tpu.memory_space<semaphore_mem>>
      %dma_start3A_91 = arith.constant 0 : i32
      %dma_start3A_92 = tpu.memref_slice %arg5[%arg0, %add3A_58, %dma_start3A_91] : memref<2x10240x128xf32, #tpu.memory_space<hbm>> -> memref<1x120x128xf32, #tpu.memory_space<hbm>>
      %dma_start3A_93 = tpu.memref_squeeze %dma_start3A_92 : memref<1x120x128xf32, #tpu.memory_space<hbm>> -> memref<120x128xf32, #tpu.memory_space<hbm>>
      %dma_start3A_94 = arith.constant 0 : i32
      %dma_start3A_95 = tpu.memref_slice %arg10[%add3A_54, %dma_start3A_94] : memref<10112x128xf32, #tpu.memory_space<vmem_shared>> -> memref<120x128xf32, #tpu.memory_space<vmem_shared>>
      tpu.enqueue_dma source(%dma_start3A_95 : memref<120x128xf32, #tpu.memory_space<vmem_shared>>) target(%dma_start3A_93 : memref<120x128xf32, #tpu.memory_space<hbm>>) target_semaphore(%run_scoped3A : memref<!tpu.dma_semaphore, #tpu.memory_space<semaphore_mem>>)
      %dma_wait3A = arith.constant 0 : i32
      %dma_wait3A_96 = tpu.memref_slice %arg5[%arg0, %add3A_58, %dma_wait3A] : memref<2x10240x128xf32, #tpu.memory_space<hbm>> -> memref<1x120x128xf32, #tpu.memory_space<hbm>>
      %dma_wait3A_97 = tpu.memref_squeeze %dma_wait3A_96 : memref<1x120x128xf32, #tpu.memory_space<hbm>> -> memref<120x128xf32, #tpu.memory_space<hbm>>
      %dma_wait3A_98 = arith.constant 0 : i32
      %dma_wait3A_99 = tpu.memref_slice %arg10[%add3A_54, %dma_wait3A_98] : memref<10112x128xf32, #tpu.memory_space<vmem_shared>> -> memref<120x128xf32, #tpu.memory_space<vmem_shared>>
      tpu.wait_dma2 semaphore(%run_scoped3A : memref<!tpu.dma_semaphore, #tpu.memory_space<semaphore_mem>>) src(%dma_wait3A_99 : memref<120x128xf32, #tpu.memory_space<vmem_shared>>) dst(%dma_wait3A_97 : memref<120x128xf32, #tpu.memory_space<hbm>>)
      tpu.yield
    }) : () -> ()
    %mul3A_59 = arith.constant 632 : i32
    %mul3A_60 = arith.muli %arg1, %mul3A_59 : i32
    %add3A_61 = arith.constant 240 : i32
    %add3A_62 = arith.addi %mul3A_60, %add3A_61 : i32
    %mul3A_63 = arith.constant 632 : i32
    %mul3A_64 = arith.muli %arg1, %mul3A_63 : i32
    %add3A_65 = arith.constant 240 : i32
    %add3A_66 = arith.addi %mul3A_64, %add3A_65 : i32
    "tpu.region"() ({
      %run_scoped3A = tpu.sem_alloc : memref<!tpu.dma_semaphore, #tpu.memory_space<semaphore_mem>>
      %dma_start3A_91 = arith.constant 0 : i32
      %dma_start3A_92 = tpu.memref_slice %arg5[%arg0, %add3A_66, %dma_start3A_91] : memref<2x10240x128xf32, #tpu.memory_space<hbm>> -> memref<1x120x128xf32, #tpu.memory_space<hbm>>
      %dma_start3A_93 = tpu.memref_squeeze %dma_start3A_92 : memref<1x120x128xf32, #tpu.memory_space<hbm>> -> memref<120x128xf32, #tpu.memory_space<hbm>>
      %dma_start3A_94 = arith.constant 0 : i32
      %dma_start3A_95 = tpu.memref_slice %arg10[%add3A_62, %dma_start3A_94] : memref<10112x128xf32, #tpu.memory_space<vmem_shared>> -> memref<120x128xf32, #tpu.memory_space<vmem_shared>>
      tpu.enqueue_dma source(%dma_start3A_95 : memref<120x128xf32, #tpu.memory_space<vmem_shared>>) target(%dma_start3A_93 : memref<120x128xf32, #tpu.memory_space<hbm>>) target_semaphore(%run_scoped3A : memref<!tpu.dma_semaphore, #tpu.memory_space<semaphore_mem>>)
      %dma_wait3A = arith.constant 0 : i32
      %dma_wait3A_96 = tpu.memref_slice %arg5[%arg0, %add3A_66, %dma_wait3A] : memref<2x10240x128xf32, #tpu.memory_space<hbm>> -> memref<1x120x128xf32, #tpu.memory_space<hbm>>
      %dma_wait3A_97 = tpu.memref_squeeze %dma_wait3A_96 : memref<1x120x128xf32, #tpu.memory_space<hbm>> -> memref<120x128xf32, #tpu.memory_space<hbm>>
      %dma_wait3A_98 = arith.constant 0 : i32
      %dma_wait3A_99 = tpu.memref_slice %arg10[%add3A_62, %dma_wait3A_98] : memref<10112x128xf32, #tpu.memory_space<vmem_shared>> -> memref<120x128xf32, #tpu.memory_space<vmem_shared>>
      tpu.wait_dma2 semaphore(%run_scoped3A : memref<!tpu.dma_semaphore, #tpu.memory_space<semaphore_mem>>) src(%dma_wait3A_99 : memref<120x128xf32, #tpu.memory_space<vmem_shared>>) dst(%dma_wait3A_97 : memref<120x128xf32, #tpu.memory_space<hbm>>)
      tpu.yield
    }) : () -> ()
    %mul3A_67 = arith.constant 632 : i32
    %mul3A_68 = arith.muli %arg1, %mul3A_67 : i32
    %add3A_69 = arith.constant 360 : i32
    %add3A_70 = arith.addi %mul3A_68, %add3A_69 : i32
    %mul3A_71 = arith.constant 632 : i32
    %mul3A_72 = arith.muli %arg1, %mul3A_71 : i32
    %add3A_73 = arith.constant 360 : i32
    %add3A_74 = arith.addi %mul3A_72, %add3A_73 : i32
    "tpu.region"() ({
      %run_scoped3A = tpu.sem_alloc : memref<!tpu.dma_semaphore, #tpu.memory_space<semaphore_mem>>
      %dma_start3A_91 = arith.constant 0 : i32
      %dma_start3A_92 = tpu.memref_slice %arg5[%arg0, %add3A_74, %dma_start3A_91] : memref<2x10240x128xf32, #tpu.memory_space<hbm>> -> memref<1x120x128xf32, #tpu.memory_space<hbm>>
      %dma_start3A_93 = tpu.memref_squeeze %dma_start3A_92 : memref<1x120x128xf32, #tpu.memory_space<hbm>> -> memref<120x128xf32, #tpu.memory_space<hbm>>
      %dma_start3A_94 = arith.constant 0 : i32
      %dma_start3A_95 = tpu.memref_slice %arg10[%add3A_70, %dma_start3A_94] : memref<10112x128xf32, #tpu.memory_space<vmem_shared>> -> memref<120x128xf32, #tpu.memory_space<vmem_shared>>
      tpu.enqueue_dma source(%dma_start3A_95 : memref<120x128xf32, #tpu.memory_space<vmem_shared>>) target(%dma_start3A_93 : memref<120x128xf32, #tpu.memory_space<hbm>>) target_semaphore(%run_scoped3A : memref<!tpu.dma_semaphore, #tpu.memory_space<semaphore_mem>>)
      %dma_wait3A = arith.constant 0 : i32
      %dma_wait3A_96 = tpu.memref_slice %arg5[%arg0, %add3A_74, %dma_wait3A] : memref<2x10240x128xf32, #tpu.memory_space<hbm>> -> memref<1x120x128xf32, #tpu.memory_space<hbm>>
      %dma_wait3A_97 = tpu.memref_squeeze %dma_wait3A_96 : memref<1x120x128xf32, #tpu.memory_space<hbm>> -> memref<120x128xf32, #tpu.memory_space<hbm>>
      %dma_wait3A_98 = arith.constant 0 : i32
      %dma_wait3A_99 = tpu.memref_slice %arg10[%add3A_70, %dma_wait3A_98] : memref<10112x128xf32, #tpu.memory_space<vmem_shared>> -> memref<120x128xf32, #tpu.memory_space<vmem_shared>>
      tpu.wait_dma2 semaphore(%run_scoped3A : memref<!tpu.dma_semaphore, #tpu.memory_space<semaphore_mem>>) src(%dma_wait3A_99 : memref<120x128xf32, #tpu.memory_space<vmem_shared>>) dst(%dma_wait3A_97 : memref<120x128xf32, #tpu.memory_space<hbm>>)
      tpu.yield
    }) : () -> ()
    %mul3A_75 = arith.constant 632 : i32
    %mul3A_76 = arith.muli %arg1, %mul3A_75 : i32
    %add3A_77 = arith.constant 480 : i32
    %add3A_78 = arith.addi %mul3A_76, %add3A_77 : i32
    %mul3A_79 = arith.constant 632 : i32
    %mul3A_80 = arith.muli %arg1, %mul3A_79 : i32
    %add3A_81 = arith.constant 480 : i32
    %add3A_82 = arith.addi %mul3A_80, %add3A_81 : i32
    "tpu.region"() ({
      %run_scoped3A = tpu.sem_alloc : memref<!tpu.dma_semaphore, #tpu.memory_space<semaphore_mem>>
      %dma_start3A_91 = arith.constant 0 : i32
      %dma_start3A_92 = tpu.memref_slice %arg5[%arg0, %add3A_82, %dma_start3A_91] : memref<2x10240x128xf32, #tpu.memory_space<hbm>> -> memref<1x120x128xf32, #tpu.memory_space<hbm>>
      %dma_start3A_93 = tpu.memref_squeeze %dma_start3A_92 : memref<1x120x128xf32, #tpu.memory_space<hbm>> -> memref<120x128xf32, #tpu.memory_space<hbm>>
      %dma_start3A_94 = arith.constant 0 : i32
      %dma_start3A_95 = tpu.memref_slice %arg10[%add3A_78, %dma_start3A_94] : memref<10112x128xf32, #tpu.memory_space<vmem_shared>> -> memref<120x128xf32, #tpu.memory_space<vmem_shared>>
      tpu.enqueue_dma source(%dma_start3A_95 : memref<120x128xf32, #tpu.memory_space<vmem_shared>>) target(%dma_start3A_93 : memref<120x128xf32, #tpu.memory_space<hbm>>) target_semaphore(%run_scoped3A : memref<!tpu.dma_semaphore, #tpu.memory_space<semaphore_mem>>)
      %dma_wait3A = arith.constant 0 : i32
      %dma_wait3A_96 = tpu.memref_slice %arg5[%arg0, %add3A_82, %dma_wait3A] : memref<2x10240x128xf32, #tpu.memory_space<hbm>> -> memref<1x120x128xf32, #tpu.memory_space<hbm>>
      %dma_wait3A_97 = tpu.memref_squeeze %dma_wait3A_96 : memref<1x120x128xf32, #tpu.memory_space<hbm>> -> memref<120x128xf32, #tpu.memory_space<hbm>>
      %dma_wait3A_98 = arith.constant 0 : i32
      %dma_wait3A_99 = tpu.memref_slice %arg10[%add3A_78, %dma_wait3A_98] : memref<10112x128xf32, #tpu.memory_space<vmem_shared>> -> memref<120x128xf32, #tpu.memory_space<vmem_shared>>
      tpu.wait_dma2 semaphore(%run_scoped3A : memref<!tpu.dma_semaphore, #tpu.memory_space<semaphore_mem>>) src(%dma_wait3A_99 : memref<120x128xf32, #tpu.memory_space<vmem_shared>>) dst(%dma_wait3A_97 : memref<120x128xf32, #tpu.memory_space<hbm>>)
      tpu.yield
    }) : () -> ()
    %mul3A_83 = arith.constant 632 : i32
    %mul3A_84 = arith.muli %arg1, %mul3A_83 : i32
    %add3A_85 = arith.constant 600 : i32
    %add3A_86 = arith.addi %mul3A_84, %add3A_85 : i32
    %mul3A_87 = arith.constant 632 : i32
    %mul3A_88 = arith.muli %arg1, %mul3A_87 : i32
    %add3A_89 = arith.constant 600 : i32
    %add3A_90 = arith.addi %mul3A_88, %add3A_89 : i32
    "tpu.region"() ({
      %run_scoped3A = tpu.sem_alloc : memref<!tpu.dma_semaphore, #tpu.memory_space<semaphore_mem>>
      %dma_start3A_91 = arith.constant 0 : i32
      %dma_start3A_92 = tpu.memref_slice %arg5[%arg0, %add3A_90, %dma_start3A_91] : memref<2x10240x128xf32, #tpu.memory_space<hbm>> -> memref<1x32x128xf32, #tpu.memory_space<hbm>>
      %dma_start3A_93 = tpu.memref_squeeze %dma_start3A_92 : memref<1x32x128xf32, #tpu.memory_space<hbm>> -> memref<32x128xf32, #tpu.memory_space<hbm>>
      %dma_start3A_94 = arith.constant 0 : i32
      %dma_start3A_95 = tpu.memref_slice %arg10[%add3A_86, %dma_start3A_94] : memref<10112x128xf32, #tpu.memory_space<vmem_shared>> -> memref<32x128xf32, #tpu.memory_space<vmem_shared>>
      tpu.enqueue_dma source(%dma_start3A_95 : memref<32x128xf32, #tpu.memory_space<vmem_shared>>) target(%dma_start3A_93 : memref<32x128xf32, #tpu.memory_space<hbm>>) target_semaphore(%run_scoped3A : memref<!tpu.dma_semaphore, #tpu.memory_space<semaphore_mem>>)
      %dma_wait3A = arith.constant 0 : i32
      %dma_wait3A_96 = tpu.memref_slice %arg5[%arg0, %add3A_90, %dma_wait3A] : memref<2x10240x128xf32, #tpu.memory_space<hbm>> -> memref<1x32x128xf32, #tpu.memory_space<hbm>>
      %dma_wait3A_97 = tpu.memref_squeeze %dma_wait3A_96 : memref<1x32x128xf32, #tpu.memory_space<hbm>> -> memref<32x128xf32, #tpu.memory_space<hbm>>
      %dma_wait3A_98 = arith.constant 0 : i32
      %dma_wait3A_99 = tpu.memref_slice %arg10[%add3A_86, %dma_wait3A_98] : memref<10112x128xf32, #tpu.memory_space<vmem_shared>> -> memref<32x128xf32, #tpu.memory_space<vmem_shared>>
      tpu.wait_dma2 semaphore(%run_scoped3A : memref<!tpu.dma_semaphore, #tpu.memory_space<semaphore_mem>>) src(%dma_wait3A_99 : memref<32x128xf32, #tpu.memory_space<vmem_shared>>) dst(%dma_wait3A_97 : memref<32x128xf32, #tpu.memory_space<hbm>>)
      tpu.yield
    }) : () -> ()
    return
  }
}

#map = affine_map<(d0, d1) -> (0, 0)>
#map1 = affine_map<(d0, d1) -> (0, 0, 0)>
module attributes {stable_mosaic.version = 14 : i64} {
  func.func @agg_kernel(%arg0: i32, %arg1: i32, %arg2: memref<10240x128xf32, #tpu.memory_space<hbm>>, %arg3: memref<1280x125xi32, #tpu.memory_space<hbm>>, %arg4: memref<1280x125xi32, #tpu.memory_space<hbm>>, %arg5: memref<2x10240x128xf32, #tpu.memory_space<hbm>>, %arg6: memref<40x125xi32, #tpu.memory_space<vmem>>, %arg7: memref<40x125xi32, #tpu.memory_space<vmem>>, %arg8: memref<125x128xf32, #tpu.memory_space<vmem>>, %arg9: memref<125x128xf32, #tpu.memory_space<vmem>>, %arg10: memref<10112x128xf32, #tpu.memory_space<vmem_shared>>, %arg11: memref<!tpu.dma_semaphore, #tpu.memory_space<semaphore_mem>>, %arg12: memref<!tpu.dma_semaphore, #tpu.memory_space<semaphore_mem>>) attributes {dimension_semantics = [#tpu.dimension_semantics<core_parallel>, #tpu.dimension_semantics<subcore_parallel>], iteration_bounds = array<i64: 2, 16>, scalar_prefetch = 0 : i64, scratch_operands = 7 : i64, tpu.core_type = #tpu.core_type<sc_vector_subcore>, window_params = [{transform_indices = #map}, {transform_indices = #map}, {transform_indices = #map}, {transform_indices = #map1}]} {
    %scan3A = arith.constant 0 : i32
    %scan3A_0 = arith.constant 125 : i32
    %scan3A_1 = arith.addi %scan3A, %scan3A_0 : i32
    %scan3A_2 = arith.constant 1 : i32
    scf.for %scan3A_91 = %scan3A to %scan3A_1 step %scan3A_2  : i32 {
      %mul3A_92 = arith.constant 1 : i32
      %mul3A_93 = arith.muli %scan3A_91, %mul3A_92 : i32
      %add3A_94 = arith.constant 0 : i32
      %add3A_95 = arith.addi %add3A_94, %mul3A_93 : i32
      %scan3A_96 = arith.constant 0 : i32
      %scan3A_97 = arith.constant 8 : i32
      %scan3A_98 = arith.addi %scan3A_96, %scan3A_97 : i32
      %scan3A_99 = arith.constant 1 : i32
      scf.for %scan3A_101 = %scan3A_96 to %scan3A_98 step %scan3A_99  : i32 {
        %mul3A_102 = arith.constant 16 : i32
        %mul3A_103 = arith.muli %scan3A_101, %mul3A_102 : i32
        %add3A_104 = arith.constant 0 : i32
        %add3A_105 = arith.addi %add3A_104, %mul3A_103 : i32
        %broadcast_in_dim3A = arith.constant 0.000000e+00 : f32
        %broadcast_in_dim3A_106 = vector.broadcast %broadcast_in_dim3A : f32 to vector<16xf32>
        %swap3A = arith.index_cast %add3A_95 : i32 to index
        %swap3A_107 = arith.index_cast %add3A_105 : i32 to index
        %swap3A_108 = tpu.vector_load %arg8[%swap3A, %swap3A_107] {strides = array<i32>} : memref<125x128xf32, #tpu.memory_space<vmem>>, vector<1x16xf32>,
        %swap3A_109 = vector.shape_cast %swap3A_108 : vector<1x16xf32> to vector<16xf32>
        %swap3A_110 = vector.shape_cast %broadcast_in_dim3A_106 : vector<16xf32> to vector<1x16xf32>
        tpu.vector_store %arg8[%swap3A, %swap3A_107], %swap3A_110 {strides = array<i32>} : memref<125x128xf32, #tpu.memory_space<vmem>>, vector<1x16xf32>,
      }
      %scan3A_100 = arith.constant 8 : i32
    }
    %scan3A_3 = arith.constant 125 : i32
    %mul3A = arith.constant 632 : i32
    %mul3A_4 = arith.muli %arg1, %mul3A : i32
    %add3A = arith.constant 0 : i32
    %add3A_5 = arith.addi %mul3A_4, %add3A : i32
    "tpu.region"() ({
      %run_scoped3A = tpu.sem_alloc : memref<!tpu.dma_semaphore, #tpu.memory_space<semaphore_mem>>
      %dma_start3A_91 = arith.constant 0 : i32
      %dma_start3A_92 = arith.constant 0 : i32
      %dma_start3A_93 = tpu.memref_slice %arg8[%dma_start3A_91, %dma_start3A_92] : memref<125x128xf32, #tpu.memory_space<vmem>> -> memref<120x128xf32, #tpu.memory_space<vmem>>
      %dma_start3A_94 = arith.constant 0 : i32
      %dma_start3A_95 = tpu.memref_slice %arg10[%add3A_5, %dma_start3A_94] : memref<10112x128xf32, #tpu.memory_space<vmem_shared>> -> memref<120x128xf32, #tpu.memory_space<vmem_shared>>
      %dma_start3A_96 = arith.constant 0 : i32
      %dma_start3A_97 = tpu.memref_slice %arg10[%add3A_5, %dma_start3A_96] : memref<10112x128xf32, #tpu.memory_space<vmem_shared>> -> memref<120x128xf32, #tpu.memory_space<vmem_shared>>
      %dma_start3A_98 = arith.constant 0 : i32
      %dma_start3A_99 = arith.constant 0 : i32
      %dma_start3A_100 = tpu.memref_slice %arg8[%dma_start3A_98, %dma_start3A_99] : memref<125x128xf32, #tpu.memory_space<vmem>> -> memref<120x128xf32, #tpu.memory_space<vmem>>
      tpu.enqueue_dma source(%dma_start3A_100 : memref<120x128xf32, #tpu.memory_space<vmem>>) target(%dma_start3A_97 : memref<120x128xf32, #tpu.memory_space<vmem_shared>>) target_semaphore(%run_scoped3A : memref<!tpu.dma_semaphore, #tpu.memory_space<semaphore_mem>>)
      %dma_wait3A = arith.constant 0 : i32
      %dma_wait3A_101 = arith.constant 0 : i32
      %dma_wait3A_102 = tpu.memref_slice %arg8[%dma_wait3A, %dma_wait3A_101] : memref<125x128xf32, #tpu.memory_space<vmem>> -> memref<120x128xf32, #tpu.memory_space<vmem>>
      %dma_wait3A_103 = arith.constant 0 : i32
      %dma_wait3A_104 = tpu.memref_slice %arg10[%add3A_5, %dma_wait3A_103] : memref<10112x128xf32, #tpu.memory_space<vmem_shared>> -> memref<120x128xf32, #tpu.memory_space<vmem_shared>>
      %dma_wait3A_105 = arith.constant 0 : i32
      %dma_wait3A_106 = tpu.memref_slice %arg10[%add3A_5, %dma_wait3A_105] : memref<10112x128xf32, #tpu.memory_space<vmem_shared>> -> memref<120x128xf32, #tpu.memory_space<vmem_shared>>
      %dma_wait3A_107 = arith.constant 0 : i32
      %dma_wait3A_108 = arith.constant 0 : i32
      %dma_wait3A_109 = tpu.memref_slice %arg8[%dma_wait3A_107, %dma_wait3A_108] : memref<125x128xf32, #tpu.memory_space<vmem>> -> memref<120x128xf32, #tpu.memory_space<vmem>>
      tpu.wait_dma2 semaphore(%run_scoped3A : memref<!tpu.dma_semaphore, #tpu.memory_space<semaphore_mem>>) src(%dma_wait3A_109 : memref<120x128xf32, #tpu.memory_space<vmem>>) dst(%dma_wait3A_106 : memref<120x128xf32, #tpu.memory_space<vmem_shared>>)
      tpu.yield
    }) : () -> ()
    %mul3A_6 = arith.constant 632 : i32
    %mul3A_7 = arith.muli %arg1, %mul3A_6 : i32
    %add3A_8 = arith.constant 120 : i32
    %add3A_9 = arith.addi %mul3A_7, %add3A_8 : i32
    "tpu.region"() ({
      %run_scoped3A = tpu.sem_alloc : memref<!tpu.dma_semaphore, #tpu.memory_space<semaphore_mem>>
      %dma_start3A_91 = arith.constant 0 : i32
      %dma_start3A_92 = arith.constant 0 : i32
      %dma_start3A_93 = tpu.memref_slice %arg8[%dma_start3A_91, %dma_start3A_92] : memref<125x128xf32, #tpu.memory_space<vmem>> -> memref<120x128xf32, #tpu.memory_space<vmem>>
      %dma_start3A_94 = arith.constant 0 : i32
      %dma_start3A_95 = tpu.memref_slice %arg10[%add3A_9, %dma_start3A_94] : memref<10112x128xf32, #tpu.memory_space<vmem_shared>> -> memref<120x128xf32, #tpu.memory_space<vmem_shared>>
      %dma_start3A_96 = arith.constant 0 : i32
      %dma_start3A_97 = tpu.memref_slice %arg10[%add3A_9, %dma_start3A_96] : memref<10112x128xf32, #tpu.memory_space<vmem_shared>> -> memref<120x128xf32, #tpu.memory_space<vmem_shared>>
      %dma_start3A_98 = arith.constant 0 : i32
      %dma_start3A_99 = arith.constant 0 : i32
      %dma_start3A_100 = tpu.memref_slice %arg8[%dma_start3A_98, %dma_start3A_99] : memref<125x128xf32, #tpu.memory_space<vmem>> -> memref<120x128xf32, #tpu.memory_space<vmem>>
      tpu.enqueue_dma source(%dma_start3A_100 : memref<120x128xf32, #tpu.memory_space<vmem>>) target(%dma_start3A_97 : memref<120x128xf32, #tpu.memory_space<vmem_shared>>) target_semaphore(%run_scoped3A : memref<!tpu.dma_semaphore, #tpu.memory_space<semaphore_mem>>)
      %dma_wait3A = arith.constant 0 : i32
      %dma_wait3A_101 = arith.constant 0 : i32
      %dma_wait3A_102 = tpu.memref_slice %arg8[%dma_wait3A, %dma_wait3A_101] : memref<125x128xf32, #tpu.memory_space<vmem>> -> memref<120x128xf32, #tpu.memory_space<vmem>>
      %dma_wait3A_103 = arith.constant 0 : i32
      %dma_wait3A_104 = tpu.memref_slice %arg10[%add3A_9, %dma_wait3A_103] : memref<10112x128xf32, #tpu.memory_space<vmem_shared>> -> memref<120x128xf32, #tpu.memory_space<vmem_shared>>
      %dma_wait3A_105 = arith.constant 0 : i32
      %dma_wait3A_106 = tpu.memref_slice %arg10[%add3A_9, %dma_wait3A_105] : memref<10112x128xf32, #tpu.memory_space<vmem_shared>> -> memref<120x128xf32, #tpu.memory_space<vmem_shared>>
      %dma_wait3A_107 = arith.constant 0 : i32
      %dma_wait3A_108 = arith.constant 0 : i32
      %dma_wait3A_109 = tpu.memref_slice %arg8[%dma_wait3A_107, %dma_wait3A_108] : memref<125x128xf32, #tpu.memory_space<vmem>> -> memref<120x128xf32, #tpu.memory_space<vmem>>
      tpu.wait_dma2 semaphore(%run_scoped3A : memref<!tpu.dma_semaphore, #tpu.memory_space<semaphore_mem>>) src(%dma_wait3A_109 : memref<120x128xf32, #tpu.memory_space<vmem>>) dst(%dma_wait3A_106 : memref<120x128xf32, #tpu.memory_space<vmem_shared>>)
      tpu.yield
    }) : () -> ()
    %mul3A_10 = arith.constant 632 : i32
    %mul3A_11 = arith.muli %arg1, %mul3A_10 : i32
    %add3A_12 = arith.constant 240 : i32
    %add3A_13 = arith.addi %mul3A_11, %add3A_12 : i32
    "tpu.region"() ({
      %run_scoped3A = tpu.sem_alloc : memref<!tpu.dma_semaphore, #tpu.memory_space<semaphore_mem>>
      %dma_start3A_91 = arith.constant 0 : i32
      %dma_start3A_92 = arith.constant 0 : i32
      %dma_start3A_93 = tpu.memref_slice %arg8[%dma_start3A_91, %dma_start3A_92] : memref<125x128xf32, #tpu.memory_space<vmem>> -> memref<120x128xf32, #tpu.memory_space<vmem>>
      %dma_start3A_94 = arith.constant 0 : i32
      %dma_start3A_95 = tpu.memref_slice %arg10[%add3A_13, %dma_start3A_94] : memref<10112x128xf32, #tpu.memory_space<vmem_shared>> -> memref<120x128xf32, #tpu.memory_space<vmem_shared>>
      %dma_start3A_96 = arith.constant 0 : i32
      %dma_start3A_97 = tpu.memref_slice %arg10[%add3A_13, %dma_start3A_96] : memref<10112x128xf32, #tpu.memory_space<vmem_shared>> -> memref<120x128xf32, #tpu.memory_space<vmem_shared>>
      %dma_start3A_98 = arith.constant 0 : i32
      %dma_start3A_99 = arith.constant 0 : i32
      %dma_start3A_100 = tpu.memref_slice %arg8[%dma_start3A_98, %dma_start3A_99] : memref<125x128xf32, #tpu.memory_space<vmem>> -> memref<120x128xf32, #tpu.memory_space<vmem>>
      tpu.enqueue_dma source(%dma_start3A_100 : memref<120x128xf32, #tpu.memory_space<vmem>>) target(%dma_start3A_97 : memref<120x128xf32, #tpu.memory_space<vmem_shared>>) target_semaphore(%run_scoped3A : memref<!tpu.dma_semaphore, #tpu.memory_space<semaphore_mem>>)
      %dma_wait3A = arith.constant 0 : i32
      %dma_wait3A_101 = arith.constant 0 : i32
      %dma_wait3A_102 = tpu.memref_slice %arg8[%dma_wait3A, %dma_wait3A_101] : memref<125x128xf32, #tpu.memory_space<vmem>> -> memref<120x128xf32, #tpu.memory_space<vmem>>
      %dma_wait3A_103 = arith.constant 0 : i32
      %dma_wait3A_104 = tpu.memref_slice %arg10[%add3A_13, %dma_wait3A_103] : memref<10112x128xf32, #tpu.memory_space<vmem_shared>> -> memref<120x128xf32, #tpu.memory_space<vmem_shared>>
      %dma_wait3A_105 = arith.constant 0 : i32
      %dma_wait3A_106 = tpu.memref_slice %arg10[%add3A_13, %dma_wait3A_105] : memref<10112x128xf32, #tpu.memory_space<vmem_shared>> -> memref<120x128xf32, #tpu.memory_space<vmem_shared>>
      %dma_wait3A_107 = arith.constant 0 : i32
      %dma_wait3A_108 = arith.constant 0 : i32
      %dma_wait3A_109 = tpu.memref_slice %arg8[%dma_wait3A_107, %dma_wait3A_108] : memref<125x128xf32, #tpu.memory_space<vmem>> -> memref<120x128xf32, #tpu.memory_space<vmem>>
      tpu.wait_dma2 semaphore(%run_scoped3A : memref<!tpu.dma_semaphore, #tpu.memory_space<semaphore_mem>>) src(%dma_wait3A_109 : memref<120x128xf32, #tpu.memory_space<vmem>>) dst(%dma_wait3A_106 : memref<120x128xf32, #tpu.memory_space<vmem_shared>>)
      tpu.yield
    }) : () -> ()
    %mul3A_14 = arith.constant 632 : i32
    %mul3A_15 = arith.muli %arg1, %mul3A_14 : i32
    %add3A_16 = arith.constant 360 : i32
    %add3A_17 = arith.addi %mul3A_15, %add3A_16 : i32
    "tpu.region"() ({
      %run_scoped3A = tpu.sem_alloc : memref<!tpu.dma_semaphore, #tpu.memory_space<semaphore_mem>>
      %dma_start3A_91 = arith.constant 0 : i32
      %dma_start3A_92 = arith.constant 0 : i32
      %dma_start3A_93 = tpu.memref_slice %arg8[%dma_start3A_91, %dma_start3A_92] : memref<125x128xf32, #tpu.memory_space<vmem>> -> memref<120x128xf32, #tpu.memory_space<vmem>>
      %dma_start3A_94 = arith.constant 0 : i32
      %dma_start3A_95 = tpu.memref_slice %arg10[%add3A_17, %dma_start3A_94] : memref<10112x128xf32, #tpu.memory_space<vmem_shared>> -> memref<120x128xf32, #tpu.memory_space<vmem_shared>>
      %dma_start3A_96 = arith.constant 0 : i32
      %dma_start3A_97 = tpu.memref_slice %arg10[%add3A_17, %dma_start3A_96] : memref<10112x128xf32, #tpu.memory_space<vmem_shared>> -> memref<120x128xf32, #tpu.memory_space<vmem_shared>>
      %dma_start3A_98 = arith.constant 0 : i32
      %dma_start3A_99 = arith.constant 0 : i32
      %dma_start3A_100 = tpu.memref_slice %arg8[%dma_start3A_98, %dma_start3A_99] : memref<125x128xf32, #tpu.memory_space<vmem>> -> memref<120x128xf32, #tpu.memory_space<vmem>>
      tpu.enqueue_dma source(%dma_start3A_100 : memref<120x128xf32, #tpu.memory_space<vmem>>) target(%dma_start3A_97 : memref<120x128xf32, #tpu.memory_space<vmem_shared>>) target_semaphore(%run_scoped3A : memref<!tpu.dma_semaphore, #tpu.memory_space<semaphore_mem>>)
      %dma_wait3A = arith.constant 0 : i32
      %dma_wait3A_101 = arith.constant 0 : i32
      %dma_wait3A_102 = tpu.memref_slice %arg8[%dma_wait3A, %dma_wait3A_101] : memref<125x128xf32, #tpu.memory_space<vmem>> -> memref<120x128xf32, #tpu.memory_space<vmem>>
      %dma_wait3A_103 = arith.constant 0 : i32
      %dma_wait3A_104 = tpu.memref_slice %arg10[%add3A_17, %dma_wait3A_103] : memref<10112x128xf32, #tpu.memory_space<vmem_shared>> -> memref<120x128xf32, #tpu.memory_space<vmem_shared>>
      %dma_wait3A_105 = arith.constant 0 : i32
      %dma_wait3A_106 = tpu.memref_slice %arg10[%add3A_17, %dma_wait3A_105] : memref<10112x128xf32, #tpu.memory_space<vmem_shared>> -> memref<120x128xf32, #tpu.memory_space<vmem_shared>>
      %dma_wait3A_107 = arith.constant 0 : i32
      %dma_wait3A_108 = arith.constant 0 : i32
      %dma_wait3A_109 = tpu.memref_slice %arg8[%dma_wait3A_107, %dma_wait3A_108] : memref<125x128xf32, #tpu.memory_space<vmem>> -> memref<120x128xf32, #tpu.memory_space<vmem>>
      tpu.wait_dma2 semaphore(%run_scoped3A : memref<!tpu.dma_semaphore, #tpu.memory_space<semaphore_mem>>) src(%dma_wait3A_109 : memref<120x128xf32, #tpu.memory_space<vmem>>) dst(%dma_wait3A_106 : memref<120x128xf32, #tpu.memory_space<vmem_shared>>)
      tpu.yield
    }) : () -> ()
    %mul3A_18 = arith.constant 632 : i32
    %mul3A_19 = arith.muli %arg1, %mul3A_18 : i32
    %add3A_20 = arith.constant 480 : i32
    %add3A_21 = arith.addi %mul3A_19, %add3A_20 : i32
    "tpu.region"() ({
      %run_scoped3A = tpu.sem_alloc : memref<!tpu.dma_semaphore, #tpu.memory_space<semaphore_mem>>
      %dma_start3A_91 = arith.constant 0 : i32
      %dma_start3A_92 = arith.constant 0 : i32
      %dma_start3A_93 = tpu.memref_slice %arg8[%dma_start3A_91, %dma_start3A_92] : memref<125x128xf32, #tpu.memory_space<vmem>> -> memref<120x128xf32, #tpu.memory_space<vmem>>
      %dma_start3A_94 = arith.constant 0 : i32
      %dma_start3A_95 = tpu.memref_slice %arg10[%add3A_21, %dma_start3A_94] : memref<10112x128xf32, #tpu.memory_space<vmem_shared>> -> memref<120x128xf32, #tpu.memory_space<vmem_shared>>
      %dma_start3A_96 = arith.constant 0 : i32
      %dma_start3A_97 = tpu.memref_slice %arg10[%add3A_21, %dma_start3A_96] : memref<10112x128xf32, #tpu.memory_space<vmem_shared>> -> memref<120x128xf32, #tpu.memory_space<vmem_shared>>
      %dma_start3A_98 = arith.constant 0 : i32
      %dma_start3A_99 = arith.constant 0 : i32
      %dma_start3A_100 = tpu.memref_slice %arg8[%dma_start3A_98, %dma_start3A_99] : memref<125x128xf32, #tpu.memory_space<vmem>> -> memref<120x128xf32, #tpu.memory_space<vmem>>
      tpu.enqueue_dma source(%dma_start3A_100 : memref<120x128xf32, #tpu.memory_space<vmem>>) target(%dma_start3A_97 : memref<120x128xf32, #tpu.memory_space<vmem_shared>>) target_semaphore(%run_scoped3A : memref<!tpu.dma_semaphore, #tpu.memory_space<semaphore_mem>>)
      %dma_wait3A = arith.constant 0 : i32
      %dma_wait3A_101 = arith.constant 0 : i32
      %dma_wait3A_102 = tpu.memref_slice %arg8[%dma_wait3A, %dma_wait3A_101] : memref<125x128xf32, #tpu.memory_space<vmem>> -> memref<120x128xf32, #tpu.memory_space<vmem>>
      %dma_wait3A_103 = arith.constant 0 : i32
      %dma_wait3A_104 = tpu.memref_slice %arg10[%add3A_21, %dma_wait3A_103] : memref<10112x128xf32, #tpu.memory_space<vmem_shared>> -> memref<120x128xf32, #tpu.memory_space<vmem_shared>>
      %dma_wait3A_105 = arith.constant 0 : i32
      %dma_wait3A_106 = tpu.memref_slice %arg10[%add3A_21, %dma_wait3A_105] : memref<10112x128xf32, #tpu.memory_space<vmem_shared>> -> memref<120x128xf32, #tpu.memory_space<vmem_shared>>
      %dma_wait3A_107 = arith.constant 0 : i32
      %dma_wait3A_108 = arith.constant 0 : i32
      %dma_wait3A_109 = tpu.memref_slice %arg8[%dma_wait3A_107, %dma_wait3A_108] : memref<125x128xf32, #tpu.memory_space<vmem>> -> memref<120x128xf32, #tpu.memory_space<vmem>>
      tpu.wait_dma2 semaphore(%run_scoped3A : memref<!tpu.dma_semaphore, #tpu.memory_space<semaphore_mem>>) src(%dma_wait3A_109 : memref<120x128xf32, #tpu.memory_space<vmem>>) dst(%dma_wait3A_106 : memref<120x128xf32, #tpu.memory_space<vmem_shared>>)
      tpu.yield
    }) : () -> ()
    %mul3A_22 = arith.constant 632 : i32
    %mul3A_23 = arith.muli %arg1, %mul3A_22 : i32
    %add3A_24 = arith.constant 600 : i32
    %add3A_25 = arith.addi %mul3A_23, %add3A_24 : i32
    "tpu.region"() ({
      %run_scoped3A = tpu.sem_alloc : memref<!tpu.dma_semaphore, #tpu.memory_space<semaphore_mem>>
      %dma_start3A_91 = arith.constant 0 : i32
      %dma_start3A_92 = arith.constant 0 : i32
      %dma_start3A_93 = tpu.memref_slice %arg8[%dma_start3A_91, %dma_start3A_92] : memref<125x128xf32, #tpu.memory_space<vmem>> -> memref<32x128xf32, #tpu.memory_space<vmem>>
      %dma_start3A_94 = arith.constant 0 : i32
      %dma_start3A_95 = tpu.memref_slice %arg10[%add3A_25, %dma_start3A_94] : memref<10112x128xf32, #tpu.memory_space<vmem_shared>> -> memref<32x128xf32, #tpu.memory_space<vmem_shared>>
      %dma_start3A_96 = arith.constant 0 : i32
      %dma_start3A_97 = tpu.memref_slice %arg10[%add3A_25, %dma_start3A_96] : memref<10112x128xf32, #tpu.memory_space<vmem_shared>> -> memref<32x128xf32, #tpu.memory_space<vmem_shared>>
      %dma_start3A_98 = arith.constant 0 : i32
      %dma_start3A_99 = arith.constant 0 : i32
      %dma_start3A_100 = tpu.memref_slice %arg8[%dma_start3A_98, %dma_start3A_99] : memref<125x128xf32, #tpu.memory_space<vmem>> -> memref<32x128xf32, #tpu.memory_space<vmem>>
      tpu.enqueue_dma source(%dma_start3A_100 : memref<32x128xf32, #tpu.memory_space<vmem>>) target(%dma_start3A_97 : memref<32x128xf32, #tpu.memory_space<vmem_shared>>) target_semaphore(%run_scoped3A : memref<!tpu.dma_semaphore, #tpu.memory_space<semaphore_mem>>)
      %dma_wait3A = arith.constant 0 : i32
      %dma_wait3A_101 = arith.constant 0 : i32
      %dma_wait3A_102 = tpu.memref_slice %arg8[%dma_wait3A, %dma_wait3A_101] : memref<125x128xf32, #tpu.memory_space<vmem>> -> memref<32x128xf32, #tpu.memory_space<vmem>>
      %dma_wait3A_103 = arith.constant 0 : i32
      %dma_wait3A_104 = tpu.memref_slice %arg10[%add3A_25, %dma_wait3A_103] : memref<10112x128xf32, #tpu.memory_space<vmem_shared>> -> memref<32x128xf32, #tpu.memory_space<vmem_shared>>
      %dma_wait3A_105 = arith.constant 0 : i32
      %dma_wait3A_106 = tpu.memref_slice %arg10[%add3A_25, %dma_wait3A_105] : memref<10112x128xf32, #tpu.memory_space<vmem_shared>> -> memref<32x128xf32, #tpu.memory_space<vmem_shared>>
      %dma_wait3A_107 = arith.constant 0 : i32
      %dma_wait3A_108 = arith.constant 0 : i32
      %dma_wait3A_109 = tpu.memref_slice %arg8[%dma_wait3A_107, %dma_wait3A_108] : memref<125x128xf32, #tpu.memory_space<vmem>> -> memref<32x128xf32, #tpu.memory_space<vmem>>
      tpu.wait_dma2 semaphore(%run_scoped3A : memref<!tpu.dma_semaphore, #tpu.memory_space<semaphore_mem>>) src(%dma_wait3A_109 : memref<32x128xf32, #tpu.memory_space<vmem>>) dst(%dma_wait3A_106 : memref<32x128xf32, #tpu.memory_space<vmem_shared>>)
      tpu.yield
    }) : () -> ()
    %barrier3A = arith.constant 0 : index
    tpu.barrier barrier_id(%barrier3A)
    %mul3A_26 = arith.constant 16 : i32
    %mul3A_27 = arith.muli %arg0, %mul3A_26 : i32
    %add3A_28 = arith.addi %mul3A_27, %arg1 : i32
    %mul3A_29 = arith.constant 40 : i32
    %mul3A_30 = arith.muli %add3A_28, %mul3A_29 : i32
    "tpu.region"() ({
      %run_scoped3A = tpu.sem_alloc : memref<!tpu.dma_semaphore, #tpu.memory_space<semaphore_mem>>
      %dma_start3A_91 = arith.constant 0 : i32
      %dma_start3A_92 = arith.constant 0 : i32
      %dma_start3A_93 = tpu.memref_slice %arg6[%dma_start3A_91, %dma_start3A_92] : memref<40x125xi32, #tpu.memory_space<vmem>> -> memref<40x125xi32, #tpu.memory_space<vmem>>
      %dma_start3A_94 = arith.constant 0 : i32
      %dma_start3A_95 = tpu.memref_slice %arg3[%mul3A_30, %dma_start3A_94] : memref<1280x125xi32, #tpu.memory_space<hbm>> -> memref<40x125xi32, #tpu.memory_space<hbm>>
      %dma_start3A_96 = arith.constant 0 : i32
      %dma_start3A_97 = arith.constant 0 : i32
      %dma_start3A_98 = tpu.memref_slice %arg6[%dma_start3A_96, %dma_start3A_97] : memref<40x125xi32, #tpu.memory_space<vmem>> -> memref<40x125xi32, #tpu.memory_space<vmem>>
      %dma_start3A_99 = arith.constant 0 : i32
      %dma_start3A_100 = tpu.memref_slice %arg3[%mul3A_30, %dma_start3A_99] : memref<1280x125xi32, #tpu.memory_space<hbm>> -> memref<40x125xi32, #tpu.memory_space<hbm>>
      tpu.enqueue_dma source(%dma_start3A_100 : memref<40x125xi32, #tpu.memory_space<hbm>>) target(%dma_start3A_98 : memref<40x125xi32, #tpu.memory_space<vmem>>) target_semaphore(%run_scoped3A : memref<!tpu.dma_semaphore, #tpu.memory_space<semaphore_mem>>)
      %dma_wait3A = arith.constant 0 : i32
      %dma_wait3A_101 = arith.constant 0 : i32
      %dma_wait3A_102 = tpu.memref_slice %arg6[%dma_wait3A, %dma_wait3A_101] : memref<40x125xi32, #tpu.memory_space<vmem>> -> memref<40x125xi32, #tpu.memory_space<vmem>>
      %dma_wait3A_103 = arith.constant 0 : i32
      %dma_wait3A_104 = tpu.memref_slice %arg3[%mul3A_30, %dma_wait3A_103] : memref<1280x125xi32, #tpu.memory_space<hbm>> -> memref<40x125xi32, #tpu.memory_space<hbm>>
      %dma_wait3A_105 = arith.constant 0 : i32
      %dma_wait3A_106 = arith.constant 0 : i32
      %dma_wait3A_107 = tpu.memref_slice %arg6[%dma_wait3A_105, %dma_wait3A_106] : memref<40x125xi32, #tpu.memory_space<vmem>> -> memref<40x125xi32, #tpu.memory_space<vmem>>
      %dma_wait3A_108 = arith.constant 0 : i32
      %dma_wait3A_109 = tpu.memref_slice %arg3[%mul3A_30, %dma_wait3A_108] : memref<1280x125xi32, #tpu.memory_space<hbm>> -> memref<40x125xi32, #tpu.memory_space<hbm>>
      tpu.wait_dma2 semaphore(%run_scoped3A : memref<!tpu.dma_semaphore, #tpu.memory_space<semaphore_mem>>) src(%dma_wait3A_109 : memref<40x125xi32, #tpu.memory_space<hbm>>) dst(%dma_wait3A_107 : memref<40x125xi32, #tpu.memory_space<vmem>>)
      tpu.yield
    }) : () -> ()
    "tpu.region"() ({
      %run_scoped3A = tpu.sem_alloc : memref<!tpu.dma_semaphore, #tpu.memory_space<semaphore_mem>>
      %dma_start3A_91 = arith.constant 0 : i32
      %dma_start3A_92 = arith.constant 0 : i32
      %dma_start3A_93 = tpu.memref_slice %arg7[%dma_start3A_91, %dma_start3A_92] : memref<40x125xi32, #tpu.memory_space<vmem>> -> memref<40x125xi32, #tpu.memory_space<vmem>>
      %dma_start3A_94 = arith.constant 0 : i32
      %dma_start3A_95 = tpu.memref_slice %arg4[%mul3A_30, %dma_start3A_94] : memref<1280x125xi32, #tpu.memory_space<hbm>> -> memref<40x125xi32, #tpu.memory_space<hbm>>
      %dma_start3A_96 = arith.constant 0 : i32
      %dma_start3A_97 = arith.constant 0 : i32
      %dma_start3A_98 = tpu.memref_slice %arg7[%dma_start3A_96, %dma_start3A_97] : memref<40x125xi32, #tpu.memory_space<vmem>> -> memref<40x125xi32, #tpu.memory_space<vmem>>
      %dma_start3A_99 = arith.constant 0 : i32
      %dma_start3A_100 = tpu.memref_slice %arg4[%mul3A_30, %dma_start3A_99] : memref<1280x125xi32, #tpu.memory_space<hbm>> -> memref<40x125xi32, #tpu.memory_space<hbm>>
      tpu.enqueue_dma source(%dma_start3A_100 : memref<40x125xi32, #tpu.memory_space<hbm>>) target(%dma_start3A_98 : memref<40x125xi32, #tpu.memory_space<vmem>>) target_semaphore(%run_scoped3A : memref<!tpu.dma_semaphore, #tpu.memory_space<semaphore_mem>>)
      %dma_wait3A = arith.constant 0 : i32
      %dma_wait3A_101 = arith.constant 0 : i32
      %dma_wait3A_102 = tpu.memref_slice %arg7[%dma_wait3A, %dma_wait3A_101] : memref<40x125xi32, #tpu.memory_space<vmem>> -> memref<40x125xi32, #tpu.memory_space<vmem>>
      %dma_wait3A_103 = arith.constant 0 : i32
      %dma_wait3A_104 = tpu.memref_slice %arg4[%mul3A_30, %dma_wait3A_103] : memref<1280x125xi32, #tpu.memory_space<hbm>> -> memref<40x125xi32, #tpu.memory_space<hbm>>
      %dma_wait3A_105 = arith.constant 0 : i32
      %dma_wait3A_106 = arith.constant 0 : i32
      %dma_wait3A_107 = tpu.memref_slice %arg7[%dma_wait3A_105, %dma_wait3A_106] : memref<40x125xi32, #tpu.memory_space<vmem>> -> memref<40x125xi32, #tpu.memory_space<vmem>>
      %dma_wait3A_108 = arith.constant 0 : i32
      %dma_wait3A_109 = tpu.memref_slice %arg4[%mul3A_30, %dma_wait3A_108] : memref<1280x125xi32, #tpu.memory_space<hbm>> -> memref<40x125xi32, #tpu.memory_space<hbm>>
      tpu.wait_dma2 semaphore(%run_scoped3A : memref<!tpu.dma_semaphore, #tpu.memory_space<semaphore_mem>>) src(%dma_wait3A_109 : memref<40x125xi32, #tpu.memory_space<hbm>>) dst(%dma_wait3A_107 : memref<40x125xi32, #tpu.memory_space<vmem>>)
      tpu.yield
    }) : () -> ()
    %dma_start3A = arith.constant 0 : i32
    %dma_start3A_31 = arith.constant 0 : i32
    %dma_start3A_32 = tpu.memref_slice %arg6[%dma_start3A, %dma_start3A_31] : memref<40x125xi32, #tpu.memory_space<vmem>> -> memref<1x125xi32, #tpu.memory_space<vmem>>
    %dma_start3A_33 = tpu.memref_squeeze %dma_start3A_32 : memref<1x125xi32, #tpu.memory_space<vmem>> -> memref<125xi32, #tpu.memory_space<vmem>>
    %dma_start3A_34 = arith.constant 0 : i32
    %dma_start3A_35 = arith.constant 0 : i32
    %dma_start3A_36 = tpu.memref_slice %arg2[%dma_start3A_34, %dma_start3A_35] : memref<10240x128xf32, #tpu.memory_space<hbm>> -> memref<10240x128xf32, #tpu.memory_space<hbm>>
    tpu.enqueue_indirect_dma source(%dma_start3A_36 : memref<10240x128xf32, #tpu.memory_space<hbm>>) target(%arg8 : memref<125x128xf32, #tpu.memory_space<vmem>>) offsets(%dma_start3A_33 : memref<125xi32, #tpu.memory_space<vmem>>) semaphore(%arg11 : memref<!tpu.dma_semaphore, #tpu.memory_space<semaphore_mem>>)
    %scan3A_37 = arith.constant 0 : i32
    %scan3A_38 = arith.constant 20 : i32
    %scan3A_39 = arith.addi %scan3A_37, %scan3A_38 : i32
    %scan3A_40 = arith.constant 1 : i32
    scf.for %scan3A_91 = %scan3A_37 to %scan3A_39 step %scan3A_40  : i32 {
      %mul3A_92 = arith.constant 2 : i32
      %mul3A_93 = arith.muli %scan3A_91, %mul3A_92 : i32
      %add3A_94 = arith.constant 0 : i32
      %add3A_95 = arith.addi %add3A_94, %mul3A_93 : i32
      %dma_wait3A = arith.constant 0 : i32
      %dma_wait3A_96 = tpu.memref_slice %arg6[%add3A_95, %dma_wait3A] : memref<40x125xi32, #tpu.memory_space<vmem>> -> memref<1x125xi32, #tpu.memory_space<vmem>>
      %dma_wait3A_97 = tpu.memref_squeeze %dma_wait3A_96 : memref<1x125xi32, #tpu.memory_space<vmem>> -> memref<125xi32, #tpu.memory_space<vmem>>
      %dma_wait3A_98 = arith.constant 0 : i32
      %dma_wait3A_99 = arith.constant 0 : i32
      %dma_wait3A_100 = tpu.memref_slice %arg2[%dma_wait3A_98, %dma_wait3A_99] : memref<10240x128xf32, #tpu.memory_space<hbm>> -> memref<10240x128xf32, #tpu.memory_space<hbm>>
      tpu.wait_indirect_dma semaphore(%arg11 : memref<!tpu.dma_semaphore, #tpu.memory_space<semaphore_mem>>) src(%dma_wait3A_100 : memref<10240x128xf32, #tpu.memory_space<hbm>>) dst(%arg8 : memref<125x128xf32, #tpu.memory_space<vmem>>)
      %add3A_101 = arith.constant 1 : i32
      %add3A_102 = arith.addi %add3A_95, %add3A_101 : i32
      %dma_start3A_103 = arith.constant 0 : i32
      %dma_start3A_104 = tpu.memref_slice %arg6[%add3A_102, %dma_start3A_103] : memref<40x125xi32, #tpu.memory_space<vmem>> -> memref<1x125xi32, #tpu.memory_space<vmem>>
      %dma_start3A_105 = tpu.memref_squeeze %dma_start3A_104 : memref<1x125xi32, #tpu.memory_space<vmem>> -> memref<125xi32, #tpu.memory_space<vmem>>
      %dma_start3A_106 = arith.constant 0 : i32
      %dma_start3A_107 = arith.constant 0 : i32
      %dma_start3A_108 = tpu.memref_slice %arg2[%dma_start3A_106, %dma_start3A_107] : memref<10240x128xf32, #tpu.memory_space<hbm>> -> memref<10240x128xf32, #tpu.memory_space<hbm>>
      tpu.enqueue_indirect_dma source(%dma_start3A_108 : memref<10240x128xf32, #tpu.memory_space<hbm>>) target(%arg9 : memref<125x128xf32, #tpu.memory_space<vmem>>) offsets(%dma_start3A_105 : memref<125xi32, #tpu.memory_space<vmem>>) semaphore(%arg12 : memref<!tpu.dma_semaphore, #tpu.memory_space<semaphore_mem>>)
      "tpu.region"() ({
        %run_scoped3A = tpu.sem_alloc : memref<!tpu.dma_semaphore, #tpu.memory_space<semaphore_mem>>
        %dma_start3A_123 = arith.constant 0 : i32
        %dma_start3A_124 = tpu.memref_slice %arg7[%add3A_95, %dma_start3A_123] : memref<40x125xi32, #tpu.memory_space<vmem>> -> memref<1x125xi32, #tpu.memory_space<vmem>>
        %dma_start3A_125 = tpu.memref_squeeze %dma_start3A_124 : memref<1x125xi32, #tpu.memory_space<vmem>> -> memref<125xi32, #tpu.memory_space<vmem>>
        %dma_start3A_126 = arith.constant 0 : i32
        %dma_start3A_127 = arith.constant 0 : i32
        %dma_start3A_128 = tpu.memref_slice %arg10[%dma_start3A_126, %dma_start3A_127] : memref<10112x128xf32, #tpu.memory_space<vmem_shared>> -> memref<10112x128xf32, #tpu.memory_space<vmem_shared>>
        tpu.enqueue_indirect_dma source(%arg8 : memref<125x128xf32, #tpu.memory_space<vmem>>) target(%dma_start3A_128 : memref<10112x128xf32, #tpu.memory_space<vmem_shared>>) offsets(%dma_start3A_125 : memref<125xi32, #tpu.memory_space<vmem>>) semaphore(%run_scoped3A : memref<!tpu.dma_semaphore, #tpu.memory_space<semaphore_mem>>) {add = true}
        %dma_wait3A_129 = arith.constant 0 : i32
        %dma_wait3A_130 = tpu.memref_slice %arg7[%add3A_95, %dma_wait3A_129] : memref<40x125xi32, #tpu.memory_space<vmem>> -> memref<1x125xi32, #tpu.memory_space<vmem>>
        %dma_wait3A_131 = tpu.memref_squeeze %dma_wait3A_130 : memref<1x125xi32, #tpu.memory_space<vmem>> -> memref<125xi32, #tpu.memory_space<vmem>>
        %dma_wait3A_132 = arith.constant 0 : i32
        %dma_wait3A_133 = arith.constant 0 : i32
        %dma_wait3A_134 = tpu.memref_slice %arg10[%dma_wait3A_132, %dma_wait3A_133] : memref<10112x128xf32, #tpu.memory_space<vmem_shared>> -> memref<10112x128xf32, #tpu.memory_space<vmem_shared>>
        tpu.wait_indirect_dma semaphore(%run_scoped3A : memref<!tpu.dma_semaphore, #tpu.memory_space<semaphore_mem>>) src(%arg8 : memref<125x128xf32, #tpu.memory_space<vmem>>) dst(%dma_wait3A_134 : memref<10112x128xf32, #tpu.memory_space<vmem_shared>>)
        tpu.yield
      }) : () -> ()
      %add3A_109 = arith.constant 1 : i32
      %add3A_110 = arith.addi %add3A_95, %add3A_109 : i32
      %dma_wait3A_111 = arith.constant 0 : i32
      %dma_wait3A_112 = tpu.memref_slice %arg6[%add3A_110, %dma_wait3A_111] : memref<40x125xi32, #tpu.memory_space<vmem>> -> memref<1x125xi32, #tpu.memory_space<vmem>>
      %dma_wait3A_113 = tpu.memref_squeeze %dma_wait3A_112 : memref<1x125xi32, #tpu.memory_space<vmem>> -> memref<125xi32, #tpu.memory_space<vmem>>
      %dma_wait3A_114 = arith.constant 0 : i32
      %dma_wait3A_115 = arith.constant 0 : i32
      %dma_wait3A_116 = tpu.memref_slice %arg2[%dma_wait3A_114, %dma_wait3A_115] : memref<10240x128xf32, #tpu.memory_space<hbm>> -> memref<10240x128xf32, #tpu.memory_space<hbm>>
      tpu.wait_indirect_dma semaphore(%arg12 : memref<!tpu.dma_semaphore, #tpu.memory_space<semaphore_mem>>) src(%dma_wait3A_116 : memref<10240x128xf32, #tpu.memory_space<hbm>>) dst(%arg9 : memref<125x128xf32, #tpu.memory_space<vmem>>)
      %add3A_117 = arith.constant 2 : i32
      %add3A_118 = arith.addi %add3A_95, %add3A_117 : i32
      %lt3A = arith.constant 40 : i32
      %lt3A_119 = arith.cmpi slt, %add3A_118, %lt3A : i32
      %convert_element_type3A = arith.extui %lt3A_119 : i1 to i32
      %cond3A = arith.constant 0 : i32
      %cond3A_120 = arith.cmpi ne, %convert_element_type3A, %cond3A : i32
      scf.if %cond3A_120 {
        %add3A_123 = arith.constant 2 : i32
        %add3A_124 = arith.addi %add3A_95, %add3A_123 : i32
        %dma_start3A_125 = arith.constant 0 : i32
        %dma_start3A_126 = tpu.memref_slice %arg6[%add3A_124, %dma_start3A_125] : memref<40x125xi32, #tpu.memory_space<vmem>> -> memref<1x125xi32, #tpu.memory_space<vmem>>
        %dma_start3A_127 = tpu.memref_squeeze %dma_start3A_126 : memref<1x125xi32, #tpu.memory_space<vmem>> -> memref<125xi32, #tpu.memory_space<vmem>>
        %dma_start3A_128 = arith.constant 0 : i32
        %dma_start3A_129 = arith.constant 0 : i32
        %dma_start3A_130 = tpu.memref_slice %arg2[%dma_start3A_128, %dma_start3A_129] : memref<10240x128xf32, #tpu.memory_space<hbm>> -> memref<10240x128xf32, #tpu.memory_space<hbm>>
        tpu.enqueue_indirect_dma source(%dma_start3A_130 : memref<10240x128xf32, #tpu.memory_space<hbm>>) target(%arg8 : memref<125x128xf32, #tpu.memory_space<vmem>>) offsets(%dma_start3A_127 : memref<125xi32, #tpu.memory_space<vmem>>) semaphore(%arg11 : memref<!tpu.dma_semaphore, #tpu.memory_space<semaphore_mem>>)
      } else {
      }
      %add3A_121 = arith.constant 1 : i32
      %add3A_122 = arith.addi %add3A_95, %add3A_121 : i32
      "tpu.region"() ({
        %run_scoped3A = tpu.sem_alloc : memref<!tpu.dma_semaphore, #tpu.memory_space<semaphore_mem>>
        %dma_start3A_123 = arith.constant 0 : i32
        %dma_start3A_124 = tpu.memref_slice %arg7[%add3A_122, %dma_start3A_123] : memref<40x125xi32, #tpu.memory_space<vmem>> -> memref<1x125xi32, #tpu.memory_space<vmem>>
        %dma_start3A_125 = tpu.memref_squeeze %dma_start3A_124 : memref<1x125xi32, #tpu.memory_space<vmem>> -> memref<125xi32, #tpu.memory_space<vmem>>
        %dma_start3A_126 = arith.constant 0 : i32
        %dma_start3A_127 = arith.constant 0 : i32
        %dma_start3A_128 = tpu.memref_slice %arg10[%dma_start3A_126, %dma_start3A_127] : memref<10112x128xf32, #tpu.memory_space<vmem_shared>> -> memref<10112x128xf32, #tpu.memory_space<vmem_shared>>
        tpu.enqueue_indirect_dma source(%arg9 : memref<125x128xf32, #tpu.memory_space<vmem>>) target(%dma_start3A_128 : memref<10112x128xf32, #tpu.memory_space<vmem_shared>>) offsets(%dma_start3A_125 : memref<125xi32, #tpu.memory_space<vmem>>) semaphore(%run_scoped3A : memref<!tpu.dma_semaphore, #tpu.memory_space<semaphore_mem>>) {add = true}
        %dma_wait3A_129 = arith.constant 0 : i32
        %dma_wait3A_130 = tpu.memref_slice %arg7[%add3A_122, %dma_wait3A_129] : memref<40x125xi32, #tpu.memory_space<vmem>> -> memref<1x125xi32, #tpu.memory_space<vmem>>
        %dma_wait3A_131 = tpu.memref_squeeze %dma_wait3A_130 : memref<1x125xi32, #tpu.memory_space<vmem>> -> memref<125xi32, #tpu.memory_space<vmem>>
        %dma_wait3A_132 = arith.constant 0 : i32
        %dma_wait3A_133 = arith.constant 0 : i32
        %dma_wait3A_134 = tpu.memref_slice %arg10[%dma_wait3A_132, %dma_wait3A_133] : memref<10112x128xf32, #tpu.memory_space<vmem_shared>> -> memref<10112x128xf32, #tpu.memory_space<vmem_shared>>
        tpu.wait_indirect_dma semaphore(%run_scoped3A : memref<!tpu.dma_semaphore, #tpu.memory_space<semaphore_mem>>) src(%arg9 : memref<125x128xf32, #tpu.memory_space<vmem>>) dst(%dma_wait3A_134 : memref<10112x128xf32, #tpu.memory_space<vmem_shared>>)
        tpu.yield
      }) : () -> ()
    }
    %scan3A_41 = arith.constant 20 : i32
    %barrier3A_42 = arith.constant 0 : index
    tpu.barrier barrier_id(%barrier3A_42)
    %mul3A_43 = arith.constant 632 : i32
    %mul3A_44 = arith.muli %arg1, %mul3A_43 : i32
    %add3A_45 = arith.constant 0 : i32
    %add3A_46 = arith.addi %mul3A_44, %add3A_45 : i32
    %mul3A_47 = arith.constant 632 : i32
    %mul3A_48 = arith.muli %arg1, %mul3A_47 : i32
    %add3A_49 = arith.constant 0 : i32
    %add3A_50 = arith.addi %mul3A_48, %add3A_49 : i32
    "tpu.region"() ({
      %run_scoped3A = tpu.sem_alloc : memref<!tpu.dma_semaphore, #tpu.memory_space<semaphore_mem>>
      %dma_start3A_91 = arith.constant 0 : i32
      %dma_start3A_92 = tpu.memref_slice %arg5[%arg0, %add3A_50, %dma_start3A_91] : memref<2x10240x128xf32, #tpu.memory_space<hbm>> -> memref<1x120x128xf32, #tpu.memory_space<hbm>>
      %dma_start3A_93 = tpu.memref_squeeze %dma_start3A_92 : memref<1x120x128xf32, #tpu.memory_space<hbm>> -> memref<120x128xf32, #tpu.memory_space<hbm>>
      %dma_start3A_94 = arith.constant 0 : i32
      %dma_start3A_95 = tpu.memref_slice %arg10[%add3A_46, %dma_start3A_94] : memref<10112x128xf32, #tpu.memory_space<vmem_shared>> -> memref<120x128xf32, #tpu.memory_space<vmem_shared>>
      tpu.enqueue_dma source(%dma_start3A_95 : memref<120x128xf32, #tpu.memory_space<vmem_shared>>) target(%dma_start3A_93 : memref<120x128xf32, #tpu.memory_space<hbm>>) target_semaphore(%run_scoped3A : memref<!tpu.dma_semaphore, #tpu.memory_space<semaphore_mem>>)
      %dma_wait3A = arith.constant 0 : i32
      %dma_wait3A_96 = tpu.memref_slice %arg5[%arg0, %add3A_50, %dma_wait3A] : memref<2x10240x128xf32, #tpu.memory_space<hbm>> -> memref<1x120x128xf32, #tpu.memory_space<hbm>>
      %dma_wait3A_97 = tpu.memref_squeeze %dma_wait3A_96 : memref<1x120x128xf32, #tpu.memory_space<hbm>> -> memref<120x128xf32, #tpu.memory_space<hbm>>
      %dma_wait3A_98 = arith.constant 0 : i32
      %dma_wait3A_99 = tpu.memref_slice %arg10[%add3A_46, %dma_wait3A_98] : memref<10112x128xf32, #tpu.memory_space<vmem_shared>> -> memref<120x128xf32, #tpu.memory_space<vmem_shared>>
      tpu.wait_dma2 semaphore(%run_scoped3A : memref<!tpu.dma_semaphore, #tpu.memory_space<semaphore_mem>>) src(%dma_wait3A_99 : memref<120x128xf32, #tpu.memory_space<vmem_shared>>) dst(%dma_wait3A_97 : memref<120x128xf32, #tpu.memory_space<hbm>>)
      tpu.yield
    }) : () -> ()
    %mul3A_51 = arith.constant 632 : i32
    %mul3A_52 = arith.muli %arg1, %mul3A_51 : i32
    %add3A_53 = arith.constant 120 : i32
    %add3A_54 = arith.addi %mul3A_52, %add3A_53 : i32
    %mul3A_55 = arith.constant 632 : i32
    %mul3A_56 = arith.muli %arg1, %mul3A_55 : i32
    %add3A_57 = arith.constant 120 : i32
    %add3A_58 = arith.addi %mul3A_56, %add3A_57 : i32
    "tpu.region"() ({
      %run_scoped3A = tpu.sem_alloc : memref<!tpu.dma_semaphore, #tpu.memory_space<semaphore_mem>>
      %dma_start3A_91 = arith.constant 0 : i32
      %dma_start3A_92 = tpu.memref_slice %arg5[%arg0, %add3A_58, %dma_start3A_91] : memref<2x10240x128xf32, #tpu.memory_space<hbm>> -> memref<1x120x128xf32, #tpu.memory_space<hbm>>
      %dma_start3A_93 = tpu.memref_squeeze %dma_start3A_92 : memref<1x120x128xf32, #tpu.memory_space<hbm>> -> memref<120x128xf32, #tpu.memory_space<hbm>>
      %dma_start3A_94 = arith.constant 0 : i32
      %dma_start3A_95 = tpu.memref_slice %arg10[%add3A_54, %dma_start3A_94] : memref<10112x128xf32, #tpu.memory_space<vmem_shared>> -> memref<120x128xf32, #tpu.memory_space<vmem_shared>>
      tpu.enqueue_dma source(%dma_start3A_95 : memref<120x128xf32, #tpu.memory_space<vmem_shared>>) target(%dma_start3A_93 : memref<120x128xf32, #tpu.memory_space<hbm>>) target_semaphore(%run_scoped3A : memref<!tpu.dma_semaphore, #tpu.memory_space<semaphore_mem>>)
      %dma_wait3A = arith.constant 0 : i32
      %dma_wait3A_96 = tpu.memref_slice %arg5[%arg0, %add3A_58, %dma_wait3A] : memref<2x10240x128xf32, #tpu.memory_space<hbm>> -> memref<1x120x128xf32, #tpu.memory_space<hbm>>
      %dma_wait3A_97 = tpu.memref_squeeze %dma_wait3A_96 : memref<1x120x128xf32, #tpu.memory_space<hbm>> -> memref<120x128xf32, #tpu.memory_space<hbm>>
      %dma_wait3A_98 = arith.constant 0 : i32
      %dma_wait3A_99 = tpu.memref_slice %arg10[%add3A_54, %dma_wait3A_98] : memref<10112x128xf32, #tpu.memory_space<vmem_shared>> -> memref<120x128xf32, #tpu.memory_space<vmem_shared>>
      tpu.wait_dma2 semaphore(%run_scoped3A : memref<!tpu.dma_semaphore, #tpu.memory_space<semaphore_mem>>) src(%dma_wait3A_99 : memref<120x128xf32, #tpu.memory_space<vmem_shared>>) dst(%dma_wait3A_97 : memref<120x128xf32, #tpu.memory_space<hbm>>)
      tpu.yield
    }) : () -> ()
    %mul3A_59 = arith.constant 632 : i32
    %mul3A_60 = arith.muli %arg1, %mul3A_59 : i32
    %add3A_61 = arith.constant 240 : i32
    %add3A_62 = arith.addi %mul3A_60, %add3A_61 : i32
    %mul3A_63 = arith.constant 632 : i32
    %mul3A_64 = arith.muli %arg1, %mul3A_63 : i32
    %add3A_65 = arith.constant 240 : i32
    %add3A_66 = arith.addi %mul3A_64, %add3A_65 : i32
    "tpu.region"() ({
      %run_scoped3A = tpu.sem_alloc : memref<!tpu.dma_semaphore, #tpu.memory_space<semaphore_mem>>
      %dma_start3A_91 = arith.constant 0 : i32
      %dma_start3A_92 = tpu.memref_slice %arg5[%arg0, %add3A_66, %dma_start3A_91] : memref<2x10240x128xf32, #tpu.memory_space<hbm>> -> memref<1x120x128xf32, #tpu.memory_space<hbm>>
      %dma_start3A_93 = tpu.memref_squeeze %dma_start3A_92 : memref<1x120x128xf32, #tpu.memory_space<hbm>> -> memref<120x128xf32, #tpu.memory_space<hbm>>
      %dma_start3A_94 = arith.constant 0 : i32
      %dma_start3A_95 = tpu.memref_slice %arg10[%add3A_62, %dma_start3A_94] : memref<10112x128xf32, #tpu.memory_space<vmem_shared>> -> memref<120x128xf32, #tpu.memory_space<vmem_shared>>
      tpu.enqueue_dma source(%dma_start3A_95 : memref<120x128xf32, #tpu.memory_space<vmem_shared>>) target(%dma_start3A_93 : memref<120x128xf32, #tpu.memory_space<hbm>>) target_semaphore(%run_scoped3A : memref<!tpu.dma_semaphore, #tpu.memory_space<semaphore_mem>>)
      %dma_wait3A = arith.constant 0 : i32
      %dma_wait3A_96 = tpu.memref_slice %arg5[%arg0, %add3A_66, %dma_wait3A] : memref<2x10240x128xf32, #tpu.memory_space<hbm>> -> memref<1x120x128xf32, #tpu.memory_space<hbm>>
      %dma_wait3A_97 = tpu.memref_squeeze %dma_wait3A_96 : memref<1x120x128xf32, #tpu.memory_space<hbm>> -> memref<120x128xf32, #tpu.memory_space<hbm>>
      %dma_wait3A_98 = arith.constant 0 : i32
      %dma_wait3A_99 = tpu.memref_slice %arg10[%add3A_62, %dma_wait3A_98] : memref<10112x128xf32, #tpu.memory_space<vmem_shared>> -> memref<120x128xf32, #tpu.memory_space<vmem_shared>>
      tpu.wait_dma2 semaphore(%run_scoped3A : memref<!tpu.dma_semaphore, #tpu.memory_space<semaphore_mem>>) src(%dma_wait3A_99 : memref<120x128xf32, #tpu.memory_space<vmem_shared>>) dst(%dma_wait3A_97 : memref<120x128xf32, #tpu.memory_space<hbm>>)
      tpu.yield
    }) : () -> ()
    %mul3A_67 = arith.constant 632 : i32
    %mul3A_68 = arith.muli %arg1, %mul3A_67 : i32
    %add3A_69 = arith.constant 360 : i32
    %add3A_70 = arith.addi %mul3A_68, %add3A_69 : i32
    %mul3A_71 = arith.constant 632 : i32
    %mul3A_72 = arith.muli %arg1, %mul3A_71 : i32
    %add3A_73 = arith.constant 360 : i32
    %add3A_74 = arith.addi %mul3A_72, %add3A_73 : i32
    "tpu.region"() ({
      %run_scoped3A = tpu.sem_alloc : memref<!tpu.dma_semaphore, #tpu.memory_space<semaphore_mem>>
      %dma_start3A_91 = arith.constant 0 : i32
      %dma_start3A_92 = tpu.memref_slice %arg5[%arg0, %add3A_74, %dma_start3A_91] : memref<2x10240x128xf32, #tpu.memory_space<hbm>> -> memref<1x120x128xf32, #tpu.memory_space<hbm>>
      %dma_start3A_93 = tpu.memref_squeeze %dma_start3A_92 : memref<1x120x128xf32, #tpu.memory_space<hbm>> -> memref<120x128xf32, #tpu.memory_space<hbm>>
      %dma_start3A_94 = arith.constant 0 : i32
      %dma_start3A_95 = tpu.memref_slice %arg10[%add3A_70, %dma_start3A_94] : memref<10112x128xf32, #tpu.memory_space<vmem_shared>> -> memref<120x128xf32, #tpu.memory_space<vmem_shared>>
      tpu.enqueue_dma source(%dma_start3A_95 : memref<120x128xf32, #tpu.memory_space<vmem_shared>>) target(%dma_start3A_93 : memref<120x128xf32, #tpu.memory_space<hbm>>) target_semaphore(%run_scoped3A : memref<!tpu.dma_semaphore, #tpu.memory_space<semaphore_mem>>)
      %dma_wait3A = arith.constant 0 : i32
      %dma_wait3A_96 = tpu.memref_slice %arg5[%arg0, %add3A_74, %dma_wait3A] : memref<2x10240x128xf32, #tpu.memory_space<hbm>> -> memref<1x120x128xf32, #tpu.memory_space<hbm>>
      %dma_wait3A_97 = tpu.memref_squeeze %dma_wait3A_96 : memref<1x120x128xf32, #tpu.memory_space<hbm>> -> memref<120x128xf32, #tpu.memory_space<hbm>>
      %dma_wait3A_98 = arith.constant 0 : i32
      %dma_wait3A_99 = tpu.memref_slice %arg10[%add3A_70, %dma_wait3A_98] : memref<10112x128xf32, #tpu.memory_space<vmem_shared>> -> memref<120x128xf32, #tpu.memory_space<vmem_shared>>
      tpu.wait_dma2 semaphore(%run_scoped3A : memref<!tpu.dma_semaphore, #tpu.memory_space<semaphore_mem>>) src(%dma_wait3A_99 : memref<120x128xf32, #tpu.memory_space<vmem_shared>>) dst(%dma_wait3A_97 : memref<120x128xf32, #tpu.memory_space<hbm>>)
      tpu.yield
    }) : () -> ()
    %mul3A_75 = arith.constant 632 : i32
    %mul3A_76 = arith.muli %arg1, %mul3A_75 : i32
    %add3A_77 = arith.constant 480 : i32
    %add3A_78 = arith.addi %mul3A_76, %add3A_77 : i32
    %mul3A_79 = arith.constant 632 : i32
    %mul3A_80 = arith.muli %arg1, %mul3A_79 : i32
    %add3A_81 = arith.constant 480 : i32
    %add3A_82 = arith.addi %mul3A_80, %add3A_81 : i32
    "tpu.region"() ({
      %run_scoped3A = tpu.sem_alloc : memref<!tpu.dma_semaphore, #tpu.memory_space<semaphore_mem>>
      %dma_start3A_91 = arith.constant 0 : i32
      %dma_start3A_92 = tpu.memref_slice %arg5[%arg0, %add3A_82, %dma_start3A_91] : memref<2x10240x128xf32, #tpu.memory_space<hbm>> -> memref<1x120x128xf32, #tpu.memory_space<hbm>>
      %dma_start3A_93 = tpu.memref_squeeze %dma_start3A_92 : memref<1x120x128xf32, #tpu.memory_space<hbm>> -> memref<120x128xf32, #tpu.memory_space<hbm>>
      %dma_start3A_94 = arith.constant 0 : i32
      %dma_start3A_95 = tpu.memref_slice %arg10[%add3A_78, %dma_start3A_94] : memref<10112x128xf32, #tpu.memory_space<vmem_shared>> -> memref<120x128xf32, #tpu.memory_space<vmem_shared>>
      tpu.enqueue_dma source(%dma_start3A_95 : memref<120x128xf32, #tpu.memory_space<vmem_shared>>) target(%dma_start3A_93 : memref<120x128xf32, #tpu.memory_space<hbm>>) target_semaphore(%run_scoped3A : memref<!tpu.dma_semaphore, #tpu.memory_space<semaphore_mem>>)
      %dma_wait3A = arith.constant 0 : i32
      %dma_wait3A_96 = tpu.memref_slice %arg5[%arg0, %add3A_82, %dma_wait3A] : memref<2x10240x128xf32, #tpu.memory_space<hbm>> -> memref<1x120x128xf32, #tpu.memory_space<hbm>>
      %dma_wait3A_97 = tpu.memref_squeeze %dma_wait3A_96 : memref<1x120x128xf32, #tpu.memory_space<hbm>> -> memref<120x128xf32, #tpu.memory_space<hbm>>
      %dma_wait3A_98 = arith.constant 0 : i32
      %dma_wait3A_99 = tpu.memref_slice %arg10[%add3A_78, %dma_wait3A_98] : memref<10112x128xf32, #tpu.memory_space<vmem_shared>> -> memref<120x128xf32, #tpu.memory_space<vmem_shared>>
      tpu.wait_dma2 semaphore(%run_scoped3A : memref<!tpu.dma_semaphore, #tpu.memory_space<semaphore_mem>>) src(%dma_wait3A_99 : memref<120x128xf32, #tpu.memory_space<vmem_shared>>) dst(%dma_wait3A_97 : memref<120x128xf32, #tpu.memory_space<hbm>>)
      tpu.yield
    }) : () -> ()
    %mul3A_83 = arith.constant 632 : i32
    %mul3A_84 = arith.muli %arg1, %mul3A_83 : i32
    %add3A_85 = arith.constant 600 : i32
    %add3A_86 = arith.addi %mul3A_84, %add3A_85 : i32
    %mul3A_87 = arith.constant 632 : i32
    %mul3A_88 = arith.muli %arg1, %mul3A_87 : i32
    %add3A_89 = arith.constant 600 : i32
    %add3A_90 = arith.addi %mul3A_88, %add3A_89 : i32
    "tpu.region"() ({
      %run_scoped3A = tpu.sem_alloc : memref<!tpu.dma_semaphore, #tpu.memory_space<semaphore_mem>>
      %dma_start3A_91 = arith.constant 0 : i32
      %dma_start3A_92 = tpu.memref_slice %arg5[%arg0, %add3A_90, %dma_start3A_91] : memref<2x10240x128xf32, #tpu.memory_space<hbm>> -> memref<1x32x128xf32, #tpu.memory_space<hbm>>
      %dma_start3A_93 = tpu.memref_squeeze %dma_start3A_92 : memref<1x32x128xf32, #tpu.memory_space<hbm>> -> memref<32x128xf32, #tpu.memory_space<hbm>>
      %dma_start3A_94 = arith.constant 0 : i32
      %dma_start3A_95 = tpu.memref_slice %arg10[%add3A_86, %dma_start3A_94] : memref<10112x128xf32, #tpu.memory_space<vmem_shared>> -> memref<32x128xf32, #tpu.memory_space<vmem_shared>>
      tpu.enqueue_dma source(%dma_start3A_95 : memref<32x128xf32, #tpu.memory_space<vmem_shared>>) target(%dma_start3A_93 : memref<32x128xf32, #tpu.memory_space<hbm>>) target_semaphore(%run_scoped3A : memref<!tpu.dma_semaphore, #tpu.memory_space<semaphore_mem>>)
      %dma_wait3A = arith.constant 0 : i32
      %dma_wait3A_96 = tpu.memref_slice %arg5[%arg0, %add3A_90, %dma_wait3A] : memref<2x10240x128xf32, #tpu.memory_space<hbm>> -> memref<1x32x128xf32, #tpu.memory_space<hbm>>
      %dma_wait3A_97 = tpu.memref_squeeze %dma_wait3A_96 : memref<1x32x128xf32, #tpu.memory_space<hbm>> -> memref<32x128xf32, #tpu.memory_space<hbm>>
      %dma_wait3A_98 = arith.constant 0 : i32
      %dma_wait3A_99 = tpu.memref_slice %arg10[%add3A_86, %dma_wait3A_98] : memref<10112x128xf32, #tpu.memory_space<vmem_shared>> -> memref<32x128xf32, #tpu.memory_space<vmem_shared>>
      tpu.wait_dma2 semaphore(%run_scoped3A : memref<!tpu.dma_semaphore, #tpu.memory_space<semaphore_mem>>) src(%dma_wait3A_99 : memref<32x128xf32, #tpu.memory_space<vmem_shared>>) dst(%dma_wait3A_97 : memref<32x128xf32, #tpu.memory_space<hbm>>)
      tpu.yield
    }) : () -> ()
    return
  }
}

#map = affine_map<(d0, d1) -> (0, 0)>
#map1 = affine_map<(d0, d1) -> (0, 0, 0)>
module attributes {stable_mosaic.version = 14 : i64} {
  func.func @deg_kernel(%arg0: i32, %arg1: i32, %arg2: memref<1280x125xi32, #tpu.memory_space<hbm>>, %arg3: memref<2x10240x128xf32, #tpu.memory_space<hbm>>, %arg4: memref<40x125xi32, #tpu.memory_space<vmem>>, %arg5: memref<125x128xf32, #tpu.memory_space<vmem>>, %arg6: memref<10112x128xf32, #tpu.memory_space<vmem_shared>>) attributes {dimension_semantics = [#tpu.dimension_semantics<core_parallel>, #tpu.dimension_semantics<subcore_parallel>], iteration_bounds = array<i64: 2, 16>, scalar_prefetch = 0 : i64, scratch_operands = 3 : i64, tpu.core_type = #tpu.core_type<sc_vector_subcore>, window_params = [{transform_indices = #map}, {transform_indices = #map1}]} {
    %mul3A = arith.constant 16 : i32
    %mul3A_0 = arith.muli %arg0, %mul3A : i32
    %add3A = arith.addi %mul3A_0, %arg1 : i32
    %scan3A = arith.constant 0 : i32
    %scan3A_1 = arith.constant 125 : i32
    %scan3A_2 = arith.addi %scan3A, %scan3A_1 : i32
    %scan3A_3 = arith.constant 1 : i32
    scf.for %scan3A_90 = %scan3A to %scan3A_2 step %scan3A_3  : i32 {
      %mul3A_91 = arith.constant 1 : i32
      %mul3A_92 = arith.muli %scan3A_90, %mul3A_91 : i32
      %add3A_93 = arith.constant 0 : i32
      %add3A_94 = arith.addi %add3A_93, %mul3A_92 : i32
      %scan3A_95 = arith.constant 0 : i32
      %scan3A_96 = arith.constant 8 : i32
      %scan3A_97 = arith.addi %scan3A_95, %scan3A_96 : i32
      %scan3A_98 = arith.constant 1 : i32
      scf.for %scan3A_100 = %scan3A_95 to %scan3A_97 step %scan3A_98  : i32 {
        %mul3A_101 = arith.constant 16 : i32
        %mul3A_102 = arith.muli %scan3A_100, %mul3A_101 : i32
        %add3A_103 = arith.constant 0 : i32
        %add3A_104 = arith.addi %add3A_103, %mul3A_102 : i32
        %broadcast_in_dim3A = arith.constant 0.000000e+00 : f32
        %broadcast_in_dim3A_105 = vector.broadcast %broadcast_in_dim3A : f32 to vector<16xf32>
        %swap3A = arith.index_cast %add3A_94 : i32 to index
        %swap3A_106 = arith.index_cast %add3A_104 : i32 to index
        %swap3A_107 = tpu.vector_load %arg5[%swap3A, %swap3A_106] {strides = array<i32>} : memref<125x128xf32, #tpu.memory_space<vmem>>, vector<1x16xf32>,
        %swap3A_108 = vector.shape_cast %swap3A_107 : vector<1x16xf32> to vector<16xf32>
        %swap3A_109 = vector.shape_cast %broadcast_in_dim3A_105 : vector<16xf32> to vector<1x16xf32>
        tpu.vector_store %arg5[%swap3A, %swap3A_106], %swap3A_109 {strides = array<i32>} : memref<125x128xf32, #tpu.memory_space<vmem>>, vector<1x16xf32>,
      }
      %scan3A_99 = arith.constant 8 : i32
    }
    %scan3A_4 = arith.constant 125 : i32
    %mul3A_5 = arith.constant 632 : i32
    %mul3A_6 = arith.muli %arg1, %mul3A_5 : i32
    %add3A_7 = arith.constant 0 : i32
    %add3A_8 = arith.addi %mul3A_6, %add3A_7 : i32
    "tpu.region"() ({
      %run_scoped3A = tpu.sem_alloc : memref<!tpu.dma_semaphore, #tpu.memory_space<semaphore_mem>>
      %dma_start3A = arith.constant 0 : i32
      %dma_start3A_90 = arith.constant 0 : i32
      %dma_start3A_91 = tpu.memref_slice %arg5[%dma_start3A, %dma_start3A_90] : memref<125x128xf32, #tpu.memory_space<vmem>> -> memref<120x128xf32, #tpu.memory_space<vmem>>
      %dma_start3A_92 = arith.constant 0 : i32
      %dma_start3A_93 = tpu.memref_slice %arg6[%add3A_8, %dma_start3A_92] : memref<10112x128xf32, #tpu.memory_space<vmem_shared>> -> memref<120x128xf32, #tpu.memory_space<vmem_shared>>
      %dma_start3A_94 = arith.constant 0 : i32
      %dma_start3A_95 = tpu.memref_slice %arg6[%add3A_8, %dma_start3A_94] : memref<10112x128xf32, #tpu.memory_space<vmem_shared>> -> memref<120x128xf32, #tpu.memory_space<vmem_shared>>
      %dma_start3A_96 = arith.constant 0 : i32
      %dma_start3A_97 = arith.constant 0 : i32
      %dma_start3A_98 = tpu.memref_slice %arg5[%dma_start3A_96, %dma_start3A_97] : memref<125x128xf32, #tpu.memory_space<vmem>> -> memref<120x128xf32, #tpu.memory_space<vmem>>
      tpu.enqueue_dma source(%dma_start3A_98 : memref<120x128xf32, #tpu.memory_space<vmem>>) target(%dma_start3A_95 : memref<120x128xf32, #tpu.memory_space<vmem_shared>>) target_semaphore(%run_scoped3A : memref<!tpu.dma_semaphore, #tpu.memory_space<semaphore_mem>>)
      %dma_wait3A = arith.constant 0 : i32
      %dma_wait3A_99 = arith.constant 0 : i32
      %dma_wait3A_100 = tpu.memref_slice %arg5[%dma_wait3A, %dma_wait3A_99] : memref<125x128xf32, #tpu.memory_space<vmem>> -> memref<120x128xf32, #tpu.memory_space<vmem>>
      %dma_wait3A_101 = arith.constant 0 : i32
      %dma_wait3A_102 = tpu.memref_slice %arg6[%add3A_8, %dma_wait3A_101] : memref<10112x128xf32, #tpu.memory_space<vmem_shared>> -> memref<120x128xf32, #tpu.memory_space<vmem_shared>>
      %dma_wait3A_103 = arith.constant 0 : i32
      %dma_wait3A_104 = tpu.memref_slice %arg6[%add3A_8, %dma_wait3A_103] : memref<10112x128xf32, #tpu.memory_space<vmem_shared>> -> memref<120x128xf32, #tpu.memory_space<vmem_shared>>
      %dma_wait3A_105 = arith.constant 0 : i32
      %dma_wait3A_106 = arith.constant 0 : i32
      %dma_wait3A_107 = tpu.memref_slice %arg5[%dma_wait3A_105, %dma_wait3A_106] : memref<125x128xf32, #tpu.memory_space<vmem>> -> memref<120x128xf32, #tpu.memory_space<vmem>>
      tpu.wait_dma2 semaphore(%run_scoped3A : memref<!tpu.dma_semaphore, #tpu.memory_space<semaphore_mem>>) src(%dma_wait3A_107 : memref<120x128xf32, #tpu.memory_space<vmem>>) dst(%dma_wait3A_104 : memref<120x128xf32, #tpu.memory_space<vmem_shared>>)
      tpu.yield
    }) : () -> ()
    %mul3A_9 = arith.constant 632 : i32
    %mul3A_10 = arith.muli %arg1, %mul3A_9 : i32
    %add3A_11 = arith.constant 120 : i32
    %add3A_12 = arith.addi %mul3A_10, %add3A_11 : i32
    "tpu.region"() ({
      %run_scoped3A = tpu.sem_alloc : memref<!tpu.dma_semaphore, #tpu.memory_space<semaphore_mem>>
      %dma_start3A = arith.constant 0 : i32
      %dma_start3A_90 = arith.constant 0 : i32
      %dma_start3A_91 = tpu.memref_slice %arg5[%dma_start3A, %dma_start3A_90] : memref<125x128xf32, #tpu.memory_space<vmem>> -> memref<120x128xf32, #tpu.memory_space<vmem>>
      %dma_start3A_92 = arith.constant 0 : i32
      %dma_start3A_93 = tpu.memref_slice %arg6[%add3A_12, %dma_start3A_92] : memref<10112x128xf32, #tpu.memory_space<vmem_shared>> -> memref<120x128xf32, #tpu.memory_space<vmem_shared>>
      %dma_start3A_94 = arith.constant 0 : i32
      %dma_start3A_95 = tpu.memref_slice %arg6[%add3A_12, %dma_start3A_94] : memref<10112x128xf32, #tpu.memory_space<vmem_shared>> -> memref<120x128xf32, #tpu.memory_space<vmem_shared>>
      %dma_start3A_96 = arith.constant 0 : i32
      %dma_start3A_97 = arith.constant 0 : i32
      %dma_start3A_98 = tpu.memref_slice %arg5[%dma_start3A_96, %dma_start3A_97] : memref<125x128xf32, #tpu.memory_space<vmem>> -> memref<120x128xf32, #tpu.memory_space<vmem>>
      tpu.enqueue_dma source(%dma_start3A_98 : memref<120x128xf32, #tpu.memory_space<vmem>>) target(%dma_start3A_95 : memref<120x128xf32, #tpu.memory_space<vmem_shared>>) target_semaphore(%run_scoped3A : memref<!tpu.dma_semaphore, #tpu.memory_space<semaphore_mem>>)
      %dma_wait3A = arith.constant 0 : i32
      %dma_wait3A_99 = arith.constant 0 : i32
      %dma_wait3A_100 = tpu.memref_slice %arg5[%dma_wait3A, %dma_wait3A_99] : memref<125x128xf32, #tpu.memory_space<vmem>> -> memref<120x128xf32, #tpu.memory_space<vmem>>
      %dma_wait3A_101 = arith.constant 0 : i32
      %dma_wait3A_102 = tpu.memref_slice %arg6[%add3A_12, %dma_wait3A_101] : memref<10112x128xf32, #tpu.memory_space<vmem_shared>> -> memref<120x128xf32, #tpu.memory_space<vmem_shared>>
      %dma_wait3A_103 = arith.constant 0 : i32
      %dma_wait3A_104 = tpu.memref_slice %arg6[%add3A_12, %dma_wait3A_103] : memref<10112x128xf32, #tpu.memory_space<vmem_shared>> -> memref<120x128xf32, #tpu.memory_space<vmem_shared>>
      %dma_wait3A_105 = arith.constant 0 : i32
      %dma_wait3A_106 = arith.constant 0 : i32
      %dma_wait3A_107 = tpu.memref_slice %arg5[%dma_wait3A_105, %dma_wait3A_106] : memref<125x128xf32, #tpu.memory_space<vmem>> -> memref<120x128xf32, #tpu.memory_space<vmem>>
      tpu.wait_dma2 semaphore(%run_scoped3A : memref<!tpu.dma_semaphore, #tpu.memory_space<semaphore_mem>>) src(%dma_wait3A_107 : memref<120x128xf32, #tpu.memory_space<vmem>>) dst(%dma_wait3A_104 : memref<120x128xf32, #tpu.memory_space<vmem_shared>>)
      tpu.yield
    }) : () -> ()
    %mul3A_13 = arith.constant 632 : i32
    %mul3A_14 = arith.muli %arg1, %mul3A_13 : i32
    %add3A_15 = arith.constant 240 : i32
    %add3A_16 = arith.addi %mul3A_14, %add3A_15 : i32
    "tpu.region"() ({
      %run_scoped3A = tpu.sem_alloc : memref<!tpu.dma_semaphore, #tpu.memory_space<semaphore_mem>>
      %dma_start3A = arith.constant 0 : i32
      %dma_start3A_90 = arith.constant 0 : i32
      %dma_start3A_91 = tpu.memref_slice %arg5[%dma_start3A, %dma_start3A_90] : memref<125x128xf32, #tpu.memory_space<vmem>> -> memref<120x128xf32, #tpu.memory_space<vmem>>
      %dma_start3A_92 = arith.constant 0 : i32
      %dma_start3A_93 = tpu.memref_slice %arg6[%add3A_16, %dma_start3A_92] : memref<10112x128xf32, #tpu.memory_space<vmem_shared>> -> memref<120x128xf32, #tpu.memory_space<vmem_shared>>
      %dma_start3A_94 = arith.constant 0 : i32
      %dma_start3A_95 = tpu.memref_slice %arg6[%add3A_16, %dma_start3A_94] : memref<10112x128xf32, #tpu.memory_space<vmem_shared>> -> memref<120x128xf32, #tpu.memory_space<vmem_shared>>
      %dma_start3A_96 = arith.constant 0 : i32
      %dma_start3A_97 = arith.constant 0 : i32
      %dma_start3A_98 = tpu.memref_slice %arg5[%dma_start3A_96, %dma_start3A_97] : memref<125x128xf32, #tpu.memory_space<vmem>> -> memref<120x128xf32, #tpu.memory_space<vmem>>
      tpu.enqueue_dma source(%dma_start3A_98 : memref<120x128xf32, #tpu.memory_space<vmem>>) target(%dma_start3A_95 : memref<120x128xf32, #tpu.memory_space<vmem_shared>>) target_semaphore(%run_scoped3A : memref<!tpu.dma_semaphore, #tpu.memory_space<semaphore_mem>>)
      %dma_wait3A = arith.constant 0 : i32
      %dma_wait3A_99 = arith.constant 0 : i32
      %dma_wait3A_100 = tpu.memref_slice %arg5[%dma_wait3A, %dma_wait3A_99] : memref<125x128xf32, #tpu.memory_space<vmem>> -> memref<120x128xf32, #tpu.memory_space<vmem>>
      %dma_wait3A_101 = arith.constant 0 : i32
      %dma_wait3A_102 = tpu.memref_slice %arg6[%add3A_16, %dma_wait3A_101] : memref<10112x128xf32, #tpu.memory_space<vmem_shared>> -> memref<120x128xf32, #tpu.memory_space<vmem_shared>>
      %dma_wait3A_103 = arith.constant 0 : i32
      %dma_wait3A_104 = tpu.memref_slice %arg6[%add3A_16, %dma_wait3A_103] : memref<10112x128xf32, #tpu.memory_space<vmem_shared>> -> memref<120x128xf32, #tpu.memory_space<vmem_shared>>
      %dma_wait3A_105 = arith.constant 0 : i32
      %dma_wait3A_106 = arith.constant 0 : i32
      %dma_wait3A_107 = tpu.memref_slice %arg5[%dma_wait3A_105, %dma_wait3A_106] : memref<125x128xf32, #tpu.memory_space<vmem>> -> memref<120x128xf32, #tpu.memory_space<vmem>>
      tpu.wait_dma2 semaphore(%run_scoped3A : memref<!tpu.dma_semaphore, #tpu.memory_space<semaphore_mem>>) src(%dma_wait3A_107 : memref<120x128xf32, #tpu.memory_space<vmem>>) dst(%dma_wait3A_104 : memref<120x128xf32, #tpu.memory_space<vmem_shared>>)
      tpu.yield
    }) : () -> ()
    %mul3A_17 = arith.constant 632 : i32
    %mul3A_18 = arith.muli %arg1, %mul3A_17 : i32
    %add3A_19 = arith.constant 360 : i32
    %add3A_20 = arith.addi %mul3A_18, %add3A_19 : i32
    "tpu.region"() ({
      %run_scoped3A = tpu.sem_alloc : memref<!tpu.dma_semaphore, #tpu.memory_space<semaphore_mem>>
      %dma_start3A = arith.constant 0 : i32
      %dma_start3A_90 = arith.constant 0 : i32
      %dma_start3A_91 = tpu.memref_slice %arg5[%dma_start3A, %dma_start3A_90] : memref<125x128xf32, #tpu.memory_space<vmem>> -> memref<120x128xf32, #tpu.memory_space<vmem>>
      %dma_start3A_92 = arith.constant 0 : i32
      %dma_start3A_93 = tpu.memref_slice %arg6[%add3A_20, %dma_start3A_92] : memref<10112x128xf32, #tpu.memory_space<vmem_shared>> -> memref<120x128xf32, #tpu.memory_space<vmem_shared>>
      %dma_start3A_94 = arith.constant 0 : i32
      %dma_start3A_95 = tpu.memref_slice %arg6[%add3A_20, %dma_start3A_94] : memref<10112x128xf32, #tpu.memory_space<vmem_shared>> -> memref<120x128xf32, #tpu.memory_space<vmem_shared>>
      %dma_start3A_96 = arith.constant 0 : i32
      %dma_start3A_97 = arith.constant 0 : i32
      %dma_start3A_98 = tpu.memref_slice %arg5[%dma_start3A_96, %dma_start3A_97] : memref<125x128xf32, #tpu.memory_space<vmem>> -> memref<120x128xf32, #tpu.memory_space<vmem>>
      tpu.enqueue_dma source(%dma_start3A_98 : memref<120x128xf32, #tpu.memory_space<vmem>>) target(%dma_start3A_95 : memref<120x128xf32, #tpu.memory_space<vmem_shared>>) target_semaphore(%run_scoped3A : memref<!tpu.dma_semaphore, #tpu.memory_space<semaphore_mem>>)
      %dma_wait3A = arith.constant 0 : i32
      %dma_wait3A_99 = arith.constant 0 : i32
      %dma_wait3A_100 = tpu.memref_slice %arg5[%dma_wait3A, %dma_wait3A_99] : memref<125x128xf32, #tpu.memory_space<vmem>> -> memref<120x128xf32, #tpu.memory_space<vmem>>
      %dma_wait3A_101 = arith.constant 0 : i32
      %dma_wait3A_102 = tpu.memref_slice %arg6[%add3A_20, %dma_wait3A_101] : memref<10112x128xf32, #tpu.memory_space<vmem_shared>> -> memref<120x128xf32, #tpu.memory_space<vmem_shared>>
      %dma_wait3A_103 = arith.constant 0 : i32
      %dma_wait3A_104 = tpu.memref_slice %arg6[%add3A_20, %dma_wait3A_103] : memref<10112x128xf32, #tpu.memory_space<vmem_shared>> -> memref<120x128xf32, #tpu.memory_space<vmem_shared>>
      %dma_wait3A_105 = arith.constant 0 : i32
      %dma_wait3A_106 = arith.constant 0 : i32
      %dma_wait3A_107 = tpu.memref_slice %arg5[%dma_wait3A_105, %dma_wait3A_106] : memref<125x128xf32, #tpu.memory_space<vmem>> -> memref<120x128xf32, #tpu.memory_space<vmem>>
      tpu.wait_dma2 semaphore(%run_scoped3A : memref<!tpu.dma_semaphore, #tpu.memory_space<semaphore_mem>>) src(%dma_wait3A_107 : memref<120x128xf32, #tpu.memory_space<vmem>>) dst(%dma_wait3A_104 : memref<120x128xf32, #tpu.memory_space<vmem_shared>>)
      tpu.yield
    }) : () -> ()
    %mul3A_21 = arith.constant 632 : i32
    %mul3A_22 = arith.muli %arg1, %mul3A_21 : i32
    %add3A_23 = arith.constant 480 : i32
    %add3A_24 = arith.addi %mul3A_22, %add3A_23 : i32
    "tpu.region"() ({
      %run_scoped3A = tpu.sem_alloc : memref<!tpu.dma_semaphore, #tpu.memory_space<semaphore_mem>>
      %dma_start3A = arith.constant 0 : i32
      %dma_start3A_90 = arith.constant 0 : i32
      %dma_start3A_91 = tpu.memref_slice %arg5[%dma_start3A, %dma_start3A_90] : memref<125x128xf32, #tpu.memory_space<vmem>> -> memref<120x128xf32, #tpu.memory_space<vmem>>
      %dma_start3A_92 = arith.constant 0 : i32
      %dma_start3A_93 = tpu.memref_slice %arg6[%add3A_24, %dma_start3A_92] : memref<10112x128xf32, #tpu.memory_space<vmem_shared>> -> memref<120x128xf32, #tpu.memory_space<vmem_shared>>
      %dma_start3A_94 = arith.constant 0 : i32
      %dma_start3A_95 = tpu.memref_slice %arg6[%add3A_24, %dma_start3A_94] : memref<10112x128xf32, #tpu.memory_space<vmem_shared>> -> memref<120x128xf32, #tpu.memory_space<vmem_shared>>
      %dma_start3A_96 = arith.constant 0 : i32
      %dma_start3A_97 = arith.constant 0 : i32
      %dma_start3A_98 = tpu.memref_slice %arg5[%dma_start3A_96, %dma_start3A_97] : memref<125x128xf32, #tpu.memory_space<vmem>> -> memref<120x128xf32, #tpu.memory_space<vmem>>
      tpu.enqueue_dma source(%dma_start3A_98 : memref<120x128xf32, #tpu.memory_space<vmem>>) target(%dma_start3A_95 : memref<120x128xf32, #tpu.memory_space<vmem_shared>>) target_semaphore(%run_scoped3A : memref<!tpu.dma_semaphore, #tpu.memory_space<semaphore_mem>>)
      %dma_wait3A = arith.constant 0 : i32
      %dma_wait3A_99 = arith.constant 0 : i32
      %dma_wait3A_100 = tpu.memref_slice %arg5[%dma_wait3A, %dma_wait3A_99] : memref<125x128xf32, #tpu.memory_space<vmem>> -> memref<120x128xf32, #tpu.memory_space<vmem>>
      %dma_wait3A_101 = arith.constant 0 : i32
      %dma_wait3A_102 = tpu.memref_slice %arg6[%add3A_24, %dma_wait3A_101] : memref<10112x128xf32, #tpu.memory_space<vmem_shared>> -> memref<120x128xf32, #tpu.memory_space<vmem_shared>>
      %dma_wait3A_103 = arith.constant 0 : i32
      %dma_wait3A_104 = tpu.memref_slice %arg6[%add3A_24, %dma_wait3A_103] : memref<10112x128xf32, #tpu.memory_space<vmem_shared>> -> memref<120x128xf32, #tpu.memory_space<vmem_shared>>
      %dma_wait3A_105 = arith.constant 0 : i32
      %dma_wait3A_106 = arith.constant 0 : i32
      %dma_wait3A_107 = tpu.memref_slice %arg5[%dma_wait3A_105, %dma_wait3A_106] : memref<125x128xf32, #tpu.memory_space<vmem>> -> memref<120x128xf32, #tpu.memory_space<vmem>>
      tpu.wait_dma2 semaphore(%run_scoped3A : memref<!tpu.dma_semaphore, #tpu.memory_space<semaphore_mem>>) src(%dma_wait3A_107 : memref<120x128xf32, #tpu.memory_space<vmem>>) dst(%dma_wait3A_104 : memref<120x128xf32, #tpu.memory_space<vmem_shared>>)
      tpu.yield
    }) : () -> ()
    %mul3A_25 = arith.constant 632 : i32
    %mul3A_26 = arith.muli %arg1, %mul3A_25 : i32
    %add3A_27 = arith.constant 600 : i32
    %add3A_28 = arith.addi %mul3A_26, %add3A_27 : i32
    "tpu.region"() ({
      %run_scoped3A = tpu.sem_alloc : memref<!tpu.dma_semaphore, #tpu.memory_space<semaphore_mem>>
      %dma_start3A = arith.constant 0 : i32
      %dma_start3A_90 = arith.constant 0 : i32
      %dma_start3A_91 = tpu.memref_slice %arg5[%dma_start3A, %dma_start3A_90] : memref<125x128xf32, #tpu.memory_space<vmem>> -> memref<32x128xf32, #tpu.memory_space<vmem>>
      %dma_start3A_92 = arith.constant 0 : i32
      %dma_start3A_93 = tpu.memref_slice %arg6[%add3A_28, %dma_start3A_92] : memref<10112x128xf32, #tpu.memory_space<vmem_shared>> -> memref<32x128xf32, #tpu.memory_space<vmem_shared>>
      %dma_start3A_94 = arith.constant 0 : i32
      %dma_start3A_95 = tpu.memref_slice %arg6[%add3A_28, %dma_start3A_94] : memref<10112x128xf32, #tpu.memory_space<vmem_shared>> -> memref<32x128xf32, #tpu.memory_space<vmem_shared>>
      %dma_start3A_96 = arith.constant 0 : i32
      %dma_start3A_97 = arith.constant 0 : i32
      %dma_start3A_98 = tpu.memref_slice %arg5[%dma_start3A_96, %dma_start3A_97] : memref<125x128xf32, #tpu.memory_space<vmem>> -> memref<32x128xf32, #tpu.memory_space<vmem>>
      tpu.enqueue_dma source(%dma_start3A_98 : memref<32x128xf32, #tpu.memory_space<vmem>>) target(%dma_start3A_95 : memref<32x128xf32, #tpu.memory_space<vmem_shared>>) target_semaphore(%run_scoped3A : memref<!tpu.dma_semaphore, #tpu.memory_space<semaphore_mem>>)
      %dma_wait3A = arith.constant 0 : i32
      %dma_wait3A_99 = arith.constant 0 : i32
      %dma_wait3A_100 = tpu.memref_slice %arg5[%dma_wait3A, %dma_wait3A_99] : memref<125x128xf32, #tpu.memory_space<vmem>> -> memref<32x128xf32, #tpu.memory_space<vmem>>
      %dma_wait3A_101 = arith.constant 0 : i32
      %dma_wait3A_102 = tpu.memref_slice %arg6[%add3A_28, %dma_wait3A_101] : memref<10112x128xf32, #tpu.memory_space<vmem_shared>> -> memref<32x128xf32, #tpu.memory_space<vmem_shared>>
      %dma_wait3A_103 = arith.constant 0 : i32
      %dma_wait3A_104 = tpu.memref_slice %arg6[%add3A_28, %dma_wait3A_103] : memref<10112x128xf32, #tpu.memory_space<vmem_shared>> -> memref<32x128xf32, #tpu.memory_space<vmem_shared>>
      %dma_wait3A_105 = arith.constant 0 : i32
      %dma_wait3A_106 = arith.constant 0 : i32
      %dma_wait3A_107 = tpu.memref_slice %arg5[%dma_wait3A_105, %dma_wait3A_106] : memref<125x128xf32, #tpu.memory_space<vmem>> -> memref<32x128xf32, #tpu.memory_space<vmem>>
      tpu.wait_dma2 semaphore(%run_scoped3A : memref<!tpu.dma_semaphore, #tpu.memory_space<semaphore_mem>>) src(%dma_wait3A_107 : memref<32x128xf32, #tpu.memory_space<vmem>>) dst(%dma_wait3A_104 : memref<32x128xf32, #tpu.memory_space<vmem_shared>>)
      tpu.yield
    }) : () -> ()
    %scan3A_29 = arith.constant 0 : i32
    %scan3A_30 = arith.constant 125 : i32
    %scan3A_31 = arith.addi %scan3A_29, %scan3A_30 : i32
    %scan3A_32 = arith.constant 1 : i32
    scf.for %scan3A_90 = %scan3A_29 to %scan3A_31 step %scan3A_32  : i32 {
      %mul3A_91 = arith.constant 1 : i32
      %mul3A_92 = arith.muli %scan3A_90, %mul3A_91 : i32
      %add3A_93 = arith.constant 0 : i32
      %add3A_94 = arith.addi %add3A_93, %mul3A_92 : i32
      %scan3A_95 = arith.constant 0 : i32
      %scan3A_96 = arith.constant 8 : i32
      %scan3A_97 = arith.addi %scan3A_95, %scan3A_96 : i32
      %scan3A_98 = arith.constant 1 : i32
      scf.for %scan3A_100 = %scan3A_95 to %scan3A_97 step %scan3A_98  : i32 {
        %mul3A_101 = arith.constant 16 : i32
        %mul3A_102 = arith.muli %scan3A_100, %mul3A_101 : i32
        %add3A_103 = arith.constant 0 : i32
        %add3A_104 = arith.addi %add3A_103, %mul3A_102 : i32
        %broadcast_in_dim3A = arith.constant 1.000000e+00 : f32
        %broadcast_in_dim3A_105 = vector.broadcast %broadcast_in_dim3A : f32 to vector<16xf32>
        %swap3A = arith.index_cast %add3A_94 : i32 to index
        %swap3A_106 = arith.index_cast %add3A_104 : i32 to index
        %swap3A_107 = tpu.vector_load %arg5[%swap3A, %swap3A_106] {strides = array<i32>} : memref<125x128xf32, #tpu.memory_space<vmem>>, vector<1x16xf32>,
        %swap3A_108 = vector.shape_cast %swap3A_107 : vector<1x16xf32> to vector<16xf32>
        %swap3A_109 = vector.shape_cast %broadcast_in_dim3A_105 : vector<16xf32> to vector<1x16xf32>
        tpu.vector_store %arg5[%swap3A, %swap3A_106], %swap3A_109 {strides = array<i32>} : memref<125x128xf32, #tpu.memory_space<vmem>>, vector<1x16xf32>,
      }
      %scan3A_99 = arith.constant 8 : i32
    }
    %scan3A_33 = arith.constant 125 : i32
    %barrier3A = arith.constant 0 : index
    tpu.barrier barrier_id(%barrier3A)
    %mul3A_34 = arith.constant 40 : i32
    %mul3A_35 = arith.muli %add3A, %mul3A_34 : i32
    "tpu.region"() ({
      %run_scoped3A = tpu.sem_alloc : memref<!tpu.dma_semaphore, #tpu.memory_space<semaphore_mem>>
      %dma_start3A = arith.constant 0 : i32
      %dma_start3A_90 = tpu.memref_slice %arg2[%mul3A_35, %dma_start3A] : memref<1280x125xi32, #tpu.memory_space<hbm>> -> memref<40x125xi32, #tpu.memory_space<hbm>>
      %dma_start3A_91 = arith.constant 0 : i32
      %dma_start3A_92 = tpu.memref_slice %arg2[%mul3A_35, %dma_start3A_91] : memref<1280x125xi32, #tpu.memory_space<hbm>> -> memref<40x125xi32, #tpu.memory_space<hbm>>
      tpu.enqueue_dma source(%dma_start3A_92 : memref<40x125xi32, #tpu.memory_space<hbm>>) target(%arg4 : memref<40x125xi32, #tpu.memory_space<vmem>>) target_semaphore(%run_scoped3A : memref<!tpu.dma_semaphore, #tpu.memory_space<semaphore_mem>>)
      %dma_wait3A = arith.constant 0 : i32
      %dma_wait3A_93 = tpu.memref_slice %arg2[%mul3A_35, %dma_wait3A] : memref<1280x125xi32, #tpu.memory_space<hbm>> -> memref<40x125xi32, #tpu.memory_space<hbm>>
      %dma_wait3A_94 = arith.constant 0 : i32
      %dma_wait3A_95 = tpu.memref_slice %arg2[%mul3A_35, %dma_wait3A_94] : memref<1280x125xi32, #tpu.memory_space<hbm>> -> memref<40x125xi32, #tpu.memory_space<hbm>>
      tpu.wait_dma2 semaphore(%run_scoped3A : memref<!tpu.dma_semaphore, #tpu.memory_space<semaphore_mem>>) src(%dma_wait3A_95 : memref<40x125xi32, #tpu.memory_space<hbm>>) dst(%arg4 : memref<40x125xi32, #tpu.memory_space<vmem>>)
      tpu.yield
    }) : () -> ()
    %scan3A_36 = arith.constant 0 : i32
    %scan3A_37 = arith.constant 40 : i32
    %scan3A_38 = arith.addi %scan3A_36, %scan3A_37 : i32
    %scan3A_39 = arith.constant 1 : i32
    scf.for %scan3A_90 = %scan3A_36 to %scan3A_38 step %scan3A_39  : i32 {
      %mul3A_91 = arith.constant 1 : i32
      %mul3A_92 = arith.muli %scan3A_90, %mul3A_91 : i32
      %add3A_93 = arith.constant 0 : i32
      %add3A_94 = arith.addi %add3A_93, %mul3A_92 : i32
      "tpu.region"() ({
        %run_scoped3A = tpu.sem_alloc : memref<!tpu.dma_semaphore, #tpu.memory_space<semaphore_mem>>
        %dma_start3A = arith.constant 0 : i32
        %dma_start3A_95 = tpu.memref_slice %arg4[%add3A_94, %dma_start3A] : memref<40x125xi32, #tpu.memory_space<vmem>> -> memref<1x125xi32, #tpu.memory_space<vmem>>
        %dma_start3A_96 = tpu.memref_squeeze %dma_start3A_95 : memref<1x125xi32, #tpu.memory_space<vmem>> -> memref<125xi32, #tpu.memory_space<vmem>>
        %dma_start3A_97 = arith.constant 0 : i32
        %dma_start3A_98 = arith.constant 0 : i32
        %dma_start3A_99 = tpu.memref_slice %arg6[%dma_start3A_97, %dma_start3A_98] : memref<10112x128xf32, #tpu.memory_space<vmem_shared>> -> memref<10112x128xf32, #tpu.memory_space<vmem_shared>>
        tpu.enqueue_indirect_dma source(%arg5 : memref<125x128xf32, #tpu.memory_space<vmem>>) target(%dma_start3A_99 : memref<10112x128xf32, #tpu.memory_space<vmem_shared>>) offsets(%dma_start3A_96 : memref<125xi32, #tpu.memory_space<vmem>>) semaphore(%run_scoped3A : memref<!tpu.dma_semaphore, #tpu.memory_space<semaphore_mem>>) {add = true}
        %dma_wait3A = arith.constant 0 : i32
        %dma_wait3A_100 = tpu.memref_slice %arg4[%add3A_94, %dma_wait3A] : memref<40x125xi32, #tpu.memory_space<vmem>> -> memref<1x125xi32, #tpu.memory_space<vmem>>
        %dma_wait3A_101 = tpu.memref_squeeze %dma_wait3A_100 : memref<1x125xi32, #tpu.memory_space<vmem>> -> memref<125xi32, #tpu.memory_space<vmem>>
        %dma_wait3A_102 = arith.constant 0 : i32
        %dma_wait3A_103 = arith.constant 0 : i32
        %dma_wait3A_104 = tpu.memref_slice %arg6[%dma_wait3A_102, %dma_wait3A_103] : memref<10112x128xf32, #tpu.memory_space<vmem_shared>> -> memref<10112x128xf32, #tpu.memory_space<vmem_shared>>
        tpu.wait_indirect_dma semaphore(%run_scoped3A : memref<!tpu.dma_semaphore, #tpu.memory_space<semaphore_mem>>) src(%arg5 : memref<125x128xf32, #tpu.memory_space<vmem>>) dst(%dma_wait3A_104 : memref<10112x128xf32, #tpu.memory_space<vmem_shared>>)
        tpu.yield
      }) : () -> ()
    }
    %scan3A_40 = arith.constant 40 : i32
    %barrier3A_41 = arith.constant 0 : index
    tpu.barrier barrier_id(%barrier3A_41)
    %mul3A_42 = arith.constant 632 : i32
    %mul3A_43 = arith.muli %arg1, %mul3A_42 : i32
    %add3A_44 = arith.constant 0 : i32
    %add3A_45 = arith.addi %mul3A_43, %add3A_44 : i32
    %mul3A_46 = arith.constant 632 : i32
    %mul3A_47 = arith.muli %arg1, %mul3A_46 : i32
    %add3A_48 = arith.constant 0 : i32
    %add3A_49 = arith.addi %mul3A_47, %add3A_48 : i32
    "tpu.region"() ({
      %run_scoped3A = tpu.sem_alloc : memref<!tpu.dma_semaphore, #tpu.memory_space<semaphore_mem>>
      %dma_start3A = arith.constant 0 : i32
      %dma_start3A_90 = tpu.memref_slice %arg3[%arg0, %add3A_49, %dma_start3A] : memref<2x10240x128xf32, #tpu.memory_space<hbm>> -> memref<1x120x128xf32, #tpu.memory_space<hbm>>
      %dma_start3A_91 = tpu.memref_squeeze %dma_start3A_90 : memref<1x120x128xf32, #tpu.memory_space<hbm>> -> memref<120x128xf32, #tpu.memory_space<hbm>>
      %dma_start3A_92 = arith.constant 0 : i32
      %dma_start3A_93 = tpu.memref_slice %arg6[%add3A_45, %dma_start3A_92] : memref<10112x128xf32, #tpu.memory_space<vmem_shared>> -> memref<120x128xf32, #tpu.memory_space<vmem_shared>>
      tpu.enqueue_dma source(%dma_start3A_93 : memref<120x128xf32, #tpu.memory_space<vmem_shared>>) target(%dma_start3A_91 : memref<120x128xf32, #tpu.memory_space<hbm>>) target_semaphore(%run_scoped3A : memref<!tpu.dma_semaphore, #tpu.memory_space<semaphore_mem>>)
      %dma_wait3A = arith.constant 0 : i32
      %dma_wait3A_94 = tpu.memref_slice %arg3[%arg0, %add3A_49, %dma_wait3A] : memref<2x10240x128xf32, #tpu.memory_space<hbm>> -> memref<1x120x128xf32, #tpu.memory_space<hbm>>
      %dma_wait3A_95 = tpu.memref_squeeze %dma_wait3A_94 : memref<1x120x128xf32, #tpu.memory_space<hbm>> -> memref<120x128xf32, #tpu.memory_space<hbm>>
      %dma_wait3A_96 = arith.constant 0 : i32
      %dma_wait3A_97 = tpu.memref_slice %arg6[%add3A_45, %dma_wait3A_96] : memref<10112x128xf32, #tpu.memory_space<vmem_shared>> -> memref<120x128xf32, #tpu.memory_space<vmem_shared>>
      tpu.wait_dma2 semaphore(%run_scoped3A : memref<!tpu.dma_semaphore, #tpu.memory_space<semaphore_mem>>) src(%dma_wait3A_97 : memref<120x128xf32, #tpu.memory_space<vmem_shared>>) dst(%dma_wait3A_95 : memref<120x128xf32, #tpu.memory_space<hbm>>)
      tpu.yield
    }) : () -> ()
    %mul3A_50 = arith.constant 632 : i32
    %mul3A_51 = arith.muli %arg1, %mul3A_50 : i32
    %add3A_52 = arith.constant 120 : i32
    %add3A_53 = arith.addi %mul3A_51, %add3A_52 : i32
    %mul3A_54 = arith.constant 632 : i32
    %mul3A_55 = arith.muli %arg1, %mul3A_54 : i32
    %add3A_56 = arith.constant 120 : i32
    %add3A_57 = arith.addi %mul3A_55, %add3A_56 : i32
    "tpu.region"() ({
      %run_scoped3A = tpu.sem_alloc : memref<!tpu.dma_semaphore, #tpu.memory_space<semaphore_mem>>
      %dma_start3A = arith.constant 0 : i32
      %dma_start3A_90 = tpu.memref_slice %arg3[%arg0, %add3A_57, %dma_start3A] : memref<2x10240x128xf32, #tpu.memory_space<hbm>> -> memref<1x120x128xf32, #tpu.memory_space<hbm>>
      %dma_start3A_91 = tpu.memref_squeeze %dma_start3A_90 : memref<1x120x128xf32, #tpu.memory_space<hbm>> -> memref<120x128xf32, #tpu.memory_space<hbm>>
      %dma_start3A_92 = arith.constant 0 : i32
      %dma_start3A_93 = tpu.memref_slice %arg6[%add3A_53, %dma_start3A_92] : memref<10112x128xf32, #tpu.memory_space<vmem_shared>> -> memref<120x128xf32, #tpu.memory_space<vmem_shared>>
      tpu.enqueue_dma source(%dma_start3A_93 : memref<120x128xf32, #tpu.memory_space<vmem_shared>>) target(%dma_start3A_91 : memref<120x128xf32, #tpu.memory_space<hbm>>) target_semaphore(%run_scoped3A : memref<!tpu.dma_semaphore, #tpu.memory_space<semaphore_mem>>)
      %dma_wait3A = arith.constant 0 : i32
      %dma_wait3A_94 = tpu.memref_slice %arg3[%arg0, %add3A_57, %dma_wait3A] : memref<2x10240x128xf32, #tpu.memory_space<hbm>> -> memref<1x120x128xf32, #tpu.memory_space<hbm>>
      %dma_wait3A_95 = tpu.memref_squeeze %dma_wait3A_94 : memref<1x120x128xf32, #tpu.memory_space<hbm>> -> memref<120x128xf32, #tpu.memory_space<hbm>>
      %dma_wait3A_96 = arith.constant 0 : i32
      %dma_wait3A_97 = tpu.memref_slice %arg6[%add3A_53, %dma_wait3A_96] : memref<10112x128xf32, #tpu.memory_space<vmem_shared>> -> memref<120x128xf32, #tpu.memory_space<vmem_shared>>
      tpu.wait_dma2 semaphore(%run_scoped3A : memref<!tpu.dma_semaphore, #tpu.memory_space<semaphore_mem>>) src(%dma_wait3A_97 : memref<120x128xf32, #tpu.memory_space<vmem_shared>>) dst(%dma_wait3A_95 : memref<120x128xf32, #tpu.memory_space<hbm>>)
      tpu.yield
    }) : () -> ()
    %mul3A_58 = arith.constant 632 : i32
    %mul3A_59 = arith.muli %arg1, %mul3A_58 : i32
    %add3A_60 = arith.constant 240 : i32
    %add3A_61 = arith.addi %mul3A_59, %add3A_60 : i32
    %mul3A_62 = arith.constant 632 : i32
    %mul3A_63 = arith.muli %arg1, %mul3A_62 : i32
    %add3A_64 = arith.constant 240 : i32
    %add3A_65 = arith.addi %mul3A_63, %add3A_64 : i32
    "tpu.region"() ({
      %run_scoped3A = tpu.sem_alloc : memref<!tpu.dma_semaphore, #tpu.memory_space<semaphore_mem>>
      %dma_start3A = arith.constant 0 : i32
      %dma_start3A_90 = tpu.memref_slice %arg3[%arg0, %add3A_65, %dma_start3A] : memref<2x10240x128xf32, #tpu.memory_space<hbm>> -> memref<1x120x128xf32, #tpu.memory_space<hbm>>
      %dma_start3A_91 = tpu.memref_squeeze %dma_start3A_90 : memref<1x120x128xf32, #tpu.memory_space<hbm>> -> memref<120x128xf32, #tpu.memory_space<hbm>>
      %dma_start3A_92 = arith.constant 0 : i32
      %dma_start3A_93 = tpu.memref_slice %arg6[%add3A_61, %dma_start3A_92] : memref<10112x128xf32, #tpu.memory_space<vmem_shared>> -> memref<120x128xf32, #tpu.memory_space<vmem_shared>>
      tpu.enqueue_dma source(%dma_start3A_93 : memref<120x128xf32, #tpu.memory_space<vmem_shared>>) target(%dma_start3A_91 : memref<120x128xf32, #tpu.memory_space<hbm>>) target_semaphore(%run_scoped3A : memref<!tpu.dma_semaphore, #tpu.memory_space<semaphore_mem>>)
      %dma_wait3A = arith.constant 0 : i32
      %dma_wait3A_94 = tpu.memref_slice %arg3[%arg0, %add3A_65, %dma_wait3A] : memref<2x10240x128xf32, #tpu.memory_space<hbm>> -> memref<1x120x128xf32, #tpu.memory_space<hbm>>
      %dma_wait3A_95 = tpu.memref_squeeze %dma_wait3A_94 : memref<1x120x128xf32, #tpu.memory_space<hbm>> -> memref<120x128xf32, #tpu.memory_space<hbm>>
      %dma_wait3A_96 = arith.constant 0 : i32
      %dma_wait3A_97 = tpu.memref_slice %arg6[%add3A_61, %dma_wait3A_96] : memref<10112x128xf32, #tpu.memory_space<vmem_shared>> -> memref<120x128xf32, #tpu.memory_space<vmem_shared>>
      tpu.wait_dma2 semaphore(%run_scoped3A : memref<!tpu.dma_semaphore, #tpu.memory_space<semaphore_mem>>) src(%dma_wait3A_97 : memref<120x128xf32, #tpu.memory_space<vmem_shared>>) dst(%dma_wait3A_95 : memref<120x128xf32, #tpu.memory_space<hbm>>)
      tpu.yield
    }) : () -> ()
    %mul3A_66 = arith.constant 632 : i32
    %mul3A_67 = arith.muli %arg1, %mul3A_66 : i32
    %add3A_68 = arith.constant 360 : i32
    %add3A_69 = arith.addi %mul3A_67, %add3A_68 : i32
    %mul3A_70 = arith.constant 632 : i32
    %mul3A_71 = arith.muli %arg1, %mul3A_70 : i32
    %add3A_72 = arith.constant 360 : i32
    %add3A_73 = arith.addi %mul3A_71, %add3A_72 : i32
    "tpu.region"() ({
      %run_scoped3A = tpu.sem_alloc : memref<!tpu.dma_semaphore, #tpu.memory_space<semaphore_mem>>
      %dma_start3A = arith.constant 0 : i32
      %dma_start3A_90 = tpu.memref_slice %arg3[%arg0, %add3A_73, %dma_start3A] : memref<2x10240x128xf32, #tpu.memory_space<hbm>> -> memref<1x120x128xf32, #tpu.memory_space<hbm>>
      %dma_start3A_91 = tpu.memref_squeeze %dma_start3A_90 : memref<1x120x128xf32, #tpu.memory_space<hbm>> -> memref<120x128xf32, #tpu.memory_space<hbm>>
      %dma_start3A_92 = arith.constant 0 : i32
      %dma_start3A_93 = tpu.memref_slice %arg6[%add3A_69, %dma_start3A_92] : memref<10112x128xf32, #tpu.memory_space<vmem_shared>> -> memref<120x128xf32, #tpu.memory_space<vmem_shared>>
      tpu.enqueue_dma source(%dma_start3A_93 : memref<120x128xf32, #tpu.memory_space<vmem_shared>>) target(%dma_start3A_91 : memref<120x128xf32, #tpu.memory_space<hbm>>) target_semaphore(%run_scoped3A : memref<!tpu.dma_semaphore, #tpu.memory_space<semaphore_mem>>)
      %dma_wait3A = arith.constant 0 : i32
      %dma_wait3A_94 = tpu.memref_slice %arg3[%arg0, %add3A_73, %dma_wait3A] : memref<2x10240x128xf32, #tpu.memory_space<hbm>> -> memref<1x120x128xf32, #tpu.memory_space<hbm>>
      %dma_wait3A_95 = tpu.memref_squeeze %dma_wait3A_94 : memref<1x120x128xf32, #tpu.memory_space<hbm>> -> memref<120x128xf32, #tpu.memory_space<hbm>>
      %dma_wait3A_96 = arith.constant 0 : i32
      %dma_wait3A_97 = tpu.memref_slice %arg6[%add3A_69, %dma_wait3A_96] : memref<10112x128xf32, #tpu.memory_space<vmem_shared>> -> memref<120x128xf32, #tpu.memory_space<vmem_shared>>
      tpu.wait_dma2 semaphore(%run_scoped3A : memref<!tpu.dma_semaphore, #tpu.memory_space<semaphore_mem>>) src(%dma_wait3A_97 : memref<120x128xf32, #tpu.memory_space<vmem_shared>>) dst(%dma_wait3A_95 : memref<120x128xf32, #tpu.memory_space<hbm>>)
      tpu.yield
    }) : () -> ()
    %mul3A_74 = arith.constant 632 : i32
    %mul3A_75 = arith.muli %arg1, %mul3A_74 : i32
    %add3A_76 = arith.constant 480 : i32
    %add3A_77 = arith.addi %mul3A_75, %add3A_76 : i32
    %mul3A_78 = arith.constant 632 : i32
    %mul3A_79 = arith.muli %arg1, %mul3A_78 : i32
    %add3A_80 = arith.constant 480 : i32
    %add3A_81 = arith.addi %mul3A_79, %add3A_80 : i32
    "tpu.region"() ({
      %run_scoped3A = tpu.sem_alloc : memref<!tpu.dma_semaphore, #tpu.memory_space<semaphore_mem>>
      %dma_start3A = arith.constant 0 : i32
      %dma_start3A_90 = tpu.memref_slice %arg3[%arg0, %add3A_81, %dma_start3A] : memref<2x10240x128xf32, #tpu.memory_space<hbm>> -> memref<1x120x128xf32, #tpu.memory_space<hbm>>
      %dma_start3A_91 = tpu.memref_squeeze %dma_start3A_90 : memref<1x120x128xf32, #tpu.memory_space<hbm>> -> memref<120x128xf32, #tpu.memory_space<hbm>>
      %dma_start3A_92 = arith.constant 0 : i32
      %dma_start3A_93 = tpu.memref_slice %arg6[%add3A_77, %dma_start3A_92] : memref<10112x128xf32, #tpu.memory_space<vmem_shared>> -> memref<120x128xf32, #tpu.memory_space<vmem_shared>>
      tpu.enqueue_dma source(%dma_start3A_93 : memref<120x128xf32, #tpu.memory_space<vmem_shared>>) target(%dma_start3A_91 : memref<120x128xf32, #tpu.memory_space<hbm>>) target_semaphore(%run_scoped3A : memref<!tpu.dma_semaphore, #tpu.memory_space<semaphore_mem>>)
      %dma_wait3A = arith.constant 0 : i32
      %dma_wait3A_94 = tpu.memref_slice %arg3[%arg0, %add3A_81, %dma_wait3A] : memref<2x10240x128xf32, #tpu.memory_space<hbm>> -> memref<1x120x128xf32, #tpu.memory_space<hbm>>
      %dma_wait3A_95 = tpu.memref_squeeze %dma_wait3A_94 : memref<1x120x128xf32, #tpu.memory_space<hbm>> -> memref<120x128xf32, #tpu.memory_space<hbm>>
      %dma_wait3A_96 = arith.constant 0 : i32
      %dma_wait3A_97 = tpu.memref_slice %arg6[%add3A_77, %dma_wait3A_96] : memref<10112x128xf32, #tpu.memory_space<vmem_shared>> -> memref<120x128xf32, #tpu.memory_space<vmem_shared>>
      tpu.wait_dma2 semaphore(%run_scoped3A : memref<!tpu.dma_semaphore, #tpu.memory_space<semaphore_mem>>) src(%dma_wait3A_97 : memref<120x128xf32, #tpu.memory_space<vmem_shared>>) dst(%dma_wait3A_95 : memref<120x128xf32, #tpu.memory_space<hbm>>)
      tpu.yield
    }) : () -> ()
    %mul3A_82 = arith.constant 632 : i32
    %mul3A_83 = arith.muli %arg1, %mul3A_82 : i32
    %add3A_84 = arith.constant 600 : i32
    %add3A_85 = arith.addi %mul3A_83, %add3A_84 : i32
    %mul3A_86 = arith.constant 632 : i32
    %mul3A_87 = arith.muli %arg1, %mul3A_86 : i32
    %add3A_88 = arith.constant 600 : i32
    %add3A_89 = arith.addi %mul3A_87, %add3A_88 : i32
    "tpu.region"() ({
      %run_scoped3A = tpu.sem_alloc : memref<!tpu.dma_semaphore, #tpu.memory_space<semaphore_mem>>
      %dma_start3A = arith.constant 0 : i32
      %dma_start3A_90 = tpu.memref_slice %arg3[%arg0, %add3A_89, %dma_start3A] : memref<2x10240x128xf32, #tpu.memory_space<hbm>> -> memref<1x32x128xf32, #tpu.memory_space<hbm>>
      %dma_start3A_91 = tpu.memref_squeeze %dma_start3A_90 : memref<1x32x128xf32, #tpu.memory_space<hbm>> -> memref<32x128xf32, #tpu.memory_space<hbm>>
      %dma_start3A_92 = arith.constant 0 : i32
      %dma_start3A_93 = tpu.memref_slice %arg6[%add3A_85, %dma_start3A_92] : memref<10112x128xf32, #tpu.memory_space<vmem_shared>> -> memref<32x128xf32, #tpu.memory_space<vmem_shared>>
      tpu.enqueue_dma source(%dma_start3A_93 : memref<32x128xf32, #tpu.memory_space<vmem_shared>>) target(%dma_start3A_91 : memref<32x128xf32, #tpu.memory_space<hbm>>) target_semaphore(%run_scoped3A : memref<!tpu.dma_semaphore, #tpu.memory_space<semaphore_mem>>)
      %dma_wait3A = arith.constant 0 : i32
      %dma_wait3A_94 = tpu.memref_slice %arg3[%arg0, %add3A_89, %dma_wait3A] : memref<2x10240x128xf32, #tpu.memory_space<hbm>> -> memref<1x32x128xf32, #tpu.memory_space<hbm>>
      %dma_wait3A_95 = tpu.memref_squeeze %dma_wait3A_94 : memref<1x32x128xf32, #tpu.memory_space<hbm>> -> memref<32x128xf32, #tpu.memory_space<hbm>>
      %dma_wait3A_96 = arith.constant 0 : i32
      %dma_wait3A_97 = tpu.memref_slice %arg6[%add3A_85, %dma_wait3A_96] : memref<10112x128xf32, #tpu.memory_space<vmem_shared>> -> memref<32x128xf32, #tpu.memory_space<vmem_shared>>
      tpu.wait_dma2 semaphore(%run_scoped3A : memref<!tpu.dma_semaphore, #tpu.memory_space<semaphore_mem>>) src(%dma_wait3A_97 : memref<32x128xf32, #tpu.memory_space<vmem_shared>>) dst(%dma_wait3A_95 : memref<32x128xf32, #tpu.memory_space<hbm>>)
      tpu.yield
    }) : () -> ()
    return
  }
}

module attributes {stable_mosaic.version = 14 : i64} {
  func.func @body(%arg0: i32, %arg1: memref<2048x256xf32, #tpu.memory_space<vmem>>, %arg2: memref<256x128xf32, #tpu.memory_space<vmem>>, %arg3: memref<2048x128xf32, #tpu.memory_space<vmem>>) attributes {dimension_semantics = [#tpu.dimension_semantics<arbitrary>], iteration_bounds = array<i64: 5>, scalar_prefetch = 0 : i64, scratch_operands = 0 : i64, tpu.core_type = #tpu.core_type<tc>, window_params = [{transform_indices = @transform_0, window_bounds = array<i64: 2048, 256>}, {pipeline_mode = #tpu.pipeline_mode<synchronous>, transform_indices = @transform_1, window_bounds = array<i64: 256, 128>}, {transform_indices = @transform_2, window_bounds = array<i64: 2048, 128>}]} {
    %get3A = arith.constant 0 : index
    %get3A_0 = arith.constant 0 : index
    %get3A_1 = vector.load %arg1[%get3A, %get3A_0] : memref<2048x256xf32, #tpu.memory_space<vmem>>, vector<2048x256xf32>
    %get3A_2 = arith.constant 0 : index
    %get3A_3 = arith.constant 0 : index
    %get3A_4 = vector.load %arg2[%get3A_2, %get3A_3] : memref<256x128xf32, #tpu.memory_space<vmem>>, vector<256x128xf32>
    %dot_general3A = arith.constant dense<0.000000e+00> : vector<2048x128xf32>
    %dot_general3A_5 = tpu.matmul %get3A_1, %get3A_4, %dot_general3A {dimension_numbers = #tpu.dot_dimension_numbers<[1], [0], [0], [1], [0, 0, 1, 1], [], []>, transpose_lhs_hint = false} : vector<2048x256xf32>, vector<256x128xf32>, vector<2048x128xf32> -> vector<2048x128xf32>
    %swap3A = arith.constant 0 : index
    %swap3A_6 = arith.constant 0 : index
    %swap3A_7 = vector.load %arg3[%swap3A, %swap3A_6] : memref<2048x128xf32, #tpu.memory_space<vmem>>, vector<2048x128xf32>
    tpu.vector_store %arg3[%swap3A, %swap3A_6], %dot_general3A_5 {strides = array<i32>} : memref<2048x128xf32, #tpu.memory_space<vmem>>, vector<2048x128xf32>,
    return
  }
  func.func @transform_0(%arg0: i32) -> (i32, i32) {
    %c0_i32 = arith.constant 0 : i32
    %c0_i32_0 = arith.constant 0 : i32
    return %arg0, %c0_i32 : i32, i32
  }
  func.func @transform_1(%arg0: i32) -> (i32, i32) {
    %c0_i32 = arith.constant 0 : i32
    %c0_i32_0 = arith.constant 0 : i32
    %c0_i32_1 = arith.constant 0 : i32
    return %c0_i32, %c0_i32_0 : i32, i32
  }
  func.func @transform_2(%arg0: i32) -> (i32, i32) {
    %c0_i32 = arith.constant 0 : i32
    %c0_i32_0 = arith.constant 0 : i32
    return %arg0, %c0_i32 : i32, i32
  }
}

module attributes {stable_mosaic.version = 14 : i64} {
  func.func @body(%arg0: i32, %arg1: memref<2048x128xf32, #tpu.memory_space<vmem>>, %arg2: memref<2x2048x128xf32, #tpu.memory_space<vmem>>, %arg3: memref<2048x128xf32, #tpu.memory_space<vmem>>, %arg4: memref<2048x128xf32, #tpu.memory_space<vmem>>) attributes {dimension_semantics = [#tpu.dimension_semantics<arbitrary>], iteration_bounds = array<i64: 5>, scalar_prefetch = 0 : i64, scratch_operands = 0 : i64, tpu.core_type = #tpu.core_type<tc>, window_params = [{transform_indices = @transform_0, window_bounds = array<i64: 2048, 128>}, {transform_indices = @transform_1, window_bounds = array<i64: 2, 2048, 128>}, {transform_indices = @transform_2, window_bounds = array<i64: 2048, 128>}, {transform_indices = @transform_3, window_bounds = array<i64: 2048, 128>}]} {
    %get3A = arith.constant 0 : index
    %get3A_0 = arith.constant 0 : index
    %get3A_1 = arith.constant 0 : index
    %get3A_2 = vector.load %arg2[%get3A, %get3A_0, %get3A_1] : memref<2x2048x128xf32, #tpu.memory_space<vmem>>, vector<1x2048x128xf32>
    %get3A_3 = vector.shape_cast %get3A_2 : vector<1x2048x128xf32> to vector<2048x128xf32>
    %get3A_4 = arith.constant 1 : index
    %get3A_5 = arith.constant 0 : index
    %get3A_6 = arith.constant 0 : index
    %get3A_7 = vector.load %arg2[%get3A_4, %get3A_5, %get3A_6] : memref<2x2048x128xf32, #tpu.memory_space<vmem>>, vector<1x2048x128xf32>
    %get3A_8 = vector.shape_cast %get3A_7 : vector<1x2048x128xf32> to vector<2048x128xf32>
    %add3A = arith.addf %get3A_3, %get3A_8 : vector<2048x128xf32>
    %add3A_9 = arith.constant 1.000000e+00 : f32
    %add3A_10 = vector.broadcast %add3A_9 : f32 to vector<2048x128xf32>
    %add3A_11 = arith.addf %add3A, %add3A_10 : vector<2048x128xf32>
    %rsqrt3A = math.rsqrt %add3A_11 : vector<2048x128xf32>
    %swap3A = arith.constant 0 : index
    %swap3A_12 = arith.constant 0 : index
    %swap3A_13 = vector.load %arg4[%swap3A, %swap3A_12] : memref<2048x128xf32, #tpu.memory_space<vmem>>, vector<2048x128xf32>
    tpu.vector_store %arg4[%swap3A, %swap3A_12], %rsqrt3A {strides = array<i32>} : memref<2048x128xf32, #tpu.memory_space<vmem>>, vector<2048x128xf32>,
    %get3A_14 = arith.constant 0 : index
    %get3A_15 = arith.constant 0 : index
    %get3A_16 = vector.load %arg1[%get3A_14, %get3A_15] : memref<2048x128xf32, #tpu.memory_space<vmem>>, vector<2048x128xf32>
    %mul3A = arith.mulf %rsqrt3A, %get3A_16 : vector<2048x128xf32>
    %swap3A_17 = arith.constant 0 : index
    %swap3A_18 = arith.constant 0 : index
    %swap3A_19 = vector.load %arg3[%swap3A_17, %swap3A_18] : memref<2048x128xf32, #tpu.memory_space<vmem>>, vector<2048x128xf32>
    tpu.vector_store %arg3[%swap3A_17, %swap3A_18], %mul3A {strides = array<i32>} : memref<2048x128xf32, #tpu.memory_space<vmem>>, vector<2048x128xf32>,
    return
  }
  func.func @transform_0(%arg0: i32) -> (i32, i32) {
    %c0_i32 = arith.constant 0 : i32
    %c0_i32_0 = arith.constant 0 : i32
    return %arg0, %c0_i32 : i32, i32
  }
  func.func @transform_1(%arg0: i32) -> (i32, i32, i32) {
    %c0_i32 = arith.constant 0 : i32
    %c0_i32_0 = arith.constant 0 : i32
    %c0_i32_1 = arith.constant 0 : i32
    return %c0_i32, %arg0, %c0_i32_0 : i32, i32, i32
  }
  func.func @transform_2(%arg0: i32) -> (i32, i32) {
    %c0_i32 = arith.constant 0 : i32
    %c0_i32_0 = arith.constant 0 : i32
    return %arg0, %c0_i32 : i32, i32
  }
  func.func @transform_3(%arg0: i32) -> (i32, i32) {
    %c0_i32 = arith.constant 0 : i32
    %c0_i32_0 = arith.constant 0 : i32
    return %arg0, %c0_i32 : i32, i32
  }
}

module attributes {stable_mosaic.version = 14 : i64} {
  func.func @body(%arg0: i32, %arg1: memref<2x2048x128xf32, #tpu.memory_space<vmem>>, %arg2: memref<2048x128xf32, #tpu.memory_space<vmem>>, %arg3: memref<2048x128xf32, #tpu.memory_space<vmem>>, %arg4: memref<1x128xf32, #tpu.memory_space<vmem>>, %arg5: memref<2048x128xf32, #tpu.memory_space<vmem>>) attributes {dimension_semantics = [#tpu.dimension_semantics<arbitrary>], iteration_bounds = array<i64: 5>, scalar_prefetch = 0 : i64, scratch_operands = 0 : i64, tpu.core_type = #tpu.core_type<tc>, window_params = [{transform_indices = @transform_0, window_bounds = array<i64: 2, 2048, 128>}, {transform_indices = @transform_1, window_bounds = array<i64: 2048, 128>}, {transform_indices = @transform_2, window_bounds = array<i64: 2048, 128>}, {pipeline_mode = #tpu.pipeline_mode<synchronous>, transform_indices = @transform_3, window_bounds = array<i64: 1, 128>}, {transform_indices = @transform_4, window_bounds = array<i64: 2048, 128>}]} {
    %get3A = arith.constant 0 : index
    %get3A_0 = arith.constant 0 : index
    %get3A_1 = vector.load %arg3[%get3A, %get3A_0] : memref<2048x128xf32, #tpu.memory_space<vmem>>, vector<2048x128xf32>
    %get3A_2 = arith.constant 0 : index
    %get3A_3 = arith.constant 0 : index
    %get3A_4 = arith.constant 0 : index
    %get3A_5 = vector.load %arg1[%get3A_2, %get3A_3, %get3A_4] : memref<2x2048x128xf32, #tpu.memory_space<vmem>>, vector<1x2048x128xf32>
    %get3A_6 = vector.shape_cast %get3A_5 : vector<1x2048x128xf32> to vector<2048x128xf32>
    %get3A_7 = arith.constant 1 : index
    %get3A_8 = arith.constant 0 : index
    %get3A_9 = arith.constant 0 : index
    %get3A_10 = vector.load %arg1[%get3A_7, %get3A_8, %get3A_9] : memref<2x2048x128xf32, #tpu.memory_space<vmem>>, vector<1x2048x128xf32>
    %get3A_11 = vector.shape_cast %get3A_10 : vector<1x2048x128xf32> to vector<2048x128xf32>
    %add3A = arith.addf %get3A_6, %get3A_11 : vector<2048x128xf32>
    %get3A_12 = arith.constant 0 : index
    %get3A_13 = arith.constant 0 : index
    %get3A_14 = vector.load %arg2[%get3A_12, %get3A_13] : memref<2048x128xf32, #tpu.memory_space<vmem>>, vector<2048x128xf32>
    %add3A_15 = arith.addf %add3A, %get3A_14 : vector<2048x128xf32>
    %mul3A = arith.mulf %get3A_1, %add3A_15 : vector<2048x128xf32>
    %get3A_16 = arith.constant 0 : index
    %get3A_17 = arith.constant 0 : index
    %get3A_18 = vector.load %arg4[%get3A_16, %get3A_17] : memref<1x128xf32, #tpu.memory_space<vmem>>, vector<1x128xf32>
    %add3A_19 = vector.broadcast %get3A_18 : vector<1x128xf32> to vector<2048x128xf32>
    %add3A_20 = arith.addf %mul3A, %add3A_19 : vector<2048x128xf32>
    %max3A = arith.constant 0.000000e+00 : f32
    %max3A_21 = vector.broadcast %max3A : f32 to vector<2048x128xf32>
    %max3A_22 = arith.maximumf %add3A_20, %max3A_21 : vector<2048x128xf32>
    %mul3A_23 = arith.mulf %get3A_1, %max3A_22 : vector<2048x128xf32>
    %swap3A = arith.constant 0 : index
    %swap3A_24 = arith.constant 0 : index
    %swap3A_25 = vector.load %arg5[%swap3A, %swap3A_24] : memref<2048x128xf32, #tpu.memory_space<vmem>>, vector<2048x128xf32>
    tpu.vector_store %arg5[%swap3A, %swap3A_24], %mul3A_23 {strides = array<i32>} : memref<2048x128xf32, #tpu.memory_space<vmem>>, vector<2048x128xf32>,
    return
  }
  func.func @transform_0(%arg0: i32) -> (i32, i32, i32) {
    %c0_i32 = arith.constant 0 : i32
    %c0_i32_0 = arith.constant 0 : i32
    %c0_i32_1 = arith.constant 0 : i32
    return %c0_i32, %arg0, %c0_i32_0 : i32, i32, i32
  }
  func.func @transform_1(%arg0: i32) -> (i32, i32) {
    %c0_i32 = arith.constant 0 : i32
    %c0_i32_0 = arith.constant 0 : i32
    return %arg0, %c0_i32 : i32, i32
  }
  func.func @transform_2(%arg0: i32) -> (i32, i32) {
    %c0_i32 = arith.constant 0 : i32
    %c0_i32_0 = arith.constant 0 : i32
    return %arg0, %c0_i32 : i32, i32
  }
  func.func @transform_3(%arg0: i32) -> (i32, i32) {
    %c0_i32 = arith.constant 0 : i32
    %c0_i32_0 = arith.constant 0 : i32
    %c0_i32_1 = arith.constant 0 : i32
    return %c0_i32, %c0_i32_0 : i32, i32
  }
  func.func @transform_4(%arg0: i32) -> (i32, i32) {
    %c0_i32 = arith.constant 0 : i32
    %c0_i32_0 = arith.constant 0 : i32
    return %arg0, %c0_i32 : i32, i32
  }
}

module attributes {stable_mosaic.version = 14 : i64} {
  func.func @body(%arg0: i32, %arg1: memref<2x2048x128xf32, #tpu.memory_space<vmem>>, %arg2: memref<2048x128xf32, #tpu.memory_space<vmem>>, %arg3: memref<2048x128xf32, #tpu.memory_space<vmem>>, %arg4: memref<128x256xf32, #tpu.memory_space<vmem>>, %arg5: memref<1x256xf32, #tpu.memory_space<vmem>>, %arg6: memref<2048x256xf32, #tpu.memory_space<vmem>>) attributes {dimension_semantics = [#tpu.dimension_semantics<arbitrary>], iteration_bounds = array<i64: 5>, scalar_prefetch = 0 : i64, scratch_operands = 0 : i64, tpu.core_type = #tpu.core_type<tc>, window_params = [{transform_indices = @transform_0, window_bounds = array<i64: 2, 2048, 128>}, {transform_indices = @transform_1, window_bounds = array<i64: 2048, 128>}, {transform_indices = @transform_2, window_bounds = array<i64: 2048, 128>}, {pipeline_mode = #tpu.pipeline_mode<synchronous>, transform_indices = @transform_3, window_bounds = array<i64: 128, 256>}, {pipeline_mode = #tpu.pipeline_mode<synchronous>, transform_indices = @transform_4, window_bounds = array<i64: 1, 256>}, {transform_indices = @transform_5, window_bounds = array<i64: 2048, 256>}]} {
    %get3A = arith.constant 0 : index
    %get3A_0 = arith.constant 0 : index
    %get3A_1 = vector.load %arg3[%get3A, %get3A_0] : memref<2048x128xf32, #tpu.memory_space<vmem>>, vector<2048x128xf32>
    %get3A_2 = arith.constant 0 : index
    %get3A_3 = arith.constant 0 : index
    %get3A_4 = arith.constant 0 : index
    %get3A_5 = vector.load %arg1[%get3A_2, %get3A_3, %get3A_4] : memref<2x2048x128xf32, #tpu.memory_space<vmem>>, vector<1x2048x128xf32>
    %get3A_6 = vector.shape_cast %get3A_5 : vector<1x2048x128xf32> to vector<2048x128xf32>
    %get3A_7 = arith.constant 1 : index
    %get3A_8 = arith.constant 0 : index
    %get3A_9 = arith.constant 0 : index
    %get3A_10 = vector.load %arg1[%get3A_7, %get3A_8, %get3A_9] : memref<2x2048x128xf32, #tpu.memory_space<vmem>>, vector<1x2048x128xf32>
    %get3A_11 = vector.shape_cast %get3A_10 : vector<1x2048x128xf32> to vector<2048x128xf32>
    %add3A = arith.addf %get3A_6, %get3A_11 : vector<2048x128xf32>
    %get3A_12 = arith.constant 0 : index
    %get3A_13 = arith.constant 0 : index
    %get3A_14 = vector.load %arg2[%get3A_12, %get3A_13] : memref<2048x128xf32, #tpu.memory_space<vmem>>, vector<2048x128xf32>
    %add3A_15 = arith.addf %add3A, %get3A_14 : vector<2048x128xf32>
    %mul3A = arith.mulf %get3A_1, %add3A_15 : vector<2048x128xf32>
    %get3A_16 = arith.constant 0 : index
    %get3A_17 = arith.constant 0 : index
    %get3A_18 = vector.load %arg4[%get3A_16, %get3A_17] : memref<128x256xf32, #tpu.memory_space<vmem>>, vector<128x256xf32>
    %dot_general3A = arith.constant dense<0.000000e+00> : vector<2048x256xf32>
    %dot_general3A_19 = tpu.matmul %mul3A, %get3A_18, %dot_general3A {dimension_numbers = #tpu.dot_dimension_numbers<[1], [0], [0], [1], [0, 0, 1, 1], [], []>, transpose_lhs_hint = false} : vector<2048x128xf32>, vector<128x256xf32>, vector<2048x256xf32> -> vector<2048x256xf32>
    %get3A_20 = arith.constant 0 : index
    %get3A_21 = arith.constant 0 : index
    %get3A_22 = vector.load %arg5[%get3A_20, %get3A_21] : memref<1x256xf32, #tpu.memory_space<vmem>>, vector<1x256xf32>
    %add3A_23 = vector.broadcast %get3A_22 : vector<1x256xf32> to vector<2048x256xf32>
    %add3A_24 = arith.addf %dot_general3A_19, %add3A_23 : vector<2048x256xf32>
    %max3A = arith.constant 0.000000e+00 : f32
    %max3A_25 = vector.broadcast %max3A : f32 to vector<2048x256xf32>
    %max3A_26 = arith.maximumf %add3A_24, %max3A_25 : vector<2048x256xf32>
    %swap3A = arith.constant 0 : index
    %swap3A_27 = arith.constant 0 : index
    %swap3A_28 = vector.load %arg6[%swap3A, %swap3A_27] : memref<2048x256xf32, #tpu.memory_space<vmem>>, vector<2048x256xf32>
    tpu.vector_store %arg6[%swap3A, %swap3A_27], %max3A_26 {strides = array<i32>} : memref<2048x256xf32, #tpu.memory_space<vmem>>, vector<2048x256xf32>,
    return
  }
  func.func @transform_0(%arg0: i32) -> (i32, i32, i32) {
    %c0_i32 = arith.constant 0 : i32
    %c0_i32_0 = arith.constant 0 : i32
    %c0_i32_1 = arith.constant 0 : i32
    return %c0_i32, %arg0, %c0_i32_0 : i32, i32, i32
  }
  func.func @transform_1(%arg0: i32) -> (i32, i32) {
    %c0_i32 = arith.constant 0 : i32
    %c0_i32_0 = arith.constant 0 : i32
    return %arg0, %c0_i32 : i32, i32
  }
  func.func @transform_2(%arg0: i32) -> (i32, i32) {
    %c0_i32 = arith.constant 0 : i32
    %c0_i32_0 = arith.constant 0 : i32
    return %arg0, %c0_i32 : i32, i32
  }
  func.func @transform_3(%arg0: i32) -> (i32, i32) {
    %c0_i32 = arith.constant 0 : i32
    %c0_i32_0 = arith.constant 0 : i32
    %c0_i32_1 = arith.constant 0 : i32
    return %c0_i32, %c0_i32_0 : i32, i32
  }
  func.func @transform_4(%arg0: i32) -> (i32, i32) {
    %c0_i32 = arith.constant 0 : i32
    %c0_i32_0 = arith.constant 0 : i32
    %c0_i32_1 = arith.constant 0 : i32
    return %c0_i32, %c0_i32_0 : i32, i32
  }
  func.func @transform_5(%arg0: i32) -> (i32, i32) {
    %c0_i32 = arith.constant 0 : i32
    %c0_i32_0 = arith.constant 0 : i32
    return %arg0, %c0_i32 : i32, i32
  }
}

</mosaic_0001>

<sc_bundles>
// kernel: kernel.12.cloned.1.call-start
scs
__scs_entry_jumppad:
0x0: {  	(pc) =	sbr.rel $0x88, $3  }
0x1: {  	(tag) =	ssettag $0x0;
	lr =	simm.s32 $0x1  }
0x2: {  	[smem:$0x3F9B] =	sst lr;
	_ =	strace $0xD0000000  }
0x3: {  	_ = 	snop  }
0x4: {  	_ = 	snop  }
0x5: {  	_ = 	snop  }
0x6: {  	_ = 	snop  }
0x7: {  	_ = 	snop  }
__scs_overlays_trampoline_lowered:
0x8: {  	[smem:$0x3FAA] =	sst s0  }
0x9: {  	[smem:$0x3FAB] =	sst s1  }
0xa: {  	[smem:$0x3FAC] =	sst s2  }
0xb: {  	[smem:$0x3FAD] =	sst s3  }
0xc: {  	[smem:$0x3FAE] =	sst s4  }
0xd: {  	[smem:$0x3FAF] =	sst s5  }
0xe: {  	[smem:$0x3FB0] =	sst s6  }
0xf: {  	[smem:$0x3FB1] =	sst s7  }
0x10: {  	[smem:$0x3FB2] =	sst s8  }
0x11: {  	[smem:$0x3FB3] =	sst s9;
	s0 =	simm.s32 @!p0 $0x0  }
0x12: {  	s1 =	sld [smem:$0x3F99];
	s0 =	simm.s32 @p0 $0x1  }
0x13: {  	[smem:$0x3FB4] =	sst s0;
	s0 =	simm.s32 @!p1 $0x0  }
0x14: {  	s2 =	sld [smem:$0x3F98];
	s0 =	simm.s32 @p1 $0x1  }
0x15: {  	[smem:$0x3FB5] =	sst s0;
	s0 =	simm.s32 @!p2 $0x0  }
0x16: {  	s3 =	sld [smem:$0x3FDB];
	s0 =	simm.s32 @p2 $0x1  }
0x17: {  	s4 =	simm.s32 $0x1BF5;
	[smem:$0x3FB7] =	sst s0  }
0x18: {  	s0 =	sld [smem:$0x3F9A];
	_ =	swait.ge [sflag:s4], $0x0  }
0x19: {  	s7 =	sld [smem:$0x3F9B]  }
0x1a: {  	s8 =	sadd.s32 $0xFFFFE003, lr  }
0x1b: {  	s9 =	sadd.s32 $0xFFFFFEF7, lr;
	s5 =	simm.s32 $0xFFFFFFFF;
	p2 =	slt.u32 s8, $0xFFFFF086  }
0x1c: {  	p1 =	slt.u32 s9, $0xF7A;
	s5 =	simm.s32 @!p2 $0x0  }
0x1d: {  	s5 =	simm.s32 @p1 $0x1;
	p0 =	seq.s32 s7, s2  }
0x1e: {  	s7 =	smul.u32 @!p0 $0xF7A, s2;
	p2 =	seq.s32 @!p0 s5, $0x0  }
0x1f: {  	s9 =	smul.u32 $0xF7A, s1;
	s8 =	simm.s32 @!p0 $0x1BF5;
	p2 =	por !p2, p0  }
0x20: {  	[sflag:s8] =	ssyncset.s32 @!p0 $0xFFFFF086;
	s6 =	sadd.s32 @!p0 s3, s7;
	s7 =	simm.s32 @!p0 $0x108  }
0x21: {  	s3 =	sadd.s32 s3, s9;
	s6 =	sadd.s32 @!p0 $0x88, s6;
	s7 =	simm.s32 @p2 $0x1082  }
0x22: {  	[simem:s7], [sflag:s8] =	dma.local @!p0 [hbm:s6], $0xF7A  }
0x23: {  	s9 =	sor.u32 $0xD0000000, s2;
	s6 =	simm.s32 $0x108;
	_ =	swait.ge @!p0 [sflag:s8], $0x0  }
0x24: {  	s3 =	sadd.s32 $0x88, s3;
	s6 =	simm.s32 @!p1 $0x1082;
	[sflag:s4] =	ssyncset.s32 $0xFFFFF086  }
0x25: {  	[simem:s6], [sflag:s4] =	dma.local [hbm:s3], $0xF7A  }
0x26: {  	[smem:$0x3F9B] =	sst s1;
	(tag) =	ssettag s2;
	_ =	strace s9  }
0x27: {  	s1 =	sld [smem:$0x3FAB]  }
0x28: {  	s2 =	sld [smem:$0x3FAC]  }
0x29: {  	s4 =	sld [smem:$0x3FAE]  }
0x2a: {  	p0 =	seq.s32 s5, $0x0;
	s5 =	sld [smem:$0x3FAF]  }
0x2b: {  	s6 =	sld [smem:$0x3FB0]  }
0x2c: {  	s7 =	sld [smem:$0x3FB1]  }
0x2d: {  	s3 =	simm.s32 $0x108;
	s8 =	sld [smem:$0x3FB2]  }
0x2e: {  	s3 =	simm.s32 @!p0 $0x1082;
	s9 =	sld [smem:$0x3FB3]  }
0x2f: {  	lr =	sadd.s32 s0, s3;
	s0 =	sld [smem:$0x3FAA]  }
0x30: {  	s3 =	sld [smem:$0x3FAD]  }
0x31: {  	[smem:$0x3FB6] =	sst s10  }
0x32: {  	s10 =	sld [smem:$0x3FB4];
	_ =	sdelay $0x3  }
0x33: {  	p0 =	seq.s32 s10, $0x1;
	s10 =	sld [smem:$0x3FB6];
	_ =	sdelay $0x3  }
0x34: {  	[smem:$0x3FB6] =	sst s10  }
0x35: {  	s10 =	sld [smem:$0x3FB5];
	_ =	sdelay $0x3  }
0x36: {  	p1 =	seq.s32 s10, $0x1;
	s10 =	sld [smem:$0x3FB6];
	_ =	sdelay $0x3  }
0x37: {  	[smem:$0x3FB6] =	sst s10  }
0x38: {  	s10 =	sld [smem:$0x3FB7]  }
0x39: {  	_ = 	snop;
	(pc) =	sbr.ind lr, $3  }
0x3a: {  	_ = 	snop  }
0x3b: {  	_ = 	snop  }
0x3c: {  	p2 =	seq.s32 s10, $0x1;
	s10 =	sld [smem:$0x3FB6]  }
0x3d: {  	_ =	shalt  }
0x3e: {  	_ =	shalt  }
0x3f: {  	_ =	shalt  }
0x40: {  	_ =	shalt  }
0x41: {  	_ =	shalt  }
0x42: {  	_ =	shalt  }
0x43: {  	_ =	shalt  }
0x44: {  	_ =	shalt  }
0x45: {  	_ =	shalt  }
0x46: {  	_ =	shalt  }
0x47: {  	_ =	shalt  }
0x48: {  	_ =	shalt  }
0x49: {  	_ =	shalt  }
0x4a: {  	_ =	shalt  }
0x4b: {  	_ =	shalt  }
0x4c: {  	_ =	shalt  }
0x4d: {  	_ =	shalt  }
0x4e: {  	_ =	shalt  }
0x4f: {  	_ =	shalt  }
0x50: {  	_ =	shalt  }
0x51: {  	_ =	shalt  }
0x52: {  	_ =	shalt  }
0x53: {  	_ =	shalt  }
0x54: {  	_ =	shalt  }
0x55: {  	_ =	shalt  }
0x56: {  	_ =	shalt  }
0x57: {  	_ =	shalt  }
0x58: {  	_ =	shalt  }
0x59: {  	_ =	shalt  }
0x5a: {  	_ =	shalt  }
0x5b: {  	_ =	shalt  }
0x5c: {  	_ =	shalt  }
0x5d: {  	_ =	shalt  }
0x5e: {  	_ =	shalt  }
0x5f: {  	_ =	shalt  }
0x60: {  	_ =	shalt  }
0x61: {  	_ =	shalt  }
0x62: {  	_ =	shalt  }
0x63: {  	_ =	shalt  }
0x64: {  	_ =	shalt  }
0x65: {  	_ =	shalt  }
0x66: {  	_ =	shalt  }
0x67: {  	_ =	shalt  }
0x68: {  	_ =	shalt  }
0x69: {  	_ =	shalt  }
0x6a: {  	_ =	shalt  }
0x6b: {  	_ =	shalt  }
0x6c: {  	_ =	shalt  }
0x6d: {  	_ =	shalt  }
0x6e: {  	_ =	shalt  }
0x6f: {  	_ =	shalt  }
0x70: {  	_ =	shalt  }
0x71: {  	_ =	shalt  }
0x72: {  	_ =	shalt  }
0x73: {  	_ =	shalt  }
0x74: {  	_ =	shalt  }
0x75: {  	_ =	shalt  }
0x76: {  	_ =	shalt  }
0x77: {  	_ =	shalt  }
0x78: {  	_ =	shalt  }
0x79: {  	_ =	shalt  }
0x7a: {  	_ =	shalt  }
0x7b: {  	_ =	shalt  }
0x7c: {  	_ =	shalt  }
0x7d: {  	_ =	shalt  }
0x7e: {  	_ =	shalt  }
0x7f: {  	_ =	shalt  }
0x80: {  	_ =	shalt  }
0x81: {  	_ =	shalt  }
0x82: {  	_ =	shalt  }
0x83: {  	_ =	shalt  }
0x84: {  	_ =	shalt  }
0x85: {  	_ =	shalt  }
0x86: {  	_ =	shalt  }
0x87: {  	_ =	shalt  }
.Lfunc_end0:
.L_simem_size_0:
called_computation.1_lowered:
.L_overlay_start_0:
0x88: {  	s2 =	sld [smem:$0x3FD9]  }
0x89: {  	s3 =	sld [smem:$0x3FFE];
	_ =	sdelay $0x1  }
0x8a: {  	s1 =	srdreg.scid  }
0x8b: {  	s0 =	sand.u32 $0x1, s1  }
0x8c: {  	s17 =	sshll.u32 s0, $0xA;
	s2 =	sadd.s32 s3, s2  }
0x8d: {  	s2 =	sadd.s32 s2, s17  }
0x8e: {  	[smem:$0x3FC2] =	sst s2  }
0x8f: {  	_ = 	snop  }
0x90: {  	s2 =	sld [smem:$0x3FD0];
	(tm) =	ssettm $0x1  }
0x91: {  	s18 =	sld [smem:$0x3FFB];
	_ =	sdelay $0x3  }
0x92: {  	_ =	strace s18  }
0x93: {  	s3 =	sld [smem:$0x3FFC];
	_ =	sdelay $0x3  }
0x94: {  	_ =	strace s3  }
0x95: {  	s3 =	sld [smem:$0x3FFD];
	_ =	sdelay $0x3  }
0x96: {  	_ =	strace s3  }
0x97: {  	_ =	strace $0x8FFFFFFF  }
0x98: {  	s19 =	sld [smem:$0x3FDB];
	_ =	sdelay $0x1  }
0x99: {  	s4 =	simm.s32 $_scs_section_size  }
0x9a: {  	s5 =	simm.s32 $_size__tile_overlayer_lowered;
	s6 =	simm.s32 $_tile_overlayer_lowered  }
0x9b: {  	s22 =	simm.s32 $0x1BFF;
	s21 =	sshll.u32 s6, $0x1;
	s3 =	sadd.s32 s4, s19  }
0x9c: {  	s7 =	simm.s32 $0x0;
	s20 =	sshll.u32 s5, $0x1;
	s5 =	sadd.s32 s21, s3  }
0x9d: {  	[timem:s7], [sflag:s22] =	dma.local [hbm:s5], s20  }
0x9e: {  	_ =	swait.ge [sflag:s22], s20  }
0x9f: {  	s4 =	ssub.s32 $0x0, s20;
	[sflag:s22] =	ssyncset.done $0x0  }
0xa0: {  	[sflag:s22] =	ssyncadd.s32 s4;
	_ =	sdelay $0x1  }
0xa1: {  	s23 =	simm.s32 $0x1B8B  }
0xa2: {  	_ =	swait.ge [sflag:s23], $0x1  }
0xa3: {  	[sflag:s23] =	ssyncset.done $0x0  }
0xa4: {  	s25 =	simm.s32 $0x1B8E;
	s24 =	sld [smem:$0x3FFE];
	[sflag:s23] =	ssyncadd.s32 $0xFFFFFFFF  }
0xa5: {  	s26 =	simm.s32 $execute0_lowered;
	[smem:$0x3FD2] =	sst s25  }
0xa6: {  	s5 =	sshll.u32 s26, $0x1;
	_ =	strace $0x80000049;
	[dreg:$0x1] =	wrdreg $0xFFFFFFFF  }
0xa7: {  	s28 =	simm.s32 $_size_execute0_lowered;
	s3 =	sadd.s32 s3, s5;
	[dreg:$0x0] =	wrdreg $0x0  }
0xa8: {  	s5 =	sshll.u32 s28, $0x1;
	[dreg:$0x2] =	wrdreg s3  }
0xa9: {  	[dreg:$0x3] =	wrdreg s5  }
0xaa: {  	[dreg:$0x4] =	wrdreg $0xC0  }
0xab: {  	_ =	task [dreg:s7], $0x5FFFF  }
0xac: {  	[dreg:$0x1] =	wrdreg $0xFFFFFFFF  }
0xad: {  	[dreg:$0x0] =	wrdreg $0x60  }
0xae: {  	[dreg:$0x2] =	wrdreg s2  }
0xaf: {  	[dreg:$0x3] =	wrdreg s24  }
0xb0: {  	[dreg:$0x4] =	wrdreg $0xA8000  }
0xb1: {  	[dreg:$0x5] =	wrdreg $0x9  }
0xb2: {  	_ =	task.clear_ibuf [dreg:s7], $0x6FFFF;
	_ =	strace $0x90000049  }
0xb3: {  	s29 =	simm.s32 $0x9;
	_ =	strace $0x8000004B  }
0xb4: {  	_ =	swait.ge [sflag:s29], $0x1  }
0xb5: {  	[sflag:s29] =	ssyncadd.s32 $0xFFFFFFFF  }
0xb6: {  	_ =	strace $0x9000004B  }
0xb7: {  	_ =	sfence  }
0xb8: {  	s30 =	sld [smem:$0x0];
	_ =	sdelay $0x2  }
0xb9: {  	s31 =	sshll.u32 s1, $0xD;
	s1 =	sshrl.u32 s1, $0x2  }
0xba: {  	s3 =	sand.u32 $0x4000, s31;
	s1 =	sadd.s32 s1, s30  }
0xbb: {  	s0 =	sor.u32 s3, s0;
	s1 =	sshll.u32 s1, $0x11  }
0xbc: {  	s0 =	sor.u32 s1, s0  }
0xbd: {  	s0 =	sadd.s32 $0x8F2B, s0  }
0xbe: {  	[sflag:s0] =	ssyncadd.remote.s32 $0x1  }
0xbf: {  	_ =	sfence.sel $0xFFFF  }
0xc0: {  	[dreg:$0x0] =	wrdreg $0xFFFFFFFF;
	(pc) =	sbr.abs _section_cstart, $3  }
0xc1: {  	[dreg:$0x1] =	wrdreg $0xFFFFFFFF  }
0xc2: {  	_ =	task.clear_ibuf [dreg:s7], $0x2FFFF;
	_ =	strace $0x9FFFFFFF  }
0xc3: {  	(tm) =	ssettm $0x7FFFFFFF  }
tec
execute0_lowered:
.L_overlay_start_1:
0x0: {  	(tag) =	ssettag $0x1  }
0x1: {  	s1 =	rddreg [dreg:$0x0]  }
0x2: {  	s0 =	srdreg.scid;
	s5 =	rddreg [dreg:$0x1]  }
0x3: {  	s26 =	stileid.u32;
	s3 =	rddreg [dreg:$0x2];
	s21 =	simm.s32 $0x3  }
0x4: {  	s22 =	simm.s32 $0x1400;
	s23 =	simm.s32 $0x7D;
	s24 =	simm.s32 $0x1  }
0x5: {  	s25 =	simm.s32 $0x6800;
	s28 =	simm.s32 $0x1380;
	s29 =	simm.s32 $0x2700  }
0x6: {  	s30 =	simm.s32 $0x2780;
	s2 =	sand.u32 $0x1, s0;
	s7 =	smul.u32 $0x4F000, s26  }
0x7: {  	s13 =	smul.u32 $0x13C00, s26;
	s18 =	sadd.s32 $0x7400, s5;
	s4 =	sshll.u32 s2, $0x4  }
0x8: {  	s31 =	ssub.s32 $0x2, s2;
	s2 =	smul.u32 $0x140000, s2;
	s6 =	sor.u32 s26, s4  }
0x9: {  	s4 =	simm.s32 $0x0;
	s8 =	sshrl.u32 s31, $0x1;
	s7 =	sshrl.u32 s7, $0x2  }
0xa: {  	s14 =	sadd.s32 $0x3C00, s13;
	s15 =	sadd.s32 $0x7800, s13;
	s16 =	sadd.s32 $0xB400, s13  }
0xb: {  	s17 =	sadd.s32 $0xF000, s13;
	s20 =	sadd.s32 $0x12C00, s13;
	s26 =	simm.s32 $0x2  }
0xc: {  	s6 =	smul.u32 $0x280, s6;
	[smem:$0x7FF] =	sst s4;
	s19 =	ssub.s32 s31, s8  }
0xd: {  	s8 =	sadd.s32 s16, s3;
	s9 =	sadd.s32 s17, s3;
	s10 =	sadd.s32 s20, s3  }
0xe: {  	s13 =	sadd.s32 s13, s2;
	s16 =	sadd.s32 s2, s16;
	s17 =	sadd.s32 s2, s17  }
0xf: {  	_ =	strace $0x8000004A;
	s13 =	sshrl.u32 s13, $0x3;
	s16 =	sshrl.u32 s16, $0x3  }
0x10: {  	s17 =	sshrl.u32 s17, $0x3;
	s19 =	smax.u32 s19, $0x1;
	s12 =	sadd.s32 s6, s5  }
0x11: {  	s5 =	sadd.s32 s7, s3;
	s6 =	sadd.s32 s14, s3;
	s7 =	sadd.s32 s15, s3  }
0x12: {  	s14 =	sadd.s32 s2, s14;
	s15 =	sadd.s32 s2, s15;
	s13 =	sadd.s32 s18, s13  }
0x13: {  	s2 =	sadd.s32 s2, s20;
	s16 =	sadd.s32 s18, s16;
	s17 =	sadd.s32 s18, s17  }
0x14: {  	s20 =	simm.s32 $0x2800;
	s11 =	sadd.s32 $0x57400, s12;
	s12 =	sadd.s32 $0x2400, s12  }
0x15: {  	s14 =	sshrl.u32 s14, $0x3;
	s15 =	sshrl.u32 s15, $0x3;
	s2 =	sshrl.u32 s2, $0x3  }
0x16: {  	v0 =	vimm.f32 $0.0e+00;
	s14 =	sadd.s32 s18, s14;
	s15 =	sadd.s32 s18, s15;
	s18 =	sadd.s32 s18, s2  }
.LBB2_1:
0x17: {  	s31 =	simm.s32 $0x70;
	s2 =	simm.s32 $0x3C0  }
.LBB2_2:
0x18: {  	p0 =	sne.s32 s2, $0xF9C0;
	[tilespmem:s31+$0x2800] =	vst v0  }
0x19: {  	[tilespmem:s31+$0x2790] =	vst v0  }
0x1a: {  	[tilespmem:s31+$0x27A0] =	vst v0  }
.Ltmp0:
0x1b: {  	[tilespmem:s31+$0x27B0] =	vst v0;
	(pc) =	sbr.rel @p0 .LBB2_2-.Ltmp0, $4  }
0x1c: {  	[tilespmem:s31+$0x27C0] =	vst v0  }
0x1d: {  	[tilespmem:s31+$0x27D0] =	vst v0  }
0x1e: {  	[tilespmem:s31+$0x27E0] =	vst v0  }
0x1f: {  	[tilespmem:s31+$0x27F0] =	vst v0;
	s31 =	sshra.s32 s2, $0x2;
	s2 =	sadd.s32 $0x200, s2  }
0x20: {  	[tilespmem:s31+$0x2800] =	vst v0  }
0x21: {  	[tilespmem:s31+$0x2790] =	vst v0  }
0x22: {  	[tilespmem:s31+$0x27A0] =	vst v0  }
0x23: {  	[tilespmem:s31+$0x27B0] =	vst v0  }
0x24: {  	[tilespmem:s31+$0x27C0] =	vst v0  }
0x25: {  	[tilespmem:s31+$0x27D0] =	vst v0  }
0x26: {  	[tilespmem:s31+$0x27E0] =	vst v0  }
0x27: {  	[tilespmem:s31+$0x27F0] =	vst v0  }
0x28: {  	[spmem:s5] =	stream.linear.scatter [tilespmem:s20], [sflag:$0x3], $0x3C00, $0x38;
	[tilespmem:$0x1E400] =	vst v63  }
0x29: {  	_ =	swait.ge [sflag:s21], $0x3C00  }
0x2a: {  	[sflag:s21] =	ssyncset.done $0x0  }
0x2b: {  	[sflag:s21] =	ssyncadd.s32 $0xFFFFC400  }
0x2c: {  	[spmem:s6] =	stream.linear.scatter [tilespmem:s20], [sflag:$0x3], $0x3C00, $0x38;
	[tilespmem:$0x1E400] =	vst v63  }
0x2d: {  	_ =	swait.ge [sflag:s21], $0x3C00  }
0x2e: {  	[sflag:s21] =	ssyncset.done $0x0  }
0x2f: {  	[sflag:s21] =	ssyncadd.s32 $0xFFFFC400  }
0x30: {  	[spmem:s7] =	stream.linear.scatter [tilespmem:s20], [sflag:$0x3], $0x3C00, $0x38;
	[tilespmem:$0x1E400] =	vst v63  }
0x31: {  	_ =	swait.ge [sflag:s21], $0x3C00  }
0x32: {  	[sflag:s21] =	ssyncset.done $0x0  }
0x33: {  	[sflag:s21] =	ssyncadd.s32 $0xFFFFC400  }
0x34: {  	[spmem:s8] =	stream.linear.scatter [tilespmem:s20], [sflag:$0x3], $0x3C00, $0x38;
	[tilespmem:$0x1E400] =	vst v63  }
0x35: {  	_ =	swait.ge [sflag:s21], $0x3C00  }
0x36: {  	[sflag:s21] =	ssyncset.done $0x0  }
0x37: {  	[sflag:s21] =	ssyncadd.s32 $0xFFFFC400  }
0x38: {  	[spmem:s9] =	stream.linear.scatter [tilespmem:s20], [sflag:$0x3], $0x3C00, $0x38;
	[tilespmem:$0x1E400] =	vst v63  }
0x39: {  	_ =	swait.ge [sflag:s21], $0x3C00  }
0x3a: {  	[sflag:s21] =	ssyncset.done $0x0  }
0x3b: {  	[sflag:s21] =	ssyncadd.s32 $0xFFFFC400  }
0x3c: {  	[spmem:s10] =	stream.linear.scatter [tilespmem:s20], [sflag:$0x3], $0x1000, $0x38;
	[tilespmem:$0x1E400] =	vst v63  }
0x3d: {  	_ =	swait.ge [sflag:s21], $0x1000  }
0x3e: {  	[sflag:s21] =	ssyncset.done $0x0  }
0x3f: {  	[sflag:s21] =	ssyncadd.s32 $0xFFFFF000  }
0x40: {  	s2 =	simm.s32 $0x0;
	[bflag:$0x0] =	sbarrier.arrive $0xFFFF  }
0x41: {  	[tilespmem:s2], [sflag:$0x3] =	stream.linear.gather [hbm4b:s11+s2], $0x1400, $0x38;
	[tilespmem:$0x1E400] =	vst v63  }
0x42: {  	_ =	swait.ge [sflag:s21], $0x1400  }
0x43: {  	[sflag:s21] =	ssyncset.done $0x0  }
0x44: {  	[sflag:s21] =	ssyncadd.s32 $0xFFFFEC00  }
0x45: {  	[tilespmem:s22], [sflag:$0x3] =	stream.linear.gather [hbm4b:s12+s2], $0x1400, $0x38;
	[tilespmem:$0x1E400] =	vst v63  }
0x46: {  	_ =	swait.ge [sflag:s21], $0x1400  }
0x47: {  	[sflag:s21] =	ssyncset.done $0x0  }
0x48: {  	[sflag:s21] =	ssyncadd.s32 $0xFFFFEC00  }
0x49: {  	[tilespmem:s20], [sflag:$0x1] =	stream.indirect.gather [hbm4b:s1+s23], $0x80, s2, s23, $0xb8;
	[tilespmem:$0x1E400] =	vst v63  }
0x4a: {  	_ =	swait.ge [sflag:s24], $0x3E80  }
0x4b: {  	[sflag:s24] =	ssyncset.done $0x0  }
0x4c: {  	s0 =	simm.s32 $0x80;
	[sflag:s24] =	ssyncadd.s32 $0xFFFFC180  }
0x4d: {  	[tilespmem:s25], [sflag:$0x2] =	stream.indirect.gather [hbm4b:s1+s23], $0x80, s0, s23, $0xb8;
	[tilespmem:$0x1E400] =	vst v63  }
0x4e: {  	s0 =	simm.s32 $0x1400  }
0x4f: {  	[spmem:s3] =	stream.indirect.scatter.add.f32 [tilespmem:s20], [sflag:$0x3], $0x80, s0, s23, $0xb8;
	[tilespmem:$0x1E400] =	vst v63  }
0x50: {  	_ =	swait.ge [sflag:s21], $0x3E80  }
0x51: {  	[sflag:s21] =	ssyncset.done $0x0  }
0x52: {  	[sflag:s21] =	ssyncadd.s32 $0xFFFFC180  }
0x53: {  	_ =	swait.ge [sflag:s26], $0x3E80  }
0x54: {  	[sflag:s26] =	ssyncset.done $0x0  }
0x55: {  	s0 =	simm.s32 $0x100;
	[sflag:s26] =	ssyncadd.s32 $0xFFFFC180  }
0x56: {  	[tilespmem:s20], [sflag:$0x1] =	stream.indirect.gather [hbm4b:s1+s23], $0x80, s0, s23, $0xb8;
	[tilespmem:$0x1E400] =	vst v63  }
0x57: {  	s0 =	simm.s32 $0x1480  }
0x58: {  	[spmem:s3] =	stream.indirect.scatter.add.f32 [tilespmem:s25], [sflag:$0x3], $0x80, s0, s23, $0xb8;
	[tilespmem:$0x1E400] =	vst v63  }
0x59: {  	_ =	swait.ge [sflag:s21], $0x3E80  }
0x5a: {  	s31 =	simm.s32 $0x400;
	[sflag:s21] =	ssyncset.done $0x0  }
.LBB2_4:
0x5b: {  	p0 =	sne.s32 s31, $0x4800  }
0x5c: {  	[sflag:s21] =	ssyncadd.s32 $0xFFFFC180;
	s2 =	smov.u32 s31;
	s31 =	sadd.s32 $0x400, s31  }
0x5d: {  	_ = 	snop  }
0x5e: {  	_ =	swait.ge [sflag:s24], $0x3E80  }
0x5f: {  	s2 =	sshra.s32 s2, $0x2;
	[sflag:s24] =	ssyncset.done $0x0  }
0x60: {  	s0 =	sadd.s32 $0x80, s2;
	[sflag:s24] =	ssyncadd.s32 $0xFFFFC180  }
0x61: {  	[tilespmem:s25], [sflag:$0x2] =	stream.indirect.gather [hbm4b:s1+s23], $0x80, s0, s23, $0xb8;
	[tilespmem:$0x1E400] =	vst v63  }
0x62: {  	s0 =	sadd.s32 $0x1400, s2  }
0x63: {  	[spmem:s3] =	stream.indirect.scatter.add.f32 [tilespmem:s20], [sflag:$0x3], $0x80, s0, s23, $0xb8;
	[tilespmem:$0x1E400] =	vst v63  }
0x64: {  	_ =	swait.ge [sflag:s21], $0x3E80  }
0x65: {  	[sflag:s21] =	ssyncset.done $0x0  }
0x66: {  	[sflag:s21] =	ssyncadd.s32 $0xFFFFC180  }
0x67: {  	_ =	swait.ge [sflag:s26], $0x3E80  }
0x68: {  	[sflag:s26] =	ssyncset.done $0x0  }
0x69: {  	s0 =	sadd.s32 $0x100, s2;
	[sflag:s26] =	ssyncadd.s32 $0xFFFFC180  }
0x6a: {  	[tilespmem:s20], [sflag:$0x1] =	stream.indirect.gather [hbm4b:s1+s23], $0x80, s0, s23, $0xb8;
	[tilespmem:$0x1E400] =	vst v63  }
.Ltmp1:
0x6b: {  	_ = 	snop;
	(pc) =	sbr.rel @p0 .LBB2_4-.Ltmp1, $4  }
0x6c: {  	s0 =	sadd.s32 $0x1480, s2  }
0x6d: {  	[spmem:s3] =	stream.indirect.scatter.add.f32 [tilespmem:s25], [sflag:$0x3], $0x80, s0, s23, $0xb8;
	[tilespmem:$0x1E400] =	vst v63  }
0x6e: {  	_ =	swait.ge [sflag:s21], $0x3E80  }
0x6f: {  	[sflag:s21] =	ssyncset.done $0x0  }
0x70: {  	[sflag:s21] =	ssyncadd.s32 $0xFFFFC180  }
0x71: {  	_ =	swait.ge [sflag:s24], $0x3E80  }
0x72: {  	[sflag:s24] =	ssyncset.done $0x0  }
0x73: {  	[sflag:s24] =	ssyncadd.s32 $0xFFFFC180  }
0x74: {  	[tilespmem:s25], [sflag:$0x2] =	stream.indirect.gather [hbm4b:s1+s23], $0x80, s28, s23, $0xb8;
	[tilespmem:$0x1E400] =	vst v63  }
0x75: {  	_ = 	snop  }
0x76: {  	[spmem:s3] =	stream.indirect.scatter.add.f32 [tilespmem:s20], [sflag:$0x3], $0x80, s29, s23, $0xb8;
	[tilespmem:$0x1E400] =	vst v63  }
0x77: {  	_ =	swait.ge [sflag:s21], $0x3E80  }
0x78: {  	[sflag:s21] =	ssyncset.done $0x0  }
0x79: {  	[sflag:s21] =	ssyncadd.s32 $0xFFFFC180  }
0x7a: {  	_ =	swait.ge [sflag:s26], $0x3E80  }
0x7b: {  	[sflag:s26] =	ssyncset.done $0x0  }
0x7c: {  	[sflag:s26] =	ssyncadd.s32 $0xFFFFC180  }
0x7d: {  	[spmem:s3] =	stream.indirect.scatter.add.f32 [tilespmem:s25], [sflag:$0x3], $0x80, s30, s23, $0xb8;
	[tilespmem:$0x1E400] =	vst v63  }
0x7e: {  	_ =	swait.ge [sflag:s21], $0x3E80  }
0x7f: {  	s0 =	stileid.u32;
	[sflag:s21] =	ssyncset.done $0x0  }
0x80: {  	s0 =	sshll.u32 s0, $0x6;
	[sflag:s21] =	ssyncadd.s32 $0xFFFFC180  }
0x81: {  	s2 =	sshrl.u32 s5, $0x3;
	s0 =	sor.u32 $0x1C03, s0;
	[bflag:$0x0] =	sbarrier.arrive $0xFFFF  }
0x82: {  	[hbm:s13], [sflag:s0] =	dma.local [spmem:s2], $0x780  }
0x83: {  	_ =	swait.ge [sflag:s21], $0x780  }
0x84: {  	[sflag:s21] =	ssyncset.done $0x0  }
0x85: {  	s31 =	sshrl.u32 s6, $0x3;
	[sflag:s21] =	ssyncadd.s32 $0xFFFFF880  }
0x86: {  	[hbm:s14], [sflag:s0] =	dma.local [spmem:s31], $0x780  }
0x87: {  	_ =	swait.ge [sflag:s21], $0x780  }
0x88: {  	[sflag:s21] =	ssyncset.done $0x0  }
0x89: {  	s31 =	sshrl.u32 s7, $0x3;
	[sflag:s21] =	ssyncadd.s32 $0xFFFFF880  }
0x8a: {  	[hbm:s15], [sflag:s0] =	dma.local [spmem:s31], $0x780  }
0x8b: {  	_ =	swait.ge [sflag:s21], $0x780  }
0x8c: {  	[sflag:s21] =	ssyncset.done $0x0  }
0x8d: {  	s31 =	sshrl.u32 s8, $0x3;
	[sflag:s21] =	ssyncadd.s32 $0xFFFFF880  }
0x8e: {  	[hbm:s16], [sflag:s0] =	dma.local [spmem:s31], $0x780  }
0x8f: {  	_ =	swait.ge [sflag:s21], $0x780  }
0x90: {  	[sflag:s21] =	ssyncset.done $0x0  }
0x91: {  	s31 =	sshrl.u32 s9, $0x3;
	[sflag:s21] =	ssyncadd.s32 $0xFFFFF880  }
0x92: {  	[hbm:s17], [sflag:s0] =	dma.local [spmem:s31], $0x780  }
0x93: {  	s4 =	sadd.s32 $0x1, s4;
	_ =	swait.ge [sflag:s21], $0x780  }
0x94: {  	p0 =	sne.s32 s4, s19;
	[sflag:s21] =	ssyncset.done $0x0  }
.Ltmp2:
0x95: {  	s31 =	sshrl.u32 s10, $0x3;
	[sflag:s21] =	ssyncadd.s32 $0xFFFFF880;
	(pc) =	sbr.rel @p0 .LBB2_1-.Ltmp2, $4  }
0x96: {  	[hbm:s18], [sflag:s0] =	dma.local [spmem:s31], $0x200  }
0x97: {  	_ =	swait.ge [sflag:s21], $0x200  }
0x98: {  	[sflag:s21] =	ssyncset.done $0x0  }
0x99: {  	[sflag:s21] =	ssyncadd.s32 $0xFFFFFE00  }
0x9a: {  	_ =	sfence.sel $0x180000  }
0x9b: {  	[bflag:$0x0] =	sbarrier.arrive $0xFFFF  }
0x9c: {  	_ =	strace $0x9000004A  }
0x9d: {  	s0 =	stileid.u32;
	[bflag:$0x2] =	sbarrier.arrive $0xFFFF  }
0x9e: {  	p0 =	sne.s32 s0, $0x0;
	s0 =	rddreg [dreg:$0x3]  }
0x9f: {  	s0 =	sadd.s32 @!p0 $0x100000, s0  }
0xa0: {  	[sflag:s0] =	ssyncadd.tile.s32 @!p0 $0x1;
	_ =	shalt  }
.Lfunc_end2:
_tile_overlayer_lowered:
.L_overlay_start_2:
0xa1: {  	(tag) =	ssettag $0x2  }
0xa2: {  	s0 =	rddreg [dreg:$0x0];
	s2 =	stileid.u32  }
0xa3: {  	s1 =	rddreg [dreg:$0x1];
	p0 =	sne.s32 s2, $0x0  }
0xa4: {  	s3 =	rddreg [dreg:$0x2];
	[bflag:$0x3] =	sbarrier.arrive $0xFFFF;
	s2 =	simm.s32 @!p0 $0x1C03  }
0xa5: {  	[timem:s3], [sflag:s2] =	dma.local @!p0 [hbm:s0], s1  }
0xa6: {  	s0 =	simm.s32 @!p0 $0x3  }
0xa7: {  	_ =	swait.ge @!p0 [sflag:s0], s1  }
0xa8: {  	s1 =	ssub.s32 @!p0 $0x0, s1;
	[sflag:s0] =	ssyncset.done @!p0 $0x0  }
0xa9: {  	[sflag:s0] =	ssyncadd.s32 @!p0 s1  }
0xaa: {  	[bflag:$0x3] =	sbarrier.arrive $0xFFFF  }
0xab: {  	_ =	shalt  }

// kernel: kernel.15.cloned.1.call-start
scs
__scs_entry_jumppad:
0x0: {  	(pc) =	sbr.rel $0x88, $3  }
0x1: {  	(tag) =	ssettag $0x0;
	lr =	simm.s32 $0x1  }
0x2: {  	[smem:$0x3F9B] =	sst lr;
	_ =	strace $0xD0000000  }
0x3: {  	_ = 	snop  }
0x4: {  	_ = 	snop  }
0x5: {  	_ = 	snop  }
0x6: {  	_ = 	snop  }
0x7: {  	_ = 	snop  }
__scs_overlays_trampoline_lowered:
0x8: {  	[smem:$0x3FAA] =	sst s0  }
0x9: {  	[smem:$0x3FAB] =	sst s1  }
0xa: {  	[smem:$0x3FAC] =	sst s2  }
0xb: {  	[smem:$0x3FAD] =	sst s3  }
0xc: {  	[smem:$0x3FAE] =	sst s4  }
0xd: {  	[smem:$0x3FAF] =	sst s5  }
0xe: {  	[smem:$0x3FB0] =	sst s6  }
0xf: {  	[smem:$0x3FB1] =	sst s7  }
0x10: {  	[smem:$0x3FB2] =	sst s8  }
0x11: {  	[smem:$0x3FB3] =	sst s9;
	s0 =	simm.s32 @!p0 $0x0  }
0x12: {  	s1 =	sld [smem:$0x3F99];
	s0 =	simm.s32 @p0 $0x1  }
0x13: {  	[smem:$0x3FB4] =	sst s0;
	s0 =	simm.s32 @!p1 $0x0  }
0x14: {  	s2 =	sld [smem:$0x3F98];
	s0 =	simm.s32 @p1 $0x1  }
0x15: {  	[smem:$0x3FB5] =	sst s0;
	s0 =	simm.s32 @!p2 $0x0  }
0x16: {  	s3 =	sld [smem:$0x3FDB];
	s0 =	simm.s32 @p2 $0x1  }
0x17: {  	s4 =	simm.s32 $0x1BF5;
	[smem:$0x3FB7] =	sst s0  }
0x18: {  	s0 =	sld [smem:$0x3F9A];
	_ =	swait.ge [sflag:s4], $0x0  }
0x19: {  	s7 =	sld [smem:$0x3F9B]  }
0x1a: {  	s8 =	sadd.s32 $0xFFFFE003, lr  }
0x1b: {  	s9 =	sadd.s32 $0xFFFFFEF7, lr;
	s5 =	simm.s32 $0xFFFFFFFF;
	p2 =	slt.u32 s8, $0xFFFFF086  }
0x1c: {  	p1 =	slt.u32 s9, $0xF7A;
	s5 =	simm.s32 @!p2 $0x0  }
0x1d: {  	s5 =	simm.s32 @p1 $0x1;
	p0 =	seq.s32 s7, s2  }
0x1e: {  	s7 =	smul.u32 @!p0 $0xF7A, s2;
	p2 =	seq.s32 @!p0 s5, $0x0  }
0x1f: {  	s9 =	smul.u32 $0xF7A, s1;
	s8 =	simm.s32 @!p0 $0x1BF5;
	p2 =	por !p2, p0  }
0x20: {  	[sflag:s8] =	ssyncset.s32 @!p0 $0xFFFFF086;
	s6 =	sadd.s32 @!p0 s3, s7;
	s7 =	simm.s32 @!p0 $0x108  }
0x21: {  	s3 =	sadd.s32 s3, s9;
	s6 =	sadd.s32 @!p0 $0x88, s6;
	s7 =	simm.s32 @p2 $0x1082  }
0x22: {  	[simem:s7], [sflag:s8] =	dma.local @!p0 [hbm:s6], $0xF7A  }
0x23: {  	s9 =	sor.u32 $0xD0000000, s2;
	s6 =	simm.s32 $0x108;
	_ =	swait.ge @!p0 [sflag:s8], $0x0  }
0x24: {  	s3 =	sadd.s32 $0x88, s3;
	s6 =	simm.s32 @!p1 $0x1082;
	[sflag:s4] =	ssyncset.s32 $0xFFFFF086  }
0x25: {  	[simem:s6], [sflag:s4] =	dma.local [hbm:s3], $0xF7A  }
0x26: {  	[smem:$0x3F9B] =	sst s1;
	(tag) =	ssettag s2;
	_ =	strace s9  }
0x27: {  	s1 =	sld [smem:$0x3FAB]  }
0x28: {  	s2 =	sld [smem:$0x3FAC]  }
0x29: {  	s4 =	sld [smem:$0x3FAE]  }
0x2a: {  	p0 =	seq.s32 s5, $0x0;
	s5 =	sld [smem:$0x3FAF]  }
0x2b: {  	s6 =	sld [smem:$0x3FB0]  }
0x2c: {  	s7 =	sld [smem:$0x3FB1]  }
0x2d: {  	s3 =	simm.s32 $0x108;
	s8 =	sld [smem:$0x3FB2]  }
0x2e: {  	s3 =	simm.s32 @!p0 $0x1082;
	s9 =	sld [smem:$0x3FB3]  }
0x2f: {  	lr =	sadd.s32 s0, s3;
	s0 =	sld [smem:$0x3FAA]  }
0x30: {  	s3 =	sld [smem:$0x3FAD]  }
0x31: {  	[smem:$0x3FB6] =	sst s10  }
0x32: {  	s10 =	sld [smem:$0x3FB4];
	_ =	sdelay $0x3  }
0x33: {  	p0 =	seq.s32 s10, $0x1;
	s10 =	sld [smem:$0x3FB6];
	_ =	sdelay $0x3  }
0x34: {  	[smem:$0x3FB6] =	sst s10  }
0x35: {  	s10 =	sld [smem:$0x3FB5];
	_ =	sdelay $0x3  }
0x36: {  	p1 =	seq.s32 s10, $0x1;
	s10 =	sld [smem:$0x3FB6];
	_ =	sdelay $0x3  }
0x37: {  	[smem:$0x3FB6] =	sst s10  }
0x38: {  	s10 =	sld [smem:$0x3FB7]  }
0x39: {  	_ = 	snop;
	(pc) =	sbr.ind lr, $3  }
0x3a: {  	_ = 	snop  }
0x3b: {  	_ = 	snop  }
0x3c: {  	p2 =	seq.s32 s10, $0x1;
	s10 =	sld [smem:$0x3FB6]  }
0x3d: {  	_ =	shalt  }
0x3e: {  	_ =	shalt  }
0x3f: {  	_ =	shalt  }
0x40: {  	_ =	shalt  }
0x41: {  	_ =	shalt  }
0x42: {  	_ =	shalt  }
0x43: {  	_ =	shalt  }
0x44: {  	_ =	shalt  }
0x45: {  	_ =	shalt  }
0x46: {  	_ =	shalt  }
0x47: {  	_ =	shalt  }
0x48: {  	_ =	shalt  }
0x49: {  	_ =	shalt  }
0x4a: {  	_ =	shalt  }
0x4b: {  	_ =	shalt  }
0x4c: {  	_ =	shalt  }
0x4d: {  	_ =	shalt  }
0x4e: {  	_ =	shalt  }
0x4f: {  	_ =	shalt  }
0x50: {  	_ =	shalt  }
0x51: {  	_ =	shalt  }
0x52: {  	_ =	shalt  }
0x53: {  	_ =	shalt  }
0x54: {  	_ =	shalt  }
0x55: {  	_ =	shalt  }
0x56: {  	_ =	shalt  }
0x57: {  	_ =	shalt  }
0x58: {  	_ =	shalt  }
0x59: {  	_ =	shalt  }
0x5a: {  	_ =	shalt  }
0x5b: {  	_ =	shalt  }
0x5c: {  	_ =	shalt  }
0x5d: {  	_ =	shalt  }
0x5e: {  	_ =	shalt  }
0x5f: {  	_ =	shalt  }
0x60: {  	_ =	shalt  }
0x61: {  	_ =	shalt  }
0x62: {  	_ =	shalt  }
0x63: {  	_ =	shalt  }
0x64: {  	_ =	shalt  }
0x65: {  	_ =	shalt  }
0x66: {  	_ =	shalt  }
0x67: {  	_ =	shalt  }
0x68: {  	_ =	shalt  }
0x69: {  	_ =	shalt  }
0x6a: {  	_ =	shalt  }
0x6b: {  	_ =	shalt  }
0x6c: {  	_ =	shalt  }
0x6d: {  	_ =	shalt  }
0x6e: {  	_ =	shalt  }
0x6f: {  	_ =	shalt  }
0x70: {  	_ =	shalt  }
0x71: {  	_ =	shalt  }
0x72: {  	_ =	shalt  }
0x73: {  	_ =	shalt  }
0x74: {  	_ =	shalt  }
0x75: {  	_ =	shalt  }
0x76: {  	_ =	shalt  }
0x77: {  	_ =	shalt  }
0x78: {  	_ =	shalt  }
0x79: {  	_ =	shalt  }
0x7a: {  	_ =	shalt  }
0x7b: {  	_ =	shalt  }
0x7c: {  	_ =	shalt  }
0x7d: {  	_ =	shalt  }
0x7e: {  	_ =	shalt  }
0x7f: {  	_ =	shalt  }
0x80: {  	_ =	shalt  }
0x81: {  	_ =	shalt  }
0x82: {  	_ =	shalt  }
0x83: {  	_ =	shalt  }
0x84: {  	_ =	shalt  }
0x85: {  	_ =	shalt  }
0x86: {  	_ =	shalt  }
0x87: {  	_ =	shalt  }
.Lfunc_end0:
.L_simem_size_0:
called_computation.2_lowered:
.L_overlay_start_0:
0x88: {  	s2 =	sld [smem:$0x3FD9]  }
0x89: {  	s3 =	sld [smem:$0x3FFE];
	_ =	sdelay $0x1  }
0x8a: {  	s1 =	srdreg.scid  }
0x8b: {  	s0 =	sand.u32 $0x1, s1  }
0x8c: {  	s17 =	sshll.u32 s0, $0xA;
	s2 =	sadd.s32 s3, s2  }
0x8d: {  	s2 =	sadd.s32 s2, s17  }
0x8e: {  	[smem:$0x3FC2] =	sst s2  }
0x8f: {  	_ = 	snop  }
0x90: {  	s2 =	sld [smem:$0x3FD0];
	(tm) =	ssettm $0x1  }
0x91: {  	s18 =	sld [smem:$0x3FFB];
	_ =	sdelay $0x3  }
0x92: {  	_ =	strace s18  }
0x93: {  	s3 =	sld [smem:$0x3FFC];
	_ =	sdelay $0x3  }
0x94: {  	_ =	strace s3  }
0x95: {  	s3 =	sld [smem:$0x3FFD];
	_ =	sdelay $0x3  }
0x96: {  	_ =	strace s3  }
0x97: {  	_ =	strace $0x8FFFFFFF  }
0x98: {  	s19 =	sld [smem:$0x3FDB];
	_ =	sdelay $0x1  }
0x99: {  	s4 =	simm.s32 $_scs_section_size  }
0x9a: {  	s5 =	simm.s32 $_size__tile_overlayer_lowered;
	s6 =	simm.s32 $_tile_overlayer_lowered  }
0x9b: {  	s22 =	simm.s32 $0x1BFF;
	s21 =	sshll.u32 s6, $0x1;
	s3 =	sadd.s32 s4, s19  }
0x9c: {  	s7 =	simm.s32 $0x0;
	s20 =	sshll.u32 s5, $0x1;
	s5 =	sadd.s32 s21, s3  }
0x9d: {  	[timem:s7], [sflag:s22] =	dma.local [hbm:s5], s20  }
0x9e: {  	_ =	swait.ge [sflag:s22], s20  }
0x9f: {  	s4 =	ssub.s32 $0x0, s20;
	[sflag:s22] =	ssyncset.done $0x0  }
0xa0: {  	[sflag:s22] =	ssyncadd.s32 s4;
	_ =	sdelay $0x1  }
0xa1: {  	s23 =	simm.s32 $0x1B8B  }
0xa2: {  	_ =	swait.ge [sflag:s23], $0x1  }
0xa3: {  	[sflag:s23] =	ssyncset.done $0x0  }
0xa4: {  	s25 =	simm.s32 $0x1B8E;
	s24 =	sld [smem:$0x3FFE];
	[sflag:s23] =	ssyncadd.s32 $0xFFFFFFFF  }
0xa5: {  	s26 =	simm.s32 $execute0_lowered;
	[smem:$0x3FD2] =	sst s25  }
0xa6: {  	s5 =	sshll.u32 s26, $0x1;
	_ =	strace $0x8000004C;
	[dreg:$0x1] =	wrdreg $0xFFFFFFFF  }
0xa7: {  	s28 =	simm.s32 $_size_execute0_lowered;
	s3 =	sadd.s32 s3, s5;
	[dreg:$0x0] =	wrdreg $0x0  }
0xa8: {  	s5 =	sshll.u32 s28, $0x1;
	[dreg:$0x2] =	wrdreg s3  }
0xa9: {  	[dreg:$0x3] =	wrdreg s5  }
0xaa: {  	[dreg:$0x4] =	wrdreg $0xC0  }
0xab: {  	_ =	task [dreg:s7], $0x5FFFF  }
0xac: {  	[dreg:$0x1] =	wrdreg $0xFFFFFFFF  }
0xad: {  	[dreg:$0x0] =	wrdreg $0x60  }
0xae: {  	[dreg:$0x2] =	wrdreg s2  }
0xaf: {  	[dreg:$0x3] =	wrdreg s24  }
0xb0: {  	[dreg:$0x4] =	wrdreg $0xA8000  }
0xb1: {  	[dreg:$0x5] =	wrdreg $0x9  }
0xb2: {  	_ =	task.clear_ibuf [dreg:s7], $0x6FFFF;
	_ =	strace $0x9000004C  }
0xb3: {  	s29 =	simm.s32 $0x9;
	_ =	strace $0x8000004E  }
0xb4: {  	_ =	swait.ge [sflag:s29], $0x1  }
0xb5: {  	[sflag:s29] =	ssyncadd.s32 $0xFFFFFFFF  }
0xb6: {  	_ =	strace $0x9000004E  }
0xb7: {  	_ =	sfence  }
0xb8: {  	s30 =	sld [smem:$0x0];
	_ =	sdelay $0x2  }
0xb9: {  	s31 =	sshll.u32 s1, $0xD;
	s1 =	sshrl.u32 s1, $0x2  }
0xba: {  	s3 =	sand.u32 $0x4000, s31;
	s1 =	sadd.s32 s1, s30  }
0xbb: {  	s0 =	sor.u32 s3, s0;
	s1 =	sshll.u32 s1, $0x11  }
0xbc: {  	s0 =	sor.u32 s1, s0  }
0xbd: {  	s0 =	sadd.s32 $0x8F2B, s0  }
0xbe: {  	[sflag:s0] =	ssyncadd.remote.s32 $0x1  }
0xbf: {  	_ =	sfence.sel $0xFFFF  }
0xc0: {  	[dreg:$0x0] =	wrdreg $0xFFFFFFFF;
	(pc) =	sbr.abs _section_cstart, $3  }
0xc1: {  	[dreg:$0x1] =	wrdreg $0xFFFFFFFF  }
0xc2: {  	_ =	task.clear_ibuf [dreg:s7], $0x2FFFF;
	_ =	strace $0x9FFFFFFF  }
0xc3: {  	(tm) =	ssettm $0x7FFFFFFF  }
tec
execute0_lowered:
.L_overlay_start_1:
0x0: {  	(tag) =	ssettag $0x1  }
0x1: {  	s1 =	rddreg [dreg:$0x0]  }
0x2: {  	s0 =	srdreg.scid;
	s5 =	rddreg [dreg:$0x1]  }
0x3: {  	s26 =	stileid.u32;
	s3 =	rddreg [dreg:$0x2];
	s21 =	simm.s32 $0x3  }
0x4: {  	s22 =	simm.s32 $0x1400;
	s23 =	simm.s32 $0x7D;
	s24 =	simm.s32 $0x1  }
0x5: {  	s25 =	simm.s32 $0x6800;
	s28 =	simm.s32 $0x1380;
	s29 =	simm.s32 $0x2700  }
0x6: {  	s30 =	simm.s32 $0x2780;
	s2 =	sand.u32 $0x1, s0;
	s7 =	smul.u32 $0x4F000, s26  }
0x7: {  	s13 =	smul.u32 $0x13C00, s26;
	s18 =	sadd.s32 $0x7400, s5;
	s4 =	sshll.u32 s2, $0x4  }
0x8: {  	s31 =	ssub.s32 $0x2, s2;
	s2 =	smul.u32 $0x140000, s2;
	s6 =	sor.u32 s26, s4  }
0x9: {  	s4 =	simm.s32 $0x0;
	s8 =	sshrl.u32 s31, $0x1;
	s7 =	sshrl.u32 s7, $0x2  }
0xa: {  	s14 =	sadd.s32 $0x3C00, s13;
	s15 =	sadd.s32 $0x7800, s13;
	s16 =	sadd.s32 $0xB400, s13  }
0xb: {  	s17 =	sadd.s32 $0xF000, s13;
	s20 =	sadd.s32 $0x12C00, s13;
	s26 =	simm.s32 $0x2  }
0xc: {  	s6 =	smul.u32 $0x280, s6;
	[smem:$0x7FF] =	sst s4;
	s19 =	ssub.s32 s31, s8  }
0xd: {  	s8 =	sadd.s32 s16, s3;
	s9 =	sadd.s32 s17, s3;
	s10 =	sadd.s32 s20, s3  }
0xe: {  	s13 =	sadd.s32 s13, s2;
	s16 =	sadd.s32 s2, s16;
	s17 =	sadd.s32 s2, s17  }
0xf: {  	_ =	strace $0x8000004D;
	s13 =	sshrl.u32 s13, $0x3;
	s16 =	sshrl.u32 s16, $0x3  }
0x10: {  	s17 =	sshrl.u32 s17, $0x3;
	s19 =	smax.u32 s19, $0x1;
	s12 =	sadd.s32 s6, s5  }
0x11: {  	s5 =	sadd.s32 s7, s3;
	s6 =	sadd.s32 s14, s3;
	s7 =	sadd.s32 s15, s3  }
0x12: {  	s14 =	sadd.s32 s2, s14;
	s15 =	sadd.s32 s2, s15;
	s13 =	sadd.s32 s18, s13  }
0x13: {  	s2 =	sadd.s32 s2, s20;
	s16 =	sadd.s32 s18, s16;
	s17 =	sadd.s32 s18, s17  }
0x14: {  	s20 =	simm.s32 $0x2800;
	s11 =	sadd.s32 $0x57400, s12;
	s12 =	sadd.s32 $0x2400, s12  }
0x15: {  	s14 =	sshrl.u32 s14, $0x3;
	s15 =	sshrl.u32 s15, $0x3;
	s2 =	sshrl.u32 s2, $0x3  }
0x16: {  	v0 =	vimm.f32 $0.0e+00;
	s14 =	sadd.s32 s18, s14;
	s15 =	sadd.s32 s18, s15;
	s18 =	sadd.s32 s18, s2  }
.LBB2_1:
0x17: {  	s31 =	simm.s32 $0x70;
	s2 =	simm.s32 $0x3C0  }
.LBB2_2:
0x18: {  	p0 =	sne.s32 s2, $0xF9C0;
	[tilespmem:s31+$0x2800] =	vst v0  }
0x19: {  	[tilespmem:s31+$0x2790] =	vst v0  }
0x1a: {  	[tilespmem:s31+$0x27A0] =	vst v0  }
.Ltmp0:
0x1b: {  	[tilespmem:s31+$0x27B0] =	vst v0;
	(pc) =	sbr.rel @p0 .LBB2_2-.Ltmp0, $4  }
0x1c: {  	[tilespmem:s31+$0x27C0] =	vst v0  }
0x1d: {  	[tilespmem:s31+$0x27D0] =	vst v0  }
0x1e: {  	[tilespmem:s31+$0x27E0] =	vst v0  }
0x1f: {  	[tilespmem:s31+$0x27F0] =	vst v0;
	s31 =	sshra.s32 s2, $0x2;
	s2 =	sadd.s32 $0x200, s2  }
0x20: {  	[tilespmem:s31+$0x2800] =	vst v0  }
0x21: {  	[tilespmem:s31+$0x2790] =	vst v0  }
0x22: {  	[tilespmem:s31+$0x27A0] =	vst v0  }
0x23: {  	[tilespmem:s31+$0x27B0] =	vst v0  }
0x24: {  	[tilespmem:s31+$0x27C0] =	vst v0  }
0x25: {  	[tilespmem:s31+$0x27D0] =	vst v0  }
0x26: {  	[tilespmem:s31+$0x27E0] =	vst v0  }
0x27: {  	[tilespmem:s31+$0x27F0] =	vst v0  }
0x28: {  	[spmem:s5] =	stream.linear.scatter [tilespmem:s20], [sflag:$0x3], $0x3C00, $0x38;
	[tilespmem:$0x1E400] =	vst v63  }
0x29: {  	_ =	swait.ge [sflag:s21], $0x3C00  }
0x2a: {  	[sflag:s21] =	ssyncset.done $0x0  }
0x2b: {  	[sflag:s21] =	ssyncadd.s32 $0xFFFFC400  }
0x2c: {  	[spmem:s6] =	stream.linear.scatter [tilespmem:s20], [sflag:$0x3], $0x3C00, $0x38;
	[tilespmem:$0x1E400] =	vst v63  }
0x2d: {  	_ =	swait.ge [sflag:s21], $0x3C00  }
0x2e: {  	[sflag:s21] =	ssyncset.done $0x0  }
0x2f: {  	[sflag:s21] =	ssyncadd.s32 $0xFFFFC400  }
0x30: {  	[spmem:s7] =	stream.linear.scatter [tilespmem:s20], [sflag:$0x3], $0x3C00, $0x38;
	[tilespmem:$0x1E400] =	vst v63  }
0x31: {  	_ =	swait.ge [sflag:s21], $0x3C00  }
0x32: {  	[sflag:s21] =	ssyncset.done $0x0  }
0x33: {  	[sflag:s21] =	ssyncadd.s32 $0xFFFFC400  }
0x34: {  	[spmem:s8] =	stream.linear.scatter [tilespmem:s20], [sflag:$0x3], $0x3C00, $0x38;
	[tilespmem:$0x1E400] =	vst v63  }
0x35: {  	_ =	swait.ge [sflag:s21], $0x3C00  }
0x36: {  	[sflag:s21] =	ssyncset.done $0x0  }
0x37: {  	[sflag:s21] =	ssyncadd.s32 $0xFFFFC400  }
0x38: {  	[spmem:s9] =	stream.linear.scatter [tilespmem:s20], [sflag:$0x3], $0x3C00, $0x38;
	[tilespmem:$0x1E400] =	vst v63  }
0x39: {  	_ =	swait.ge [sflag:s21], $0x3C00  }
0x3a: {  	[sflag:s21] =	ssyncset.done $0x0  }
0x3b: {  	[sflag:s21] =	ssyncadd.s32 $0xFFFFC400  }
0x3c: {  	[spmem:s10] =	stream.linear.scatter [tilespmem:s20], [sflag:$0x3], $0x1000, $0x38;
	[tilespmem:$0x1E400] =	vst v63  }
0x3d: {  	_ =	swait.ge [sflag:s21], $0x1000  }
0x3e: {  	[sflag:s21] =	ssyncset.done $0x0  }
0x3f: {  	[sflag:s21] =	ssyncadd.s32 $0xFFFFF000  }
0x40: {  	s2 =	simm.s32 $0x0;
	[bflag:$0x0] =	sbarrier.arrive $0xFFFF  }
0x41: {  	[tilespmem:s2], [sflag:$0x3] =	stream.linear.gather [hbm4b:s11+s2], $0x1400, $0x38;
	[tilespmem:$0x1E400] =	vst v63  }
0x42: {  	_ =	swait.ge [sflag:s21], $0x1400  }
0x43: {  	[sflag:s21] =	ssyncset.done $0x0  }
0x44: {  	[sflag:s21] =	ssyncadd.s32 $0xFFFFEC00  }
0x45: {  	[tilespmem:s22], [sflag:$0x3] =	stream.linear.gather [hbm4b:s12+s2], $0x1400, $0x38;
	[tilespmem:$0x1E400] =	vst v63  }
0x46: {  	_ =	swait.ge [sflag:s21], $0x1400  }
0x47: {  	[sflag:s21] =	ssyncset.done $0x0  }
0x48: {  	[sflag:s21] =	ssyncadd.s32 $0xFFFFEC00  }
0x49: {  	[tilespmem:s20], [sflag:$0x1] =	stream.indirect.gather [hbm4b:s1+s23], $0x80, s2, s23, $0xb8;
	[tilespmem:$0x1E400] =	vst v63  }
0x4a: {  	_ =	swait.ge [sflag:s24], $0x3E80  }
0x4b: {  	[sflag:s24] =	ssyncset.done $0x0  }
0x4c: {  	s0 =	simm.s32 $0x80;
	[sflag:s24] =	ssyncadd.s32 $0xFFFFC180  }
0x4d: {  	[tilespmem:s25], [sflag:$0x2] =	stream.indirect.gather [hbm4b:s1+s23], $0x80, s0, s23, $0xb8;
	[tilespmem:$0x1E400] =	vst v63  }
0x4e: {  	s0 =	simm.s32 $0x1400  }
0x4f: {  	[spmem:s3] =	stream.indirect.scatter.add.f32 [tilespmem:s20], [sflag:$0x3], $0x80, s0, s23, $0xb8;
	[tilespmem:$0x1E400] =	vst v63  }
0x50: {  	_ =	swait.ge [sflag:s21], $0x3E80  }
0x51: {  	[sflag:s21] =	ssyncset.done $0x0  }
0x52: {  	[sflag:s21] =	ssyncadd.s32 $0xFFFFC180  }
0x53: {  	_ =	swait.ge [sflag:s26], $0x3E80  }
0x54: {  	[sflag:s26] =	ssyncset.done $0x0  }
0x55: {  	s0 =	simm.s32 $0x100;
	[sflag:s26] =	ssyncadd.s32 $0xFFFFC180  }
0x56: {  	[tilespmem:s20], [sflag:$0x1] =	stream.indirect.gather [hbm4b:s1+s23], $0x80, s0, s23, $0xb8;
	[tilespmem:$0x1E400] =	vst v63  }
0x57: {  	s0 =	simm.s32 $0x1480  }
0x58: {  	[spmem:s3] =	stream.indirect.scatter.add.f32 [tilespmem:s25], [sflag:$0x3], $0x80, s0, s23, $0xb8;
	[tilespmem:$0x1E400] =	vst v63  }
0x59: {  	_ =	swait.ge [sflag:s21], $0x3E80  }
0x5a: {  	s31 =	simm.s32 $0x400;
	[sflag:s21] =	ssyncset.done $0x0  }
.LBB2_4:
0x5b: {  	p0 =	sne.s32 s31, $0x4800  }
0x5c: {  	[sflag:s21] =	ssyncadd.s32 $0xFFFFC180;
	s2 =	smov.u32 s31;
	s31 =	sadd.s32 $0x400, s31  }
0x5d: {  	_ = 	snop  }
0x5e: {  	_ =	swait.ge [sflag:s24], $0x3E80  }
0x5f: {  	s2 =	sshra.s32 s2, $0x2;
	[sflag:s24] =	ssyncset.done $0x0  }
0x60: {  	s0 =	sadd.s32 $0x80, s2;
	[sflag:s24] =	ssyncadd.s32 $0xFFFFC180  }
0x61: {  	[tilespmem:s25], [sflag:$0x2] =	stream.indirect.gather [hbm4b:s1+s23], $0x80, s0, s23, $0xb8;
	[tilespmem:$0x1E400] =	vst v63  }
0x62: {  	s0 =	sadd.s32 $0x1400, s2  }
0x63: {  	[spmem:s3] =	stream.indirect.scatter.add.f32 [tilespmem:s20], [sflag:$0x3], $0x80, s0, s23, $0xb8;
	[tilespmem:$0x1E400] =	vst v63  }
0x64: {  	_ =	swait.ge [sflag:s21], $0x3E80  }
0x65: {  	[sflag:s21] =	ssyncset.done $0x0  }
0x66: {  	[sflag:s21] =	ssyncadd.s32 $0xFFFFC180  }
0x67: {  	_ =	swait.ge [sflag:s26], $0x3E80  }
0x68: {  	[sflag:s26] =	ssyncset.done $0x0  }
0x69: {  	s0 =	sadd.s32 $0x100, s2;
	[sflag:s26] =	ssyncadd.s32 $0xFFFFC180  }
0x6a: {  	[tilespmem:s20], [sflag:$0x1] =	stream.indirect.gather [hbm4b:s1+s23], $0x80, s0, s23, $0xb8;
	[tilespmem:$0x1E400] =	vst v63  }
.Ltmp1:
0x6b: {  	_ = 	snop;
	(pc) =	sbr.rel @p0 .LBB2_4-.Ltmp1, $4  }
0x6c: {  	s0 =	sadd.s32 $0x1480, s2  }
0x6d: {  	[spmem:s3] =	stream.indirect.scatter.add.f32 [tilespmem:s25], [sflag:$0x3], $0x80, s0, s23, $0xb8;
	[tilespmem:$0x1E400] =	vst v63  }
0x6e: {  	_ =	swait.ge [sflag:s21], $0x3E80  }
0x6f: {  	[sflag:s21] =	ssyncset.done $0x0  }
0x70: {  	[sflag:s21] =	ssyncadd.s32 $0xFFFFC180  }
0x71: {  	_ =	swait.ge [sflag:s24], $0x3E80  }
0x72: {  	[sflag:s24] =	ssyncset.done $0x0  }
0x73: {  	[sflag:s24] =	ssyncadd.s32 $0xFFFFC180  }
0x74: {  	[tilespmem:s25], [sflag:$0x2] =	stream.indirect.gather [hbm4b:s1+s23], $0x80, s28, s23, $0xb8;
	[tilespmem:$0x1E400] =	vst v63  }
0x75: {  	_ = 	snop  }
0x76: {  	[spmem:s3] =	stream.indirect.scatter.add.f32 [tilespmem:s20], [sflag:$0x3], $0x80, s29, s23, $0xb8;
	[tilespmem:$0x1E400] =	vst v63  }
0x77: {  	_ =	swait.ge [sflag:s21], $0x3E80  }
0x78: {  	[sflag:s21] =	ssyncset.done $0x0  }
0x79: {  	[sflag:s21] =	ssyncadd.s32 $0xFFFFC180  }
0x7a: {  	_ =	swait.ge [sflag:s26], $0x3E80  }
0x7b: {  	[sflag:s26] =	ssyncset.done $0x0  }
0x7c: {  	[sflag:s26] =	ssyncadd.s32 $0xFFFFC180  }
0x7d: {  	[spmem:s3] =	stream.indirect.scatter.add.f32 [tilespmem:s25], [sflag:$0x3], $0x80, s30, s23, $0xb8;
	[tilespmem:$0x1E400] =	vst v63  }
0x7e: {  	_ =	swait.ge [sflag:s21], $0x3E80  }
0x7f: {  	s0 =	stileid.u32;
	[sflag:s21] =	ssyncset.done $0x0  }
0x80: {  	s0 =	sshll.u32 s0, $0x6;
	[sflag:s21] =	ssyncadd.s32 $0xFFFFC180  }
0x81: {  	s2 =	sshrl.u32 s5, $0x3;
	s0 =	sor.u32 $0x1C03, s0;
	[bflag:$0x0] =	sbarrier.arrive $0xFFFF  }
0x82: {  	[hbm:s13], [sflag:s0] =	dma.local [spmem:s2], $0x780  }
0x83: {  	_ =	swait.ge [sflag:s21], $0x780  }
0x84: {  	[sflag:s21] =	ssyncset.done $0x0  }
0x85: {  	s31 =	sshrl.u32 s6, $0x3;
	[sflag:s21] =	ssyncadd.s32 $0xFFFFF880  }
0x86: {  	[hbm:s14], [sflag:s0] =	dma.local [spmem:s31], $0x780  }
0x87: {  	_ =	swait.ge [sflag:s21], $0x780  }
0x88: {  	[sflag:s21] =	ssyncset.done $0x0  }
0x89: {  	s31 =	sshrl.u32 s7, $0x3;
	[sflag:s21] =	ssyncadd.s32 $0xFFFFF880  }
0x8a: {  	[hbm:s15], [sflag:s0] =	dma.local [spmem:s31], $0x780  }
0x8b: {  	_ =	swait.ge [sflag:s21], $0x780  }
0x8c: {  	[sflag:s21] =	ssyncset.done $0x0  }
0x8d: {  	s31 =	sshrl.u32 s8, $0x3;
	[sflag:s21] =	ssyncadd.s32 $0xFFFFF880  }
0x8e: {  	[hbm:s16], [sflag:s0] =	dma.local [spmem:s31], $0x780  }
0x8f: {  	_ =	swait.ge [sflag:s21], $0x780  }
0x90: {  	[sflag:s21] =	ssyncset.done $0x0  }
0x91: {  	s31 =	sshrl.u32 s9, $0x3;
	[sflag:s21] =	ssyncadd.s32 $0xFFFFF880  }
0x92: {  	[hbm:s17], [sflag:s0] =	dma.local [spmem:s31], $0x780  }
0x93: {  	s4 =	sadd.s32 $0x1, s4;
	_ =	swait.ge [sflag:s21], $0x780  }
0x94: {  	p0 =	sne.s32 s4, s19;
	[sflag:s21] =	ssyncset.done $0x0  }
.Ltmp2:
0x95: {  	s31 =	sshrl.u32 s10, $0x3;
	[sflag:s21] =	ssyncadd.s32 $0xFFFFF880;
	(pc) =	sbr.rel @p0 .LBB2_1-.Ltmp2, $4  }
0x96: {  	[hbm:s18], [sflag:s0] =	dma.local [spmem:s31], $0x200  }
0x97: {  	_ =	swait.ge [sflag:s21], $0x200  }
0x98: {  	[sflag:s21] =	ssyncset.done $0x0  }
0x99: {  	[sflag:s21] =	ssyncadd.s32 $0xFFFFFE00  }
0x9a: {  	_ =	sfence.sel $0x180000  }
0x9b: {  	[bflag:$0x0] =	sbarrier.arrive $0xFFFF  }
0x9c: {  	_ =	strace $0x9000004D  }
0x9d: {  	s0 =	stileid.u32;
	[bflag:$0x2] =	sbarrier.arrive $0xFFFF  }
0x9e: {  	p0 =	sne.s32 s0, $0x0;
	s0 =	rddreg [dreg:$0x3]  }
0x9f: {  	s0 =	sadd.s32 @!p0 $0x100000, s0  }
0xa0: {  	[sflag:s0] =	ssyncadd.tile.s32 @!p0 $0x1;
	_ =	shalt  }
.Lfunc_end2:
_tile_overlayer_lowered:
.L_overlay_start_2:
0xa1: {  	(tag) =	ssettag $0x2  }
0xa2: {  	s0 =	rddreg [dreg:$0x0];
	s2 =	stileid.u32  }
0xa3: {  	s1 =	rddreg [dreg:$0x1];
	p0 =	sne.s32 s2, $0x0  }
0xa4: {  	s3 =	rddreg [dreg:$0x2];
	[bflag:$0x3] =	sbarrier.arrive $0xFFFF;
	s2 =	simm.s32 @!p0 $0x1C03  }
0xa5: {  	[timem:s3], [sflag:s2] =	dma.local @!p0 [hbm:s0], s1  }
0xa6: {  	s0 =	simm.s32 @!p0 $0x3  }
0xa7: {  	_ =	swait.ge @!p0 [sflag:s0], s1  }
0xa8: {  	s1 =	ssub.s32 @!p0 $0x0, s1;
	[sflag:s0] =	ssyncset.done @!p0 $0x0  }
0xa9: {  	[sflag:s0] =	ssyncadd.s32 @!p0 s1  }
0xaa: {  	[bflag:$0x3] =	sbarrier.arrive $0xFFFF  }
0xab: {  	_ =	shalt  }

// kernel: kernel.9.cloned.1.call-start
scs
__scs_entry_jumppad:
0x0: {  	(pc) =	sbr.rel $0x88, $3  }
0x1: {  	(tag) =	ssettag $0x0;
	lr =	simm.s32 $0x1  }
0x2: {  	[smem:$0x3F9B] =	sst lr;
	_ =	strace $0xD0000000  }
0x3: {  	_ = 	snop  }
0x4: {  	_ = 	snop  }
0x5: {  	_ = 	snop  }
0x6: {  	_ = 	snop  }
0x7: {  	_ = 	snop  }
__scs_overlays_trampoline_lowered:
0x8: {  	[smem:$0x3FAA] =	sst s0  }
0x9: {  	[smem:$0x3FAB] =	sst s1  }
0xa: {  	[smem:$0x3FAC] =	sst s2  }
0xb: {  	[smem:$0x3FAD] =	sst s3  }
0xc: {  	[smem:$0x3FAE] =	sst s4  }
0xd: {  	[smem:$0x3FAF] =	sst s5  }
0xe: {  	[smem:$0x3FB0] =	sst s6  }
0xf: {  	[smem:$0x3FB1] =	sst s7  }
0x10: {  	[smem:$0x3FB2] =	sst s8  }
0x11: {  	[smem:$0x3FB3] =	sst s9;
	s0 =	simm.s32 @!p0 $0x0  }
0x12: {  	s1 =	sld [smem:$0x3F99];
	s0 =	simm.s32 @p0 $0x1  }
0x13: {  	[smem:$0x3FB4] =	sst s0;
	s0 =	simm.s32 @!p1 $0x0  }
0x14: {  	s2 =	sld [smem:$0x3F98];
	s0 =	simm.s32 @p1 $0x1  }
0x15: {  	[smem:$0x3FB5] =	sst s0;
	s0 =	simm.s32 @!p2 $0x0  }
0x16: {  	s3 =	sld [smem:$0x3FDB];
	s0 =	simm.s32 @p2 $0x1  }
0x17: {  	s4 =	simm.s32 $0x1BF5;
	[smem:$0x3FB7] =	sst s0  }
0x18: {  	s0 =	sld [smem:$0x3F9A];
	_ =	swait.ge [sflag:s4], $0x0  }
0x19: {  	s7 =	sld [smem:$0x3F9B]  }
0x1a: {  	s8 =	sadd.s32 $0xFFFFE003, lr  }
0x1b: {  	s9 =	sadd.s32 $0xFFFFFEF7, lr;
	s5 =	simm.s32 $0xFFFFFFFF;
	p2 =	slt.u32 s8, $0xFFFFF086  }
0x1c: {  	p1 =	slt.u32 s9, $0xF7A;
	s5 =	simm.s32 @!p2 $0x0  }
0x1d: {  	s5 =	simm.s32 @p1 $0x1;
	p0 =	seq.s32 s7, s2  }
0x1e: {  	s7 =	smul.u32 @!p0 $0xF7A, s2;
	p2 =	seq.s32 @!p0 s5, $0x0  }
0x1f: {  	s9 =	smul.u32 $0xF7A, s1;
	s8 =	simm.s32 @!p0 $0x1BF5;
	p2 =	por !p2, p0  }
0x20: {  	[sflag:s8] =	ssyncset.s32 @!p0 $0xFFFFF086;
	s6 =	sadd.s32 @!p0 s3, s7;
	s7 =	simm.s32 @!p0 $0x108  }
0x21: {  	s3 =	sadd.s32 s3, s9;
	s6 =	sadd.s32 @!p0 $0x88, s6;
	s7 =	simm.s32 @p2 $0x1082  }
0x22: {  	[simem:s7], [sflag:s8] =	dma.local @!p0 [hbm:s6], $0xF7A  }
0x23: {  	s9 =	sor.u32 $0xD0000000, s2;
	s6 =	simm.s32 $0x108;
	_ =	swait.ge @!p0 [sflag:s8], $0x0  }
0x24: {  	s3 =	sadd.s32 $0x88, s3;
	s6 =	simm.s32 @!p1 $0x1082;
	[sflag:s4] =	ssyncset.s32 $0xFFFFF086  }
0x25: {  	[simem:s6], [sflag:s4] =	dma.local [hbm:s3], $0xF7A  }
0x26: {  	[smem:$0x3F9B] =	sst s1;
	(tag) =	ssettag s2;
	_ =	strace s9  }
0x27: {  	s1 =	sld [smem:$0x3FAB]  }
0x28: {  	s2 =	sld [smem:$0x3FAC]  }
0x29: {  	s4 =	sld [smem:$0x3FAE]  }
0x2a: {  	p0 =	seq.s32 s5, $0x0;
	s5 =	sld [smem:$0x3FAF]  }
0x2b: {  	s6 =	sld [smem:$0x3FB0]  }
0x2c: {  	s7 =	sld [smem:$0x3FB1]  }
0x2d: {  	s3 =	simm.s32 $0x108;
	s8 =	sld [smem:$0x3FB2]  }
0x2e: {  	s3 =	simm.s32 @!p0 $0x1082;
	s9 =	sld [smem:$0x3FB3]  }
0x2f: {  	lr =	sadd.s32 s0, s3;
	s0 =	sld [smem:$0x3FAA]  }
0x30: {  	s3 =	sld [smem:$0x3FAD]  }
0x31: {  	[smem:$0x3FB6] =	sst s10  }
0x32: {  	s10 =	sld [smem:$0x3FB4];
	_ =	sdelay $0x3  }
0x33: {  	p0 =	seq.s32 s10, $0x1;
	s10 =	sld [smem:$0x3FB6];
	_ =	sdelay $0x3  }
0x34: {  	[smem:$0x3FB6] =	sst s10  }
0x35: {  	s10 =	sld [smem:$0x3FB5];
	_ =	sdelay $0x3  }
0x36: {  	p1 =	seq.s32 s10, $0x1;
	s10 =	sld [smem:$0x3FB6];
	_ =	sdelay $0x3  }
0x37: {  	[smem:$0x3FB6] =	sst s10  }
0x38: {  	s10 =	sld [smem:$0x3FB7]  }
0x39: {  	_ = 	snop;
	(pc) =	sbr.ind lr, $3  }
0x3a: {  	_ = 	snop  }
0x3b: {  	_ = 	snop  }
0x3c: {  	p2 =	seq.s32 s10, $0x1;
	s10 =	sld [smem:$0x3FB6]  }
0x3d: {  	_ =	shalt  }
0x3e: {  	_ =	shalt  }
0x3f: {  	_ =	shalt  }
0x40: {  	_ =	shalt  }
0x41: {  	_ =	shalt  }
0x42: {  	_ =	shalt  }
0x43: {  	_ =	shalt  }
0x44: {  	_ =	shalt  }
0x45: {  	_ =	shalt  }
0x46: {  	_ =	shalt  }
0x47: {  	_ =	shalt  }
0x48: {  	_ =	shalt  }
0x49: {  	_ =	shalt  }
0x4a: {  	_ =	shalt  }
0x4b: {  	_ =	shalt  }
0x4c: {  	_ =	shalt  }
0x4d: {  	_ =	shalt  }
0x4e: {  	_ =	shalt  }
0x4f: {  	_ =	shalt  }
0x50: {  	_ =	shalt  }
0x51: {  	_ =	shalt  }
0x52: {  	_ =	shalt  }
0x53: {  	_ =	shalt  }
0x54: {  	_ =	shalt  }
0x55: {  	_ =	shalt  }
0x56: {  	_ =	shalt  }
0x57: {  	_ =	shalt  }
0x58: {  	_ =	shalt  }
0x59: {  	_ =	shalt  }
0x5a: {  	_ =	shalt  }
0x5b: {  	_ =	shalt  }
0x5c: {  	_ =	shalt  }
0x5d: {  	_ =	shalt  }
0x5e: {  	_ =	shalt  }
0x5f: {  	_ =	shalt  }
0x60: {  	_ =	shalt  }
0x61: {  	_ =	shalt  }
0x62: {  	_ =	shalt  }
0x63: {  	_ =	shalt  }
0x64: {  	_ =	shalt  }
0x65: {  	_ =	shalt  }
0x66: {  	_ =	shalt  }
0x67: {  	_ =	shalt  }
0x68: {  	_ =	shalt  }
0x69: {  	_ =	shalt  }
0x6a: {  	_ =	shalt  }
0x6b: {  	_ =	shalt  }
0x6c: {  	_ =	shalt  }
0x6d: {  	_ =	shalt  }
0x6e: {  	_ =	shalt  }
0x6f: {  	_ =	shalt  }
0x70: {  	_ =	shalt  }
0x71: {  	_ =	shalt  }
0x72: {  	_ =	shalt  }
0x73: {  	_ =	shalt  }
0x74: {  	_ =	shalt  }
0x75: {  	_ =	shalt  }
0x76: {  	_ =	shalt  }
0x77: {  	_ =	shalt  }
0x78: {  	_ =	shalt  }
0x79: {  	_ =	shalt  }
0x7a: {  	_ =	shalt  }
0x7b: {  	_ =	shalt  }
0x7c: {  	_ =	shalt  }
0x7d: {  	_ =	shalt  }
0x7e: {  	_ =	shalt  }
0x7f: {  	_ =	shalt  }
0x80: {  	_ =	shalt  }
0x81: {  	_ =	shalt  }
0x82: {  	_ =	shalt  }
0x83: {  	_ =	shalt  }
0x84: {  	_ =	shalt  }
0x85: {  	_ =	shalt  }
0x86: {  	_ =	shalt  }
0x87: {  	_ =	shalt  }
.Lfunc_end0:
.L_simem_size_0:
called_computation_lowered:
.L_overlay_start_0:
0x88: {  	s2 =	sld [smem:$0x3FD9]  }
0x89: {  	s3 =	sld [smem:$0x3FFE];
	_ =	sdelay $0x1  }
0x8a: {  	s1 =	srdreg.scid  }
0x8b: {  	s0 =	sand.u32 $0x1, s1  }
0x8c: {  	s16 =	sshll.u32 s0, $0xA;
	s2 =	sadd.s32 s3, s2  }
0x8d: {  	s2 =	sadd.s32 s2, s16  }
0x8e: {  	[smem:$0x3FC2] =	sst s2  }
0x8f: {  	_ = 	snop  }
0x90: {  	(tm) =	ssettm $0x1  }
0x91: {  	s17 =	sld [smem:$0x3FFB];
	_ =	sdelay $0x3  }
0x92: {  	_ =	strace s17  }
0x93: {  	s2 =	sld [smem:$0x3FFC];
	_ =	sdelay $0x3  }
0x94: {  	_ =	strace s2  }
0x95: {  	s2 =	sld [smem:$0x3FFD];
	_ =	sdelay $0x3  }
0x96: {  	_ =	strace s2  }
0x97: {  	_ =	strace $0x8FFFFFFF  }
0x98: {  	s18 =	sld [smem:$0x3FDB];
	_ =	sdelay $0x1  }
0x99: {  	s19 =	simm.s32 $_scs_section_size  }
0x9a: {  	s4 =	simm.s32 $_size__tile_overlayer_lowered;
	s5 =	simm.s32 $_tile_overlayer_lowered  }
0x9b: {  	s22 =	simm.s32 $0x1BFF;
	s21 =	sshll.u32 s5, $0x1;
	s2 =	sadd.s32 s19, s18  }
0x9c: {  	s6 =	simm.s32 $0x0;
	s20 =	sshll.u32 s4, $0x1;
	s4 =	sadd.s32 s21, s2  }
0x9d: {  	[timem:s6], [sflag:s22] =	dma.local [hbm:s4], s20  }
0x9e: {  	_ =	swait.ge [sflag:s22], s20  }
0x9f: {  	s3 =	ssub.s32 $0x0, s20;
	[sflag:s22] =	ssyncset.done $0x0  }
0xa0: {  	[sflag:s22] =	ssyncadd.s32 s3;
	_ =	sdelay $0x1  }
0xa1: {  	s23 =	simm.s32 $0x1B8B  }
0xa2: {  	_ =	swait.ge [sflag:s23], $0x1  }
0xa3: {  	[sflag:s23] =	ssyncset.done $0x0  }
0xa4: {  	s25 =	simm.s32 $0x1B8E;
	s24 =	sld [smem:$0x3FFE];
	[sflag:s23] =	ssyncadd.s32 $0xFFFFFFFF  }
0xa5: {  	s26 =	simm.s32 $execute0_lowered;
	[smem:$0x3FD2] =	sst s25  }
0xa6: {  	s4 =	sshll.u32 s26, $0x1;
	_ =	strace $0x80000046;
	[dreg:$0x1] =	wrdreg $0xFFFFFFFF  }
0xa7: {  	s28 =	simm.s32 $_size_execute0_lowered;
	s2 =	sadd.s32 s2, s4;
	[dreg:$0x0] =	wrdreg $0x0  }
0xa8: {  	s4 =	sshll.u32 s28, $0x1;
	[dreg:$0x2] =	wrdreg s2  }
0xa9: {  	[dreg:$0x3] =	wrdreg s4  }
0xaa: {  	[dreg:$0x4] =	wrdreg $0xC0  }
0xab: {  	_ =	task [dreg:s6], $0x5FFFF  }
0xac: {  	[dreg:$0x1] =	wrdreg $0xFFFFFFFF  }
0xad: {  	[dreg:$0x0] =	wrdreg $0x60  }
0xae: {  	[dreg:$0x2] =	wrdreg s24  }
0xaf: {  	[dreg:$0x3] =	wrdreg $0x54000  }
0xb0: {  	[dreg:$0x4] =	wrdreg $0x9  }
0xb1: {  	_ =	task.clear_ibuf [dreg:s6], $0x5FFFF;
	_ =	strace $0x90000046  }
0xb2: {  	s29 =	simm.s32 $0x9;
	_ =	strace $0x80000048  }
0xb3: {  	_ =	swait.ge [sflag:s29], $0x1  }
0xb4: {  	[sflag:s29] =	ssyncadd.s32 $0xFFFFFFFF  }
0xb5: {  	_ =	strace $0x90000048  }
0xb6: {  	_ =	sfence  }
0xb7: {  	s30 =	sld [smem:$0x0];
	_ =	sdelay $0x2  }
0xb8: {  	s31 =	sshll.u32 s1, $0xD;
	s1 =	sshrl.u32 s1, $0x2  }
0xb9: {  	s3 =	sand.u32 $0x4000, s31;
	s1 =	sadd.s32 s1, s30  }
0xba: {  	s0 =	sor.u32 s3, s0;
	s1 =	sshll.u32 s1, $0x11  }
0xbb: {  	s0 =	sor.u32 s1, s0  }
0xbc: {  	s0 =	sadd.s32 $0x8F2B, s0  }
0xbd: {  	[sflag:s0] =	ssyncadd.remote.s32 $0x1  }
0xbe: {  	_ =	sfence.sel $0xFFFF  }
0xbf: {  	[dreg:$0x0] =	wrdreg $0xFFFFFFFF;
	(pc) =	sbr.abs _section_cstart, $3  }
0xc0: {  	[dreg:$0x1] =	wrdreg $0xFFFFFFFF  }
0xc1: {  	_ =	task.clear_ibuf [dreg:s6], $0x2FFFF;
	_ =	strace $0x9FFFFFFF  }
0xc2: {  	(tm) =	ssettm $0x7FFFFFFF  }
0xc3: {  	_ =	shalt  }
tec
execute0_lowered:
.L_overlay_start_1:
0x0: {  	(tag) =	ssettag $0x1  }
0x1: {  	s4 =	rddreg [dreg:$0x0]  }
0x2: {  	s0 =	srdreg.scid;
	s2 =	rddreg [dreg:$0x1];
	s3 =	simm.s32 $0x0  }
0x3: {  	s20 =	simm.s32 $0x7D;
	s7 =	sand.u32 $0x1, s0;
	s0 =	stileid.u32  }
0x4: {  	[smem:$0x7FF] =	sst s3;
	s16 =	sadd.s32 $0x7400, s4;
	s8 =	smul.u32 $0x4F000, s0  }
0x5: {  	s1 =	sshll.u32 s7, $0x4;
	s6 =	ssub.s32 $0x2, s7;
	s11 =	smul.u32 $0x13C00, s0  }
0x6: {  	s18 =	smul.u32 $0x140000, s7;
	s5 =	sor.u32 s0, s1;
	s1 =	rddreg [dreg:$0x2]  }
0x7: {  	_ =	strace $0x80000047;
	s9 =	sshrl.u32 s6, $0x1;
	s5 =	smul.u32 $0x280, s5  }
0x8: {  	s17 =	ssub.s32 s6, s9;
	s31 =	sshrl.u32 s8, $0x2;
	s12 =	sadd.s32 $0x3C00, s11  }
0x9: {  	s13 =	sadd.s32 $0x7800, s11;
	s14 =	sadd.s32 $0xB400, s11;
	s15 =	sadd.s32 $0xF000, s11  }
0xa: {  	s19 =	sadd.s32 $0x12C00, s11;
	s11 =	sadd.s32 s11, s18;
	s6 =	sadd.s32 s13, s2  }
0xb: {  	s7 =	sadd.s32 s14, s2;
	s8 =	sadd.s32 s15, s2;
	s9 =	sadd.s32 s19, s2  }
0xc: {  	s11 =	sshrl.u32 s11, $0x3;
	s13 =	sadd.s32 s18, s13;
	s14 =	sadd.s32 s18, s14  }
0xd: {  	s15 =	sadd.s32 s18, s15;
	s17 =	smax.u32 s17, $0x1;
	s10 =	sadd.s32 s5, s4  }
0xe: {  	s4 =	sadd.s32 s31, s2;
	s5 =	sadd.s32 s12, s2;
	s12 =	sadd.s32 s18, s12  }
0xf: {  	s11 =	sadd.s32 s16, s11;
	s13 =	sshrl.u32 s13, $0x3;
	s14 =	sshrl.u32 s14, $0x3  }
0x10: {  	s18 =	sadd.s32 s18, s19;
	s15 =	sshrl.u32 s15, $0x3;
	s19 =	simm.s32 $0x1  }
0x11: {  	s10 =	sadd.s32 $0x2400, s10;
	s12 =	sshrl.u32 s12, $0x3;
	s13 =	sadd.s32 s16, s13  }
0x12: {  	s14 =	sadd.s32 s16, s14;
	s18 =	sshrl.u32 s18, $0x3;
	s15 =	sadd.s32 s16, s15  }
0x13: {  	v0 =	vimm.f32 $0.0e+00;
	v1 =	vimm.f32 $1.000000000e+00;
	s12 =	sadd.s32 s16, s12;
	s16 =	sadd.s32 s16, s18;
	s18 =	simm.s32 $0x1400  }
.LBB2_1:
0x14: {  	s21 =	simm.s32 $0x70;
	s22 =	simm.s32 $0x3C0  }
.LBB2_2:
0x15: {  	p0 =	sne.s32 s22, $0xF9C0;
	[tilespmem:s21+$0x1400] =	vst v0  }
0x16: {  	[tilespmem:s21+$0x1390] =	vst v0  }
0x17: {  	[tilespmem:s21+$0x13A0] =	vst v0  }
.Ltmp0:
0x18: {  	[tilespmem:s21+$0x13B0] =	vst v0;
	(pc) =	sbr.rel @p0 .LBB2_2-.Ltmp0, $4  }
0x19: {  	[tilespmem:s21+$0x13C0] =	vst v0  }
0x1a: {  	[tilespmem:s21+$0x13D0] =	vst v0  }
0x1b: {  	[tilespmem:s21+$0x13E0] =	vst v0  }
0x1c: {  	[tilespmem:s21+$0x13F0] =	vst v0;
	s21 =	sshra.s32 s22, $0x2;
	s22 =	sadd.s32 $0x200, s22  }
0x1d: {  	[tilespmem:s21+$0x1400] =	vst v0  }
0x1e: {  	[tilespmem:s21+$0x1390] =	vst v0  }
0x1f: {  	[tilespmem:s21+$0x13A0] =	vst v0  }
0x20: {  	[tilespmem:s21+$0x13B0] =	vst v0  }
0x21: {  	[tilespmem:s21+$0x13C0] =	vst v0  }
0x22: {  	[tilespmem:s21+$0x13D0] =	vst v0  }
0x23: {  	[tilespmem:s21+$0x13E0] =	vst v0  }
0x24: {  	[tilespmem:s21+$0x13F0] =	vst v0  }
0x25: {  	[spmem:s4] =	stream.linear.scatter [tilespmem:s18], [sflag:$0x1], $0x3C00, $0x38;
	[tilespmem:$0x19000] =	vst v63  }
0x26: {  	_ =	swait.ge [sflag:s19], $0x3C00  }
0x27: {  	[sflag:s19] =	ssyncset.done $0x0  }
0x28: {  	[sflag:s19] =	ssyncadd.s32 $0xFFFFC400  }
0x29: {  	[spmem:s5] =	stream.linear.scatter [tilespmem:s18], [sflag:$0x1], $0x3C00, $0x38;
	[tilespmem:$0x19000] =	vst v63  }
0x2a: {  	_ =	swait.ge [sflag:s19], $0x3C00  }
0x2b: {  	[sflag:s19] =	ssyncset.done $0x0  }
0x2c: {  	[sflag:s19] =	ssyncadd.s32 $0xFFFFC400  }
0x2d: {  	[spmem:s6] =	stream.linear.scatter [tilespmem:s18], [sflag:$0x1], $0x3C00, $0x38;
	[tilespmem:$0x19000] =	vst v63  }
0x2e: {  	_ =	swait.ge [sflag:s19], $0x3C00  }
0x2f: {  	[sflag:s19] =	ssyncset.done $0x0  }
0x30: {  	[sflag:s19] =	ssyncadd.s32 $0xFFFFC400  }
0x31: {  	[spmem:s7] =	stream.linear.scatter [tilespmem:s18], [sflag:$0x1], $0x3C00, $0x38;
	[tilespmem:$0x19000] =	vst v63  }
0x32: {  	_ =	swait.ge [sflag:s19], $0x3C00  }
0x33: {  	[sflag:s19] =	ssyncset.done $0x0  }
0x34: {  	[sflag:s19] =	ssyncadd.s32 $0xFFFFC400  }
0x35: {  	[spmem:s8] =	stream.linear.scatter [tilespmem:s18], [sflag:$0x1], $0x3C00, $0x38;
	[tilespmem:$0x19000] =	vst v63  }
0x36: {  	_ =	swait.ge [sflag:s19], $0x3C00  }
0x37: {  	[sflag:s19] =	ssyncset.done $0x0  }
0x38: {  	[sflag:s19] =	ssyncadd.s32 $0xFFFFC400  }
0x39: {  	[spmem:s9] =	stream.linear.scatter [tilespmem:s18], [sflag:$0x1], $0x1000, $0x38;
	[tilespmem:$0x19000] =	vst v63  }
0x3a: {  	_ =	swait.ge [sflag:s19], $0x1000  }
0x3b: {  	[sflag:s19] =	ssyncset.done $0x0  }
0x3c: {  	s21 =	simm.s32 $0x70;
	s22 =	simm.s32 $0x3C0;
	[sflag:s19] =	ssyncadd.s32 $0xFFFFF000  }
.LBB2_4:
0x3d: {  	p0 =	sne.s32 s22, $0xF9C0;
	[tilespmem:s21+$0x1400] =	vst v1  }
0x3e: {  	[tilespmem:s21+$0x1390] =	vst v1  }
0x3f: {  	[tilespmem:s21+$0x13A0] =	vst v1  }
.Ltmp1:
0x40: {  	[tilespmem:s21+$0x13B0] =	vst v1;
	(pc) =	sbr.rel @p0 .LBB2_4-.Ltmp1, $4  }
0x41: {  	[tilespmem:s21+$0x13C0] =	vst v1  }
0x42: {  	[tilespmem:s21+$0x13D0] =	vst v1  }
0x43: {  	[tilespmem:s21+$0x13E0] =	vst v1  }
0x44: {  	[tilespmem:s21+$0x13F0] =	vst v1;
	s21 =	sshra.s32 s22, $0x2;
	s22 =	sadd.s32 $0x200, s22  }
0x45: {  	[tilespmem:s21+$0x1400] =	vst v1  }
0x46: {  	[tilespmem:s21+$0x1390] =	vst v1  }
0x47: {  	[tilespmem:s21+$0x13A0] =	vst v1  }
0x48: {  	[tilespmem:s21+$0x13B0] =	vst v1  }
0x49: {  	[tilespmem:s21+$0x13C0] =	vst v1  }
0x4a: {  	[tilespmem:s21+$0x13D0] =	vst v1  }
0x4b: {  	[tilespmem:s21+$0x13E0] =	vst v1  }
0x4c: {  	[tilespmem:s21+$0x13F0] =	vst v1  }
0x4d: {  	s30 =	simm.s32 $0x0;
	[bflag:$0x0] =	sbarrier.arrive $0xFFFF  }
0x4e: {  	[tilespmem:s30], [sflag:$0x1] =	stream.linear.gather [hbm4b:s10+s30], $0x1400, $0x38;
	[tilespmem:$0x19000] =	vst v63  }
0x4f: {  	_ =	swait.ge [sflag:s19], $0x1400  }
0x50: {  	[sflag:s19] =	ssyncset.done $0x0  }
0x51: {  	s31 =	simm.s32 $0x0;
	[sflag:s19] =	ssyncadd.s32 $0xFFFFEC00  }
0x52: {  	[spmem:s2] =	stream.indirect.scatter.add.f32 [tilespmem:s18], [sflag:$0x1], $0x80, s31, s20, $0xb8;
	[tilespmem:$0x19000] =	vst v63  }
0x53: {  	_ =	swait.ge [sflag:s19], $0x3E80  }
0x54: {  	s21 =	simm.s32 $0x200;
	[sflag:s19] =	ssyncset.done $0x0  }
.LBB2_6:
0x55: {  	s22 =	sshra.s32 s21, $0x2;
	[sflag:s19] =	ssyncadd.s32 $0xFFFFC180;
	p0 =	sne.s32 s21, $0x4E00  }
0x56: {  	[spmem:s2] =	stream.indirect.scatter.add.f32 [tilespmem:s18], [sflag:$0x1], $0x80, s22, s20, $0xb8;
	[tilespmem:$0x19000] =	vst v63  }
.Ltmp2:
0x57: {  	_ = 	snop;
	(pc) =	sbr.rel @p0 .LBB2_6-.Ltmp2, $4  }
0x58: {  	_ = 	snop  }
0x59: {  	s21 =	sadd.s32 $0x200, s21  }
0x5a: {  	_ =	swait.ge [sflag:s19], $0x3E80  }
0x5b: {  	[sflag:s19] =	ssyncset.done $0x0  }
0x5c: {  	[sflag:s19] =	ssyncadd.s32 $0xFFFFC180;
	s21 =	sshll.u32 s0, $0x6  }
0x5d: {  	s22 =	sshrl.u32 s4, $0x3;
	[bflag:$0x0] =	sbarrier.arrive $0xFFFF;
	s21 =	sor.u32 $0x1C01, s21  }
0x5e: {  	[hbm:s11], [sflag:s21] =	dma.local [spmem:s22], $0x780  }
0x5f: {  	_ =	swait.ge [sflag:s19], $0x780  }
0x60: {  	[sflag:s19] =	ssyncset.done $0x0  }
0x61: {  	s26 =	sshrl.u32 s5, $0x3;
	[sflag:s19] =	ssyncadd.s32 $0xFFFFF880  }
0x62: {  	[hbm:s12], [sflag:s21] =	dma.local [spmem:s26], $0x780  }
0x63: {  	_ =	swait.ge [sflag:s19], $0x780  }
0x64: {  	[sflag:s19] =	ssyncset.done $0x0  }
0x65: {  	s28 =	sshrl.u32 s6, $0x3;
	[sflag:s19] =	ssyncadd.s32 $0xFFFFF880  }
0x66: {  	[hbm:s13], [sflag:s21] =	dma.local [spmem:s28], $0x780  }
0x67: {  	_ =	swait.ge [sflag:s19], $0x780  }
0x68: {  	[sflag:s19] =	ssyncset.done $0x0  }
0x69: {  	s29 =	sshrl.u32 s7, $0x3;
	[sflag:s19] =	ssyncadd.s32 $0xFFFFF880  }
0x6a: {  	[hbm:s14], [sflag:s21] =	dma.local [spmem:s29], $0x780  }
0x6b: {  	_ =	swait.ge [sflag:s19], $0x780  }
0x6c: {  	[sflag:s19] =	ssyncset.done $0x0  }
0x6d: {  	s30 =	sshrl.u32 s8, $0x3;
	[sflag:s19] =	ssyncadd.s32 $0xFFFFF880  }
0x6e: {  	[hbm:s15], [sflag:s21] =	dma.local [spmem:s30], $0x780  }
0x6f: {  	s3 =	sadd.s32 $0x1, s3;
	_ =	swait.ge [sflag:s19], $0x780  }
0x70: {  	p0 =	sne.s32 s3, s17;
	[sflag:s19] =	ssyncset.done $0x0  }
.Ltmp3:
0x71: {  	s31 =	sshrl.u32 s9, $0x3;
	[sflag:s19] =	ssyncadd.s32 $0xFFFFF880;
	(pc) =	sbr.rel @p0 .LBB2_1-.Ltmp3, $4  }
0x72: {  	[hbm:s16], [sflag:s21] =	dma.local [spmem:s31], $0x200  }
0x73: {  	_ =	swait.ge [sflag:s19], $0x200  }
0x74: {  	[sflag:s19] =	ssyncset.done $0x0  }
0x75: {  	[sflag:s19] =	ssyncadd.s32 $0xFFFFFE00  }
0x76: {  	_ =	sfence.sel $0x180000  }
0x77: {  	[bflag:$0x0] =	sbarrier.arrive $0xFFFF  }
0x78: {  	p0 =	sne.s32 s0, $0x0;
	_ =	strace $0x90000047  }
0x79: {  	s0 =	sadd.s32 @!p0 $0x100000, s1;
	[bflag:$0x2] =	sbarrier.arrive $0xFFFF  }
0x7a: {  	[sflag:s0] =	ssyncadd.tile.s32 @!p0 $0x1;
	_ =	shalt  }
.Lfunc_end2:
_tile_overlayer_lowered:
.L_overlay_start_2:
0x7b: {  	(tag) =	ssettag $0x2  }
0x7c: {  	s0 =	rddreg [dreg:$0x0];
	s2 =	stileid.u32  }
0x7d: {  	s1 =	rddreg [dreg:$0x1];
	p0 =	sne.s32 s2, $0x0  }
0x7e: {  	s3 =	rddreg [dreg:$0x2];
	[bflag:$0x3] =	sbarrier.arrive $0xFFFF;
	s2 =	simm.s32 @!p0 $0x1C01  }
0x7f: {  	[timem:s3], [sflag:s2] =	dma.local @!p0 [hbm:s0], s1  }
0x80: {  	s0 =	simm.s32 @!p0 $0x1  }
0x81: {  	_ =	swait.ge @!p0 [sflag:s0], s1  }
0x82: {  	s1 =	ssub.s32 @!p0 $0x0, s1;
	[sflag:s0] =	ssyncset.done @!p0 $0x0  }
0x83: {  	[sflag:s0] =	ssyncadd.s32 @!p0 s1  }
0x84: {  	[bflag:$0x3] =	sbarrier.arrive $0xFFFF  }
0x85: {  	_ =	shalt  }

</sc_bundles>
